<compile_context>
chip_gen: v7x
topology: tpu7x:2x2x1
jax: 0.10.2.dev20260603
libtpu: 0.0.44.dev20260713+nightly
codegen_flags: <defaults>
</compile_context>

<pallas_src>
import functools

import jax
import jax.numpy as jnp
from jax import lax
from jax.experimental import pallas as pl
from jax.experimental.pallas import tpu as pltpu
from jax.experimental.pallas import tpu_sc as plsc

_K = 128
_NB = 16
_NSUB = 16
_BLK = 1000


def _sc_call(tbl, perm, esrc, edst, zeros, N, D, NPAD, NACC, CHUNKS):
    PCH_PER_TILE = NPAD // (_NSUB * _K)
    ZROWS = NACC // _NSUB
    WROWS = NACC // _NSUB
    mesh = plsc.VectorSubcoreMesh(core_axis_name="c", subcore_axis_name="s")

    @functools.partial(
        pl.kernel,
        out_type=(
            jax.ShapeDtypeStruct((2, NACC, D), jnp.float32),
            jax.ShapeDtypeStruct((2, NACC, D), jnp.float32),
            jax.ShapeDtypeStruct((2, NPAD, D), jnp.float32),
        ),
        mesh=mesh,
        scratch_types=[
            pltpu.VMEM((_NB, _K), jnp.int32),
            pltpu.VMEM((_NB, _K), jnp.int32),
            pltpu.VMEM((PCH_PER_TILE * _K,), jnp.int32),
            pltpu.VMEM((_K, D), jnp.float32),
            pltpu.VMEM((_K, D), jnp.float32),
            pltpu.VMEM_SHARED((NACC, D), jnp.float32),
            pltpu.SemaphoreType.DMA,
            pltpu.SemaphoreType.DMA,
        ],
    )
    def sc_fn(tbl_ref, perm_ref, esrc_ref, edst_ref, zeros_ref,
              s1_ref, s2_ref, x2_ref, isrc, idst, iprm,
              rows_a, rows_b, acc, sem_a, sem_b):
        rows, sem = rows_a, sem_a
        c = lax.axis_index("c")
        s = lax.axis_index("s")

        pltpu.sync_copy(zeros_ref.at[pl.ds(s * ZROWS, ZROWS)],
                        acc.at[pl.ds(s * ZROWS, ZROWS)])

        pltpu.sync_copy(
            perm_ref.at[pl.ds(c * NPAD + s * (PCH_PER_TILE * _K),
                              PCH_PER_TILE * _K)], iprm)

        def x2_body(j, carry):
            pltpu.async_copy(tbl_ref.at[c].at[iprm.at[pl.ds(j * _K, _K)]],
                             rows, sem).wait()
            row = s * PCH_PER_TILE + j
            pltpu.sync_copy(rows, x2_ref.at[c].at[pl.ds(row * _K, _K)])
            return carry

        lax.fori_loop(0, PCH_PER_TILE, x2_body, 0)
        plsc.subcore_barrier()

        def edge_pass(table_ref, out_ref):
            def wait_g(buf, sm):
                pltpu.make_async_copy(table_ref.at[isrc.at[0]], buf,
                                      sm).wait()

            def body(jj, carry):
                j0 = 2 * jj
                wait_g(rows_a, sem_a)
                pltpu.sync_copy(rows_a, acc.at[idst.at[j0]], add=True)
                pltpu.async_copy(table_ref.at[isrc.at[j0 + 2]], rows_a, sem_a)
                wait_g(rows_b, sem_b)
                pltpu.sync_copy(rows_b, acc.at[idst.at[j0 + 1]], add=True)
                pltpu.async_copy(table_ref.at[isrc.at[j0 + 3]], rows_b, sem_b)
                return carry

            def batch(b, carry):
                base = s * CHUNKS + b * _NB
                pltpu.sync_copy(esrc_ref.at[c].at[pl.ds(base, _NB)], isrc)
                pltpu.sync_copy(edst_ref.at[c].at[pl.ds(base, _NB)], idst)
                pltpu.async_copy(table_ref.at[isrc.at[0]], rows_a, sem_a)
                pltpu.async_copy(table_ref.at[isrc.at[1]], rows_b, sem_b)
                lax.fori_loop(0, _NB // 2 - 1, body, 0)
                wait_g(rows_a, sem_a)
                pltpu.sync_copy(rows_a, acc.at[idst.at[_NB - 2]], add=True)
                wait_g(rows_b, sem_b)
                pltpu.sync_copy(rows_b, acc.at[idst.at[_NB - 1]], add=True)
                return carry

            lax.fori_loop(0, CHUNKS // _NB, batch, 0)
            plsc.subcore_barrier()
            pltpu.sync_copy(acc.at[pl.ds(s * WROWS, WROWS)],
                            out_ref.at[c].at[pl.ds(s * WROWS, WROWS)])

        edge_pass(tbl_ref.at[c], s1_ref)
        plsc.subcore_barrier()
        pltpu.sync_copy(zeros_ref.at[pl.ds(s * ZROWS, ZROWS)],
                        acc.at[pl.ds(s * ZROWS, ZROWS)])
        plsc.subcore_barrier()
        edge_pass(x2_ref.at[c], s2_ref)

    return sc_fn(tbl, perm, esrc, edst, zeros)


def _tc_hidden(x_user, x_item, S1, S2, X2, p_u, p_i, Wsu, Wsi, Wiu, Wui, N, D):
    G = N // _BLK

    def body(xu, xi, s1u, s1i, s2u, s2i, x2i, x2u, pu, pi,
             wsu, wsi, wiu, wui, h1u_o, h2u_o, h1i_o, h2i_o, cs_o, acc):
        i = pl.program_id(0)
        pu_r = pu[...]
        pi_r = pi[...]

        def dot(a, w):
            return jnp.dot(a, w[...], preferred_element_type=jnp.float32)

        h1u = jnp.maximum(dot(xu[...] * pu_r, wsu) + dot(s1u[0] * pi_r, wiu), 0.0)
        h2u = jnp.maximum(dot(x2u[0] * pu_r, wsu) + dot(s2u[0] * pi_r, wiu), 0.0)
        h1i = jnp.maximum(dot(xi[...] * pi_r, wsi) + dot(s1i[0] * pu_r, wui), 0.0)
        h2i = jnp.maximum(dot(x2i[0] * pi_r, wsi) + dot(s2i[0] * pu_r, wui), 0.0)
        h1u_o[...] = h1u
        h2u_o[...] = h2u
        h1i_o[...] = h1i
        h2i_o[...] = h2i

        @pl.when(i == 0)
        def _():
            acc[...] = jnp.zeros_like(acc)
        acc[0:1, :] += jnp.sum(h1u, axis=0, keepdims=True)
        acc[1:2, :] += jnp.sum(h1i, axis=0, keepdims=True)

        @pl.when(i == G - 1)
        def _():
            cs_o[...] = acc[...]

    full = lambda i: (0, 0)
    stk = lambda k: pl.BlockSpec((1, _BLK, D), lambda i, k=k: (k, i, 0))
    blk = pl.BlockSpec((_BLK, D), lambda i: (i, 0))
    return pl.pallas_call(
        body,
        grid=(G,),
        in_specs=[
            blk, blk,
            stk(0), stk(1), stk(0), stk(1), stk(0), stk(1),
            pl.BlockSpec((1, D), full), pl.BlockSpec((1, D), full),
            pl.BlockSpec((D, D), full), pl.BlockSpec((D, D), full),
            pl.BlockSpec((D, D), full), pl.BlockSpec((D, D), full),
        ],
        out_specs=[blk, blk, blk, blk, pl.BlockSpec((2, D), full)],
        out_shape=[
            jax.ShapeDtypeStruct((N, D), jnp.float32),
            jax.ShapeDtypeStruct((N, D), jnp.float32),
            jax.ShapeDtypeStruct((N, D), jnp.float32),
            jax.ShapeDtypeStruct((N, D), jnp.float32),
            jax.ShapeDtypeStruct((2, D), jnp.float32),
        ],
        scratch_shapes=[pltpu.VMEM((2, D), jnp.float32)],
    )(x_user, x_item, S1, S1, S2, S2, X2, X2, p_u, p_i, Wsu, Wsi, Wiu, Wui)


def _tc_logits(h1u, h2u, h1i, h2i, colsums, M, N, D):
    G = N // _BLK

    def body(h1u_r, h2u_r, h1i_r, h2i_r, cs, m, o1u, o2u, o1i, o2i, gv):
        i = pl.program_id(0)

        @pl.when(i == 0)
        def _():
            cvec = jax.nn.sigmoid(cs[...] * (1.0 / N))
            mm = m[...]
            gu = jnp.sum(mm * cvec[0:1, :], axis=1, keepdims=True)
            gi = jnp.sum(mm * cvec[1:2, :], axis=1, keepdims=True)
            gv[...] = jnp.concatenate([gu, gi], axis=1)

        gu = gv[:, 0:1]
        gi = gv[:, 1:2]

        def dot(h, g):
            return jnp.dot(h[...], g, preferred_element_type=jnp.float32)

        o1u[...] = dot(h1u_r, gu)
        o2u[...] = dot(h2u_r, gu)
        o1i[...] = dot(h1i_r, gi)
        o2i[...] = dot(h2i_r, gi)

    full = lambda i: (0, 0)
    blk = pl.BlockSpec((_BLK, D), lambda i: (i, 0))
    obk = pl.BlockSpec((_BLK, 1), lambda i: (i, 0))
    oshape = jax.ShapeDtypeStruct((N, 1), jnp.float32)
    return pl.pallas_call(
        body,
        grid=(G,),
        in_specs=[blk, blk, blk, blk,
                  pl.BlockSpec((2, D), full), pl.BlockSpec((D, D), full)],
        out_specs=[obk, obk, obk, obk],
        out_shape=[oshape, oshape, oshape, oshape],
        scratch_shapes=[pltpu.VMEM((D, 2), jnp.float32)],
    )(h1u, h2u, h1i, h2i, colsums, M)


def kernel(x_user, x_item, edge_index_ui, edge_index_iu, perm_user, perm_item,
           prompt_user, prompt_item, W_self_user, W_self_item, W_ui, W_iu,
           M_disc):
    N, D = x_user.shape
    E = edge_index_ui.shape[1]
    CHUNKS = (-(-E // (_NSUB * _K)) + _NB - 1) // _NB * _NB
    EPAD = CHUNKS * _NSUB * _K
    PCH = -(-N // (_NSUB * _K)) * _NSUB
    NPAD = PCH * _K
    NACC = NPAD

    def pad_edges(e):
        src = jnp.concatenate([e[0], jnp.zeros((EPAD - E,), jnp.int32)])
        dst = jnp.concatenate([e[1], jnp.full((EPAD - E,), N, jnp.int32)])
        return (src.reshape(_NSUB * CHUNKS, _K),
                dst.reshape(_NSUB * CHUNKS, _K))

    src_iu, dst_iu = pad_edges(edge_index_iu)
    src_ui, dst_ui = pad_edges(edge_index_ui)
    esrc = jnp.stack([src_iu, src_ui])
    edst = jnp.stack([dst_iu, dst_ui])
    perm = jnp.concatenate([
        perm_item, jnp.zeros((NPAD - N,), jnp.int32),
        perm_user, jnp.zeros((NPAD - N,), jnp.int32),
    ])
    tbl = jnp.stack([x_item, x_user])
    zeros = jnp.zeros((NACC, D), jnp.float32)

    S1, S2, X2 = _sc_call(tbl, perm, esrc, edst, zeros, N, D, NPAD, NACC, CHUNKS)

    h1u, h2u, h1i, h2i, colsums = _tc_hidden(
        x_user, x_item, S1, S2, X2, prompt_user, prompt_item,
        W_self_user, W_self_item, W_iu, W_ui, N, D)

    o1u, o2u, o1i, o2i = _tc_logits(h1u, h2u, h1i, h2i, colsums, M_disc, N, D)

    return jnp.concatenate([o1u.reshape(-1), o2u.reshape(-1),
                            o1i.reshape(-1), o2i.reshape(-1)])

# --- scband reference (transcript-rebuilt; emitter-appended) ---
"""Pipeline reference for scband-dgi-heterprompt-11716670783789 (READ-ONLY COPY).

The authoritative reference and input builder live on the scoring server;
editing this copy changes nothing except your own understanding.
"""

import jax, jax.numpy as jnp
import numpy as np

N = 10000
D = 128
E = 320000

def _glorot(key, shape):
    fan_in, fan_out = shape[0], shape[1]
    bound = float(np.sqrt(6.0 / (fan_in + fan_out)))
    return jax.random.uniform(key, shape, dtype=jnp.float32, minval=-bound, maxval=bound)

def setup_inputs(seed: int = 0):
    key = jax.random.key(seed)
    ks = jax.random.split(key, 13)
    inp = {}
    inp["x_user"] = jax.random.normal(ks[0], (N, D), dtype=jnp.float32)
    inp["x_item"] = jax.random.normal(ks[1], (N, D), dtype=jnp.float32)
    inp["edge_index_ui"] = jax.random.randint(ks[2], (2, E), 0, N, dtype=jnp.int32)
    inp["edge_index_iu"] = jax.random.randint(ks[3], (2, E), 0, N, dtype=jnp.int32)
    inp["perm_user"] = jax.random.randint(ks[4], (N,), 0, N, dtype=jnp.int32)
    inp["perm_item"] = jax.random.randint(ks[5], (N,), 0, N, dtype=jnp.int32)
    # learned parameters: per-ntype prompt vectors (xavier_uniform as in torch init),
    # RGCN relation + self-loop weights, and bilinear discriminator weight
    inp["prompt_user"] = _glorot(ks[6], (1, D))
    inp["prompt_item"] = _glorot(ks[7], (1, D))
    inp["W_self_user"] = _glorot(ks[8], (D, D))
    inp["W_self_item"] = _glorot(ks[9], (D, D))
    inp["W_ui"] = _glorot(ks[10], (D, D))
    inp["W_iu"] = _glorot(ks[11], (D, D))
    inp["M_disc"] = _glorot(ks[12], (D, D))
    return inp

def reference(x_user, x_item, edge_index_ui, edge_index_iu, perm_user, perm_item, prompt_user, prompt_item, W_self_user, W_self_item, W_ui, W_iu, M_disc):
    # Heterogeneous RGCN layer (the `rgcn` callable in the torch forward):
    # per-relation message = gather(src feats) @ W_rel, scatter-add to dst, plus self-loop, ReLU.
    def rgcn(xu, xi):
        msg_u = jax.ops.segment_sum(jnp.take(xi, edge_index_iu[0], axis=0) @ W_iu, edge_index_iu[1], num_segments=N)
        hu = jax.nn.relu(xu @ W_self_user + msg_u)
        msg_i = jax.ops.segment_sum(jnp.take(xu, edge_index_ui[0], axis=0) @ W_ui, edge_index_ui[1], num_segments=N)
        hi = jax.nn.relu(xi @ W_self_item + msg_i)
        return hu, hi

    # positive branch: prompt-scaled input features
    x1u = x_user * prompt_user
    x1i = x_item * prompt_item
    h1u, h1i = rgcn(x1u, x1i)

    # AvgReadout + sigmoid per ntype
    cu = jax.nn.sigmoid(jnp.mean(h1u, axis=0))
    ci = jax.nn.sigmoid(jnp.mean(h1i, axis=0))

    # corrupted branch: row-permuted features (torch.randperm), then prompt scaling
    x2u = jnp.take(x_user, perm_user, axis=0) * prompt_user
    x2i = jnp.take(x_item, perm_item, axis=0) * prompt_item
    h2u, h2i = rgcn(x2u, x2i)

    # HeteroDiscriminator: bilinear score between summary c and node embeddings,
    # positive scores (h1) concatenated with negative scores (h2)
    logits_u = jnp.concatenate([h1u @ (M_disc @ cu), h2u @ (M_disc @ cu)])
    logits_i = jnp.concatenate([h1i @ (M_disc @ ci), h2i @ (M_disc @ ci)])
    return jnp.concatenate([logits_u, logits_i])

if __name__ == "__main__":
    import jax
    _d = setup_inputs()
    print(jax.jit(kernel)(*tuple(_d.values())))

</pallas_src>

<mosaic_0001>
#map = affine_map<(d0, d1) -> (0, 0, 0)>
#map1 = affine_map<(d0, d1) -> (0)>
#map2 = affine_map<(d0, d1) -> (0, 0)>
module attributes {stable_mosaic.version = 14 : i64} {
  func.func @sc_fn(%arg0: i32, %arg1: i32, %arg2: memref<2x10000x128xf32, #tpu.memory_space<hbm>>, %arg3: memref<20480xi32, #tpu.memory_space<hbm>>, %arg4: memref<2x2560x128xi32, #tpu.memory_space<hbm>>, %arg5: memref<2x2560x128xi32, #tpu.memory_space<hbm>>, %arg6: memref<10240x128xf32, #tpu.memory_space<hbm>>, %arg7: memref<2x10240x128xf32, #tpu.memory_space<hbm>>, %arg8: memref<2x10240x128xf32, #tpu.memory_space<hbm>>, %arg9: memref<2x10240x128xf32, #tpu.memory_space<hbm>>, %arg10: memref<16x128xi32, #tpu.memory_space<vmem>>, %arg11: memref<16x128xi32, #tpu.memory_space<vmem>>, %arg12: memref<640xi32, #tpu.memory_space<vmem>>, %arg13: memref<128x128xf32, #tpu.memory_space<vmem>>, %arg14: memref<128x128xf32, #tpu.memory_space<vmem>>, %arg15: memref<10240x128xf32, #tpu.memory_space<vmem_shared>>, %arg16: memref<!tpu.dma_semaphore, #tpu.memory_space<semaphore_mem>>, %arg17: memref<!tpu.dma_semaphore, #tpu.memory_space<semaphore_mem>>) attributes {dimension_semantics = [#tpu.dimension_semantics<core_parallel>, #tpu.dimension_semantics<subcore_parallel>], iteration_bounds = array<i64: 2, 16>, scalar_prefetch = 0 : i64, scratch_operands = 8 : i64, tpu.core_type = #tpu.core_type<sc_vector_subcore>, window_params = [{transform_indices = #map}, {transform_indices = #map1}, {transform_indices = #map}, {transform_indices = #map}, {transform_indices = #map2}, {transform_indices = #map}, {transform_indices = #map}, {transform_indices = #map}]} {
    %mul3A = arith.constant 640 : i32
    %mul3A_0 = arith.muli %arg1, %mul3A : i32
    %mul3A_1 = arith.constant 640 : i32
    %mul3A_2 = arith.muli %arg1, %mul3A_1 : i32
    "tpu.region"() ({
      %run_scoped3A = tpu.sem_alloc : memref<!tpu.dma_semaphore, #tpu.memory_space<semaphore_mem>>
      %dma_start3A = arith.constant 0 : i32
      %dma_start3A_40 = tpu.memref_slice %arg15[%mul3A_2, %dma_start3A] : memref<10240x128xf32, #tpu.memory_space<vmem_shared>> -> memref<640x128xf32, #tpu.memory_space<vmem_shared>>
      %dma_start3A_41 = arith.constant 0 : i32
      %dma_start3A_42 = tpu.memref_slice %arg6[%mul3A_0, %dma_start3A_41] : memref<10240x128xf32, #tpu.memory_space<hbm>> -> memref<640x128xf32, #tpu.memory_space<hbm>>
      tpu.enqueue_dma source(%dma_start3A_42 : memref<640x128xf32, #tpu.memory_space<hbm>>) target(%dma_start3A_40 : memref<640x128xf32, #tpu.memory_space<vmem_shared>>) target_semaphore(%run_scoped3A : memref<!tpu.dma_semaphore, #tpu.memory_space<semaphore_mem>>)
      %dma_wait3A = arith.constant 0 : i32
      %dma_wait3A_43 = tpu.memref_slice %arg15[%mul3A_2, %dma_wait3A] : memref<10240x128xf32, #tpu.memory_space<vmem_shared>> -> memref<640x128xf32, #tpu.memory_space<vmem_shared>>
      %dma_wait3A_44 = arith.constant 0 : i32
      %dma_wait3A_45 = tpu.memref_slice %arg6[%mul3A_0, %dma_wait3A_44] : memref<10240x128xf32, #tpu.memory_space<hbm>> -> memref<640x128xf32, #tpu.memory_space<hbm>>
      tpu.wait_dma2 semaphore(%run_scoped3A : memref<!tpu.dma_semaphore, #tpu.memory_space<semaphore_mem>>) src(%dma_wait3A_45 : memref<640x128xf32, #tpu.memory_space<hbm>>) dst(%dma_wait3A_43 : memref<640x128xf32, #tpu.memory_space<vmem_shared>>)
      tpu.yield
    }) : () -> ()
    %mul3A_3 = arith.constant 10240 : i32
    %mul3A_4 = arith.muli %arg0, %mul3A_3 : i32
    %mul3A_5 = arith.constant 640 : i32
    %mul3A_6 = arith.muli %arg1, %mul3A_5 : i32
    %add3A = arith.addi %mul3A_4, %mul3A_6 : i32
    "tpu.region"() ({
      %run_scoped3A = tpu.sem_alloc : memref<!tpu.dma_semaphore, #tpu.memory_space<semaphore_mem>>
      %dma_start3A = tpu.memref_slice %arg3[%add3A] : memref<20480xi32, #tpu.memory_space<hbm>> -> memref<640xi32, #tpu.memory_space<hbm>>
      %dma_start3A_40 = tpu.memref_slice %arg3[%add3A] : memref<20480xi32, #tpu.memory_space<hbm>> -> memref<640xi32, #tpu.memory_space<hbm>>
      tpu.enqueue_dma source(%dma_start3A_40 : memref<640xi32, #tpu.memory_space<hbm>>) target(%arg12 : memref<640xi32, #tpu.memory_space<vmem>>) target_semaphore(%run_scoped3A : memref<!tpu.dma_semaphore, #tpu.memory_space<semaphore_mem>>)
      %dma_wait3A = tpu.memref_slice %arg3[%add3A] : memref<20480xi32, #tpu.memory_space<hbm>> -> memref<640xi32, #tpu.memory_space<hbm>>
      %dma_wait3A_41 = tpu.memref_slice %arg3[%add3A] : memref<20480xi32, #tpu.memory_space<hbm>> -> memref<640xi32, #tpu.memory_space<hbm>>
      tpu.wait_dma2 semaphore(%run_scoped3A : memref<!tpu.dma_semaphore, #tpu.memory_space<semaphore_mem>>) src(%dma_wait3A_41 : memref<640xi32, #tpu.memory_space<hbm>>) dst(%arg12 : memref<640xi32, #tpu.memory_space<vmem>>)
      tpu.yield
    }) : () -> ()
    %scan3A = arith.constant 0 : i32
    %scan3A_7 = arith.constant 0 : i32
    %scan3A_8 = arith.constant 5 : i32
    %scan3A_9 = arith.addi %scan3A_7, %scan3A_8 : i32
    %scan3A_10 = arith.constant 1 : i32
    scf.for %scan3A_40 = %scan3A_7 to %scan3A_9 step %scan3A_10  : i32 {
      %mul3A_41 = arith.constant 128 : i32
      %mul3A_42 = arith.muli %scan3A_40, %mul3A_41 : i32
      %dma_start3A = tpu.memref_slice %arg12[%mul3A_42] : memref<640xi32, #tpu.memory_space<vmem>> -> memref<128xi32, #tpu.memory_space<vmem>>
      %dma_start3A_43 = arith.constant 0 : i32
      %dma_start3A_44 = arith.constant 0 : i32
      %dma_start3A_45 = tpu.memref_slice %arg2[%arg0, %dma_start3A_43, %dma_start3A_44] : memref<2x10000x128xf32, #tpu.memory_space<hbm>> -> memref<1x10000x128xf32, #tpu.memory_space<hbm>>
      %dma_start3A_46 = tpu.memref_squeeze %dma_start3A_45 : memref<1x10000x128xf32, #tpu.memory_space<hbm>> -> memref<10000x128xf32, #tpu.memory_space<hbm>>
      %dma_start3A_47 = arith.constant 0 : i32
      %dma_start3A_48 = arith.constant 0 : i32
      %dma_start3A_49 = tpu.memref_slice %dma_start3A_46[%dma_start3A_47, %dma_start3A_48] : memref<10000x128xf32, #tpu.memory_space<hbm>> -> memref<10000x128xf32, #tpu.memory_space<hbm>>
      tpu.enqueue_indirect_dma source(%dma_start3A_49 : memref<10000x128xf32, #tpu.memory_space<hbm>>) target(%arg13 : memref<128x128xf32, #tpu.memory_space<vmem>>) offsets(%dma_start3A : memref<128xi32, #tpu.memory_space<vmem>>) semaphore(%arg16 : memref<!tpu.dma_semaphore, #tpu.memory_space<semaphore_mem>>)
      %dma_wait3A = tpu.memref_slice %arg12[%mul3A_42] : memref<640xi32, #tpu.memory_space<vmem>> -> memref<128xi32, #tpu.memory_space<vmem>>
      %dma_wait3A_50 = arith.constant 0 : i32
      %dma_wait3A_51 = arith.constant 0 : i32
      %dma_wait3A_52 = tpu.memref_slice %arg2[%arg0, %dma_wait3A_50, %dma_wait3A_51] : memref<2x10000x128xf32, #tpu.memory_space<hbm>> -> memref<1x10000x128xf32, #tpu.memory_space<hbm>>
      %dma_wait3A_53 = tpu.memref_squeeze %dma_wait3A_52 : memref<1x10000x128xf32, #tpu.memory_space<hbm>> -> memref<10000x128xf32, #tpu.memory_space<hbm>>
      %dma_wait3A_54 = arith.constant 0 : i32
      %dma_wait3A_55 = arith.constant 0 : i32
      %dma_wait3A_56 = tpu.memref_slice %dma_wait3A_53[%dma_wait3A_54, %dma_wait3A_55] : memref<10000x128xf32, #tpu.memory_space<hbm>> -> memref<10000x128xf32, #tpu.memory_space<hbm>>
      tpu.wait_indirect_dma semaphore(%arg16 : memref<!tpu.dma_semaphore, #tpu.memory_space<semaphore_mem>>) src(%dma_wait3A_56 : memref<10000x128xf32, #tpu.memory_space<hbm>>) dst(%arg13 : memref<128x128xf32, #tpu.memory_space<vmem>>)
      %mul3A_57 = arith.constant 5 : i32
      %mul3A_58 = arith.muli %arg1, %mul3A_57 : i32
      %add3A_59 = arith.addi %mul3A_58, %scan3A_40 : i32
      %mul3A_60 = arith.constant 128 : i32
      %mul3A_61 = arith.muli %add3A_59, %mul3A_60 : i32
      "tpu.region"() ({
        %run_scoped3A = tpu.sem_alloc : memref<!tpu.dma_semaphore, #tpu.memory_space<semaphore_mem>>
        %dma_start3A_62 = arith.constant 0 : i32
        %dma_start3A_63 = arith.constant 0 : i32
        %dma_start3A_64 = tpu.memref_slice %arg9[%arg0, %dma_start3A_62, %dma_start3A_63] : memref<2x10240x128xf32, #tpu.memory_space<hbm>> -> memref<1x10240x128xf32, #tpu.memory_space<hbm>>
        %dma_start3A_65 = tpu.memref_squeeze %dma_start3A_64 : memref<1x10240x128xf32, #tpu.memory_space<hbm>> -> memref<10240x128xf32, #tpu.memory_space<hbm>>
        %dma_start3A_66 = arith.constant 0 : i32
        %dma_start3A_67 = tpu.memref_slice %dma_start3A_65[%mul3A_61, %dma_start3A_66] : memref<10240x128xf32, #tpu.memory_space<hbm>> -> memref<128x128xf32, #tpu.memory_space<hbm>>
        %dma_start3A_68 = arith.constant 0 : i32
        %dma_start3A_69 = arith.constant 0 : i32
        %dma_start3A_70 = tpu.memref_slice %arg9[%arg0, %dma_start3A_68, %dma_start3A_69] : memref<2x10240x128xf32, #tpu.memory_space<hbm>> -> memref<1x10240x128xf32, #tpu.memory_space<hbm>>
        %dma_start3A_71 = tpu.memref_squeeze %dma_start3A_70 : memref<1x10240x128xf32, #tpu.memory_space<hbm>> -> memref<10240x128xf32, #tpu.memory_space<hbm>>
        %dma_start3A_72 = arith.constant 0 : i32
        %dma_start3A_73 = tpu.memref_slice %dma_start3A_71[%mul3A_61, %dma_start3A_72] : memref<10240x128xf32, #tpu.memory_space<hbm>> -> memref<128x128xf32, #tpu.memory_space<hbm>>
        tpu.enqueue_dma source(%arg13 : memref<128x128xf32, #tpu.memory_space<vmem>>) target(%dma_start3A_73 : memref<128x128xf32, #tpu.memory_space<hbm>>) target_semaphore(%run_scoped3A : memref<!tpu.dma_semaphore, #tpu.memory_space<semaphore_mem>>)
        %dma_wait3A_74 = arith.constant 0 : i32
        %dma_wait3A_75 = arith.constant 0 : i32
        %dma_wait3A_76 = tpu.memref_slice %arg9[%arg0, %dma_wait3A_74, %dma_wait3A_75] : memref<2x10240x128xf32, #tpu.memory_space<hbm>> -> memref<1x10240x128xf32, #tpu.memory_space<hbm>>
        %dma_wait3A_77 = tpu.memref_squeeze %dma_wait3A_76 : memref<1x10240x128xf32, #tpu.memory_space<hbm>> -> memref<10240x128xf32, #tpu.memory_space<hbm>>
        %dma_wait3A_78 = arith.constant 0 : i32
        %dma_wait3A_79 = tpu.memref_slice %dma_wait3A_77[%mul3A_61, %dma_wait3A_78] : memref<10240x128xf32, #tpu.memory_space<hbm>> -> memref<128x128xf32, #tpu.memory_space<hbm>>
        %dma_wait3A_80 = arith.constant 0 : i32
        %dma_wait3A_81 = arith.constant 0 : i32
        %dma_wait3A_82 = tpu.memref_slice %arg9[%arg0, %dma_wait3A_80, %dma_wait3A_81] : memref<2x10240x128xf32, #tpu.memory_space<hbm>> -> memref<1x10240x128xf32, #tpu.memory_space<hbm>>
        %dma_wait3A_83 = tpu.memref_squeeze %dma_wait3A_82 : memref<1x10240x128xf32, #tpu.memory_space<hbm>> -> memref<10240x128xf32, #tpu.memory_space<hbm>>
        %dma_wait3A_84 = arith.constant 0 : i32
        %dma_wait3A_85 = tpu.memref_slice %dma_wait3A_83[%mul3A_61, %dma_wait3A_84] : memref<10240x128xf32, #tpu.memory_space<hbm>> -> memref<128x128xf32, #tpu.memory_space<hbm>>
        tpu.wait_dma2 semaphore(%run_scoped3A : memref<!tpu.dma_semaphore, #tpu.memory_space<semaphore_mem>>) src(%arg13 : memref<128x128xf32, #tpu.memory_space<vmem>>) dst(%dma_wait3A_85 : memref<128x128xf32, #tpu.memory_space<hbm>>)
        tpu.yield
      }) : () -> ()
    }
    %scan3A_11 = arith.constant 5 : i32
    %barrier3A = arith.constant 0 : index
    tpu.barrier barrier_id(%barrier3A)
    %scan3A_12 = arith.constant 0 : i32
    %scan3A_13 = arith.constant 0 : i32
    %scan3A_14 = arith.constant 10 : i32
    %scan3A_15 = arith.addi %scan3A_13, %scan3A_14 : i32
    %scan3A_16 = arith.constant 1 : i32
    scf.for %scan3A_40 = %scan3A_13 to %scan3A_15 step %scan3A_16  : i32 {
      %mul3A_41 = arith.constant 160 : i32
      %mul3A_42 = arith.muli %arg1, %mul3A_41 : i32
      %mul3A_43 = arith.constant 16 : i32
      %mul3A_44 = arith.muli %scan3A_40, %mul3A_43 : i32
      %add3A_45 = arith.addi %mul3A_42, %mul3A_44 : i32
      "tpu.region"() ({
        %run_scoped3A_95 = tpu.sem_alloc : memref<!tpu.dma_semaphore, #tpu.memory_space<semaphore_mem>>
        %dma_start3A_96 = arith.constant 0 : i32
        %dma_start3A_97 = arith.constant 0 : i32
        %dma_start3A_98 = tpu.memref_slice %arg4[%arg0, %dma_start3A_96, %dma_start3A_97] : memref<2x2560x128xi32, #tpu.memory_space<hbm>> -> memref<1x2560x128xi32, #tpu.memory_space<hbm>>
        %dma_start3A_99 = tpu.memref_squeeze %dma_start3A_98 : memref<1x2560x128xi32, #tpu.memory_space<hbm>> -> memref<2560x128xi32, #tpu.memory_space<hbm>>
        %dma_start3A_100 = arith.constant 0 : i32
        %dma_start3A_101 = tpu.memref_slice %dma_start3A_99[%add3A_45, %dma_start3A_100] : memref<2560x128xi32, #tpu.memory_space<hbm>> -> memref<16x128xi32, #tpu.memory_space<hbm>>
        %dma_start3A_102 = arith.constant 0 : i32
        %dma_start3A_103 = arith.constant 0 : i32
        %dma_start3A_104 = tpu.memref_slice %arg4[%arg0, %dma_start3A_102, %dma_start3A_103] : memref<2x2560x128xi32, #tpu.memory_space<hbm>> -> memref<1x2560x128xi32, #tpu.memory_space<hbm>>
        %dma_start3A_105 = tpu.memref_squeeze %dma_start3A_104 : memref<1x2560x128xi32, #tpu.memory_space<hbm>> -> memref<2560x128xi32, #tpu.memory_space<hbm>>
        %dma_start3A_106 = arith.constant 0 : i32
        %dma_start3A_107 = tpu.memref_slice %dma_start3A_105[%add3A_45, %dma_start3A_106] : memref<2560x128xi32, #tpu.memory_space<hbm>> -> memref<16x128xi32, #tpu.memory_space<hbm>>
        tpu.enqueue_dma source(%dma_start3A_107 : memref<16x128xi32, #tpu.memory_space<hbm>>) target(%arg10 : memref<16x128xi32, #tpu.memory_space<vmem>>) target_semaphore(%run_scoped3A_95 : memref<!tpu.dma_semaphore, #tpu.memory_space<semaphore_mem>>)
        %dma_wait3A_108 = arith.constant 0 : i32
        %dma_wait3A_109 = arith.constant 0 : i32
        %dma_wait3A_110 = tpu.memref_slice %arg4[%arg0, %dma_wait3A_108, %dma_wait3A_109] : memref<2x2560x128xi32, #tpu.memory_space<hbm>> -> memref<1x2560x128xi32, #tpu.memory_space<hbm>>
        %dma_wait3A_111 = tpu.memref_squeeze %dma_wait3A_110 : memref<1x2560x128xi32, #tpu.memory_space<hbm>> -> memref<2560x128xi32, #tpu.memory_space<hbm>>
        %dma_wait3A_112 = arith.constant 0 : i32
        %dma_wait3A_113 = tpu.memref_slice %dma_wait3A_111[%add3A_45, %dma_wait3A_112] : memref<2560x128xi32, #tpu.memory_space<hbm>> -> memref<16x128xi32, #tpu.memory_space<hbm>>
        %dma_wait3A_114 = arith.constant 0 : i32
        %dma_wait3A_115 = arith.constant 0 : i32
        %dma_wait3A_116 = tpu.memref_slice %arg4[%arg0, %dma_wait3A_114, %dma_wait3A_115] : memref<2x2560x128xi32, #tpu.memory_space<hbm>> -> memref<1x2560x128xi32, #tpu.memory_space<hbm>>
        %dma_wait3A_117 = tpu.memref_squeeze %dma_wait3A_116 : memref<1x2560x128xi32, #tpu.memory_space<hbm>> -> memref<2560x128xi32, #tpu.memory_space<hbm>>
        %dma_wait3A_118 = arith.constant 0 : i32
        %dma_wait3A_119 = tpu.memref_slice %dma_wait3A_117[%add3A_45, %dma_wait3A_118] : memref<2560x128xi32, #tpu.memory_space<hbm>> -> memref<16x128xi32, #tpu.memory_space<hbm>>
        tpu.wait_dma2 semaphore(%run_scoped3A_95 : memref<!tpu.dma_semaphore, #tpu.memory_space<semaphore_mem>>) src(%dma_wait3A_119 : memref<16x128xi32, #tpu.memory_space<hbm>>) dst(%arg10 : memref<16x128xi32, #tpu.memory_space<vmem>>)
        tpu.yield
      }) : () -> ()
      "tpu.region"() ({
        %run_scoped3A_95 = tpu.sem_alloc : memref<!tpu.dma_semaphore, #tpu.memory_space<semaphore_mem>>
        %dma_start3A_96 = arith.constant 0 : i32
        %dma_start3A_97 = arith.constant 0 : i32
        %dma_start3A_98 = tpu.memref_slice %arg5[%arg0, %dma_start3A_96, %dma_start3A_97] : memref<2x2560x128xi32, #tpu.memory_space<hbm>> -> memref<1x2560x128xi32, #tpu.memory_space<hbm>>
        %dma_start3A_99 = tpu.memref_squeeze %dma_start3A_98 : memref<1x2560x128xi32, #tpu.memory_space<hbm>> -> memref<2560x128xi32, #tpu.memory_space<hbm>>
        %dma_start3A_100 = arith.constant 0 : i32
        %dma_start3A_101 = tpu.memref_slice %dma_start3A_99[%add3A_45, %dma_start3A_100] : memref<2560x128xi32, #tpu.memory_space<hbm>> -> memref<16x128xi32, #tpu.memory_space<hbm>>
        %dma_start3A_102 = arith.constant 0 : i32
        %dma_start3A_103 = arith.constant 0 : i32
        %dma_start3A_104 = tpu.memref_slice %arg5[%arg0, %dma_start3A_102, %dma_start3A_103] : memref<2x2560x128xi32, #tpu.memory_space<hbm>> -> memref<1x2560x128xi32, #tpu.memory_space<hbm>>
        %dma_start3A_105 = tpu.memref_squeeze %dma_start3A_104 : memref<1x2560x128xi32, #tpu.memory_space<hbm>> -> memref<2560x128xi32, #tpu.memory_space<hbm>>
        %dma_start3A_106 = arith.constant 0 : i32
        %dma_start3A_107 = tpu.memref_slice %dma_start3A_105[%add3A_45, %dma_start3A_106] : memref<2560x128xi32, #tpu.memory_space<hbm>> -> memref<16x128xi32, #tpu.memory_space<hbm>>
        tpu.enqueue_dma source(%dma_start3A_107 : memref<16x128xi32, #tpu.memory_space<hbm>>) target(%arg11 : memref<16x128xi32, #tpu.memory_space<vmem>>) target_semaphore(%run_scoped3A_95 : memref<!tpu.dma_semaphore, #tpu.memory_space<semaphore_mem>>)
        %dma_wait3A_108 = arith.constant 0 : i32
        %dma_wait3A_109 = arith.constant 0 : i32
        %dma_wait3A_110 = tpu.memref_slice %arg5[%arg0, %dma_wait3A_108, %dma_wait3A_109] : memref<2x2560x128xi32, #tpu.memory_space<hbm>> -> memref<1x2560x128xi32, #tpu.memory_space<hbm>>
        %dma_wait3A_111 = tpu.memref_squeeze %dma_wait3A_110 : memref<1x2560x128xi32, #tpu.memory_space<hbm>> -> memref<2560x128xi32, #tpu.memory_space<hbm>>
        %dma_wait3A_112 = arith.constant 0 : i32
        %dma_wait3A_113 = tpu.memref_slice %dma_wait3A_111[%add3A_45, %dma_wait3A_112] : memref<2560x128xi32, #tpu.memory_space<hbm>> -> memref<16x128xi32, #tpu.memory_space<hbm>>
        %dma_wait3A_114 = arith.constant 0 : i32
        %dma_wait3A_115 = arith.constant 0 : i32
        %dma_wait3A_116 = tpu.memref_slice %arg5[%arg0, %dma_wait3A_114, %dma_wait3A_115] : memref<2x2560x128xi32, #tpu.memory_space<hbm>> -> memref<1x2560x128xi32, #tpu.memory_space<hbm>>
        %dma_wait3A_117 = tpu.memref_squeeze %dma_wait3A_116 : memref<1x2560x128xi32, #tpu.memory_space<hbm>> -> memref<2560x128xi32, #tpu.memory_space<hbm>>
        %dma_wait3A_118 = arith.constant 0 : i32
        %dma_wait3A_119 = tpu.memref_slice %dma_wait3A_117[%add3A_45, %dma_wait3A_118] : memref<2560x128xi32, #tpu.memory_space<hbm>> -> memref<16x128xi32, #tpu.memory_space<hbm>>
        tpu.wait_dma2 semaphore(%run_scoped3A_95 : memref<!tpu.dma_semaphore, #tpu.memory_space<semaphore_mem>>) src(%dma_wait3A_119 : memref<16x128xi32, #tpu.memory_space<hbm>>) dst(%arg11 : memref<16x128xi32, #tpu.memory_space<vmem>>)
        tpu.yield
      }) : () -> ()
      %dma_start3A = arith.constant 0 : i32
      %dma_start3A_46 = arith.constant 0 : i32
      %dma_start3A_47 = tpu.memref_slice %arg10[%dma_start3A, %dma_start3A_46] : memref<16x128xi32, #tpu.memory_space<vmem>> -> memref<1x128xi32, #tpu.memory_space<vmem>>
      %dma_start3A_48 = tpu.memref_squeeze %dma_start3A_47 : memref<1x128xi32, #tpu.memory_space<vmem>> -> memref<128xi32, #tpu.memory_space<vmem>>
      %dma_start3A_49 = arith.constant 0 : i32
      %dma_start3A_50 = arith.constant 0 : i32
      %dma_start3A_51 = tpu.memref_slice %arg2[%arg0, %dma_start3A_49, %dma_start3A_50] : memref<2x10000x128xf32, #tpu.memory_space<hbm>> -> memref<1x10000x128xf32, #tpu.memory_space<hbm>>
      %dma_start3A_52 = tpu.memref_squeeze %dma_start3A_51 : memref<1x10000x128xf32, #tpu.memory_space<hbm>> -> memref<10000x128xf32, #tpu.memory_space<hbm>>
      %dma_start3A_53 = arith.constant 0 : i32
      %dma_start3A_54 = arith.constant 0 : i32
      %dma_start3A_55 = tpu.memref_slice %dma_start3A_52[%dma_start3A_53, %dma_start3A_54] : memref<10000x128xf32, #tpu.memory_space<hbm>> -> memref<10000x128xf32, #tpu.memory_space<hbm>>
      tpu.enqueue_indirect_dma source(%dma_start3A_55 : memref<10000x128xf32, #tpu.memory_space<hbm>>) target(%arg13 : memref<128x128xf32, #tpu.memory_space<vmem>>) offsets(%dma_start3A_48 : memref<128xi32, #tpu.memory_space<vmem>>) semaphore(%arg16 : memref<!tpu.dma_semaphore, #tpu.memory_space<semaphore_mem>>)
      %dma_start3A_56 = arith.constant 1 : i32
      %dma_start3A_57 = arith.constant 0 : i32
      %dma_start3A_58 = tpu.memref_slice %arg10[%dma_start3A_56, %dma_start3A_57] : memref<16x128xi32, #tpu.memory_space<vmem>> -> memref<1x128xi32, #tpu.memory_space<vmem>>
      %dma_start3A_59 = tpu.memref_squeeze %dma_start3A_58 : memref<1x128xi32, #tpu.memory_space<vmem>> -> memref<128xi32, #tpu.memory_space<vmem>>
      %dma_start3A_60 = arith.constant 0 : i32
      %dma_start3A_61 = arith.constant 0 : i32
      %dma_start3A_62 = tpu.memref_slice %arg2[%arg0, %dma_start3A_60, %dma_start3A_61] : memref<2x10000x128xf32, #tpu.memory_space<hbm>> -> memref<1x10000x128xf32, #tpu.memory_space<hbm>>
      %dma_start3A_63 = tpu.memref_squeeze %dma_start3A_62 : memref<1x10000x128xf32, #tpu.memory_space<hbm>> -> memref<10000x128xf32, #tpu.memory_space<hbm>>
      %dma_start3A_64 = arith.constant 0 : i32
      %dma_start3A_65 = arith.constant 0 : i32
      %dma_start3A_66 = tpu.memref_slice %dma_start3A_63[%dma_start3A_64, %dma_start3A_65] : memref<10000x128xf32, #tpu.memory_space<hbm>> -> memref<10000x128xf32, #tpu.memory_space<hbm>>
      tpu.enqueue_indirect_dma source(%dma_start3A_66 : memref<10000x128xf32, #tpu.memory_space<hbm>>) target(%arg14 : memref<128x128xf32, #tpu.memory_space<vmem>>) offsets(%dma_start3A_59 : memref<128xi32, #tpu.memory_space<vmem>>) semaphore(%arg17 : memref<!tpu.dma_semaphore, #tpu.memory_space<semaphore_mem>>)
      %scan3A_67 = arith.constant 0 : i32
      %scan3A_68 = arith.constant 0 : i32
      %scan3A_69 = arith.constant 7 : i32
      %scan3A_70 = arith.addi %scan3A_68, %scan3A_69 : i32
      %scan3A_71 = arith.constant 1 : i32
      scf.for %scan3A_95 = %scan3A_68 to %scan3A_70 step %scan3A_71  : i32 {
        %mul3A_96 = arith.constant 2 : i32
        %mul3A_97 = arith.muli %mul3A_96, %scan3A_95 : i32
        %dma_wait3A_98 = arith.constant 0 : i32
        %dma_wait3A_99 = arith.constant 0 : i32
        %dma_wait3A_100 = tpu.memref_slice %arg10[%dma_wait3A_98, %dma_wait3A_99] : memref<16x128xi32, #tpu.memory_space<vmem>> -> memref<1x128xi32, #tpu.memory_space<vmem>>
        %dma_wait3A_101 = tpu.memref_squeeze %dma_wait3A_100 : memref<1x128xi32, #tpu.memory_space<vmem>> -> memref<128xi32, #tpu.memory_space<vmem>>
        %dma_wait3A_102 = arith.constant 0 : i32
        %dma_wait3A_103 = arith.constant 0 : i32
        %dma_wait3A_104 = tpu.memref_slice %arg2[%arg0, %dma_wait3A_102, %dma_wait3A_103] : memref<2x10000x128xf32, #tpu.memory_space<hbm>> -> memref<1x10000x128xf32, #tpu.memory_space<hbm>>
        %dma_wait3A_105 = tpu.memref_squeeze %dma_wait3A_104 : memref<1x10000x128xf32, #tpu.memory_space<hbm>> -> memref<10000x128xf32, #tpu.memory_space<hbm>>
        %dma_wait3A_106 = arith.constant 0 : i32
        %dma_wait3A_107 = arith.constant 0 : i32
        %dma_wait3A_108 = tpu.memref_slice %dma_wait3A_105[%dma_wait3A_106, %dma_wait3A_107] : memref<10000x128xf32, #tpu.memory_space<hbm>> -> memref<10000x128xf32, #tpu.memory_space<hbm>>
        tpu.wait_indirect_dma semaphore(%arg16 : memref<!tpu.dma_semaphore, #tpu.memory_space<semaphore_mem>>) src(%dma_wait3A_108 : memref<10000x128xf32, #tpu.memory_space<hbm>>) dst(%arg13 : memref<128x128xf32, #tpu.memory_space<vmem>>)
        "tpu.region"() ({
          %run_scoped3A_146 = tpu.sem_alloc : memref<!tpu.dma_semaphore, #tpu.memory_space<semaphore_mem>>
          %dma_start3A_147 = arith.constant 0 : i32
          %dma_start3A_148 = tpu.memref_slice %arg11[%mul3A_97, %dma_start3A_147] : memref<16x128xi32, #tpu.memory_space<vmem>> -> memref<1x128xi32, #tpu.memory_space<vmem>>
          %dma_start3A_149 = tpu.memref_squeeze %dma_start3A_148 : memref<1x128xi32, #tpu.memory_space<vmem>> -> memref<128xi32, #tpu.memory_space<vmem>>
          %dma_start3A_150 = arith.constant 0 : i32
          %dma_start3A_151 = arith.constant 0 : i32
          %dma_start3A_152 = tpu.memref_slice %arg15[%dma_start3A_150, %dma_start3A_151] : memref<10240x128xf32, #tpu.memory_space<vmem_shared>> -> memref<10240x128xf32, #tpu.memory_space<vmem_shared>>
          tpu.enqueue_indirect_dma source(%arg13 : memref<128x128xf32, #tpu.memory_space<vmem>>) target(%dma_start3A_152 : memref<10240x128xf32, #tpu.memory_space<vmem_shared>>) offsets(%dma_start3A_149 : memref<128xi32, #tpu.memory_space<vmem>>) semaphore(%run_scoped3A_146 : memref<!tpu.dma_semaphore, #tpu.memory_space<semaphore_mem>>) {add = true}
          %dma_wait3A_153 = arith.constant 0 : i32
          %dma_wait3A_154 = tpu.memref_slice %arg11[%mul3A_97, %dma_wait3A_153] : memref<16x128xi32, #tpu.memory_space<vmem>> -> memref<1x128xi32, #tpu.memory_space<vmem>>
          %dma_wait3A_155 = tpu.memref_squeeze %dma_wait3A_154 : memref<1x128xi32, #tpu.memory_space<vmem>> -> memref<128xi32, #tpu.memory_space<vmem>>
          %dma_wait3A_156 = arith.constant 0 : i32
          %dma_wait3A_157 = arith.constant 0 : i32
          %dma_wait3A_158 = tpu.memref_slice %arg15[%dma_wait3A_156, %dma_wait3A_157] : memref<10240x128xf32, #tpu.memory_space<vmem_shared>> -> memref<10240x128xf32, #tpu.memory_space<vmem_shared>>
          tpu.wait_indirect_dma semaphore(%run_scoped3A_146 : memref<!tpu.dma_semaphore, #tpu.memory_space<semaphore_mem>>) src(%arg13 : memref<128x128xf32, #tpu.memory_space<vmem>>) dst(%dma_wait3A_158 : memref<10240x128xf32, #tpu.memory_space<vmem_shared>>)
          tpu.yield
        }) : () -> ()
        %add3A_109 = arith.constant 2 : i32
        %add3A_110 = arith.addi %mul3A_97, %add3A_109 : i32
        %dma_start3A_111 = arith.constant 0 : i32
        %dma_start3A_112 = tpu.memref_slice %arg10[%add3A_110, %dma_start3A_111] : memref<16x128xi32, #tpu.memory_space<vmem>> -> memref<1x128xi32, #tpu.memory_space<vmem>>
        %dma_start3A_113 = tpu.memref_squeeze %dma_start3A_112 : memref<1x128xi32, #tpu.memory_space<vmem>> -> memref<128xi32, #tpu.memory_space<vmem>>
        %dma_start3A_114 = arith.constant 0 : i32
        %dma_start3A_115 = arith.constant 0 : i32
        %dma_start3A_116 = tpu.memref_slice %arg2[%arg0, %dma_start3A_114, %dma_start3A_115] : memref<2x10000x128xf32, #tpu.memory_space<hbm>> -> memref<1x10000x128xf32, #tpu.memory_space<hbm>>
        %dma_start3A_117 = tpu.memref_squeeze %dma_start3A_116 : memref<1x10000x128xf32, #tpu.memory_space<hbm>> -> memref<10000x128xf32, #tpu.memory_space<hbm>>
        %dma_start3A_118 = arith.constant 0 : i32
        %dma_start3A_119 = arith.constant 0 : i32
        %dma_start3A_120 = tpu.memref_slice %dma_start3A_117[%dma_start3A_118, %dma_start3A_119] : memref<10000x128xf32, #tpu.memory_space<hbm>> -> memref<10000x128xf32, #tpu.memory_space<hbm>>
        tpu.enqueue_indirect_dma source(%dma_start3A_120 : memref<10000x128xf32, #tpu.memory_space<hbm>>) target(%arg13 : memref<128x128xf32, #tpu.memory_space<vmem>>) offsets(%dma_start3A_113 : memref<128xi32, #tpu.memory_space<vmem>>) semaphore(%arg16 : memref<!tpu.dma_semaphore, #tpu.memory_space<semaphore_mem>>)
        %dma_wait3A_121 = arith.constant 0 : i32
        %dma_wait3A_122 = arith.constant 0 : i32
        %dma_wait3A_123 = tpu.memref_slice %arg10[%dma_wait3A_121, %dma_wait3A_122] : memref<16x128xi32, #tpu.memory_space<vmem>> -> memref<1x128xi32, #tpu.memory_space<vmem>>
        %dma_wait3A_124 = tpu.memref_squeeze %dma_wait3A_123 : memref<1x128xi32, #tpu.memory_space<vmem>> -> memref<128xi32, #tpu.memory_space<vmem>>
        %dma_wait3A_125 = arith.constant 0 : i32
        %dma_wait3A_126 = arith.constant 0 : i32
        %dma_wait3A_127 = tpu.memref_slice %arg2[%arg0, %dma_wait3A_125, %dma_wait3A_126] : memref<2x10000x128xf32, #tpu.memory_space<hbm>> -> memref<1x10000x128xf32, #tpu.memory_space<hbm>>
        %dma_wait3A_128 = tpu.memref_squeeze %dma_wait3A_127 : memref<1x10000x128xf32, #tpu.memory_space<hbm>> -> memref<10000x128xf32, #tpu.memory_space<hbm>>
        %dma_wait3A_129 = arith.constant 0 : i32
        %dma_wait3A_130 = arith.constant 0 : i32
        %dma_wait3A_131 = tpu.memref_slice %dma_wait3A_128[%dma_wait3A_129, %dma_wait3A_130] : memref<10000x128xf32, #tpu.memory_space<hbm>> -> memref<10000x128xf32, #tpu.memory_space<hbm>>
        tpu.wait_indirect_dma semaphore(%arg17 : memref<!tpu.dma_semaphore, #tpu.memory_space<semaphore_mem>>) src(%dma_wait3A_131 : memref<10000x128xf32, #tpu.memory_space<hbm>>) dst(%arg14 : memref<128x128xf32, #tpu.memory_space<vmem>>)
        %add3A_132 = arith.constant 1 : i32
        %add3A_133 = arith.addi %mul3A_97, %add3A_132 : i32
        "tpu.region"() ({
          %run_scoped3A_146 = tpu.sem_alloc : memref<!tpu.dma_semaphore, #tpu.memory_space<semaphore_mem>>
          %dma_start3A_147 = arith.constant 0 : i32
          %dma_start3A_148 = tpu.memref_slice %arg11[%add3A_133, %dma_start3A_147] : memref<16x128xi32, #tpu.memory_space<vmem>> -> memref<1x128xi32, #tpu.memory_space<vmem>>
          %dma_start3A_149 = tpu.memref_squeeze %dma_start3A_148 : memref<1x128xi32, #tpu.memory_space<vmem>> -> memref<128xi32, #tpu.memory_space<vmem>>
          %dma_start3A_150 = arith.constant 0 : i32
          %dma_start3A_151 = arith.constant 0 : i32
          %dma_start3A_152 = tpu.memref_slice %arg15[%dma_start3A_150, %dma_start3A_151] : memref<10240x128xf32, #tpu.memory_space<vmem_shared>> -> memref<10240x128xf32, #tpu.memory_space<vmem_shared>>
          tpu.enqueue_indirect_dma source(%arg14 : memref<128x128xf32, #tpu.memory_space<vmem>>) target(%dma_start3A_152 : memref<10240x128xf32, #tpu.memory_space<vmem_shared>>) offsets(%dma_start3A_149 : memref<128xi32, #tpu.memory_space<vmem>>) semaphore(%run_scoped3A_146 : memref<!tpu.dma_semaphore, #tpu.memory_space<semaphore_mem>>) {add = true}
          %dma_wait3A_153 = arith.constant 0 : i32
          %dma_wait3A_154 = tpu.memref_slice %arg11[%add3A_133, %dma_wait3A_153] : memref<16x128xi32, #tpu.memory_space<vmem>> -> memref<1x128xi32, #tpu.memory_space<vmem>>
          %dma_wait3A_155 = tpu.memref_squeeze %dma_wait3A_154 : memref<1x128xi32, #tpu.memory_space<vmem>> -> memref<128xi32, #tpu.memory_space<vmem>>
          %dma_wait3A_156 = arith.constant 0 : i32
          %dma_wait3A_157 = arith.constant 0 : i32
          %dma_wait3A_158 = tpu.memref_slice %arg15[%dma_wait3A_156, %dma_wait3A_157] : memref<10240x128xf32, #tpu.memory_space<vmem_shared>> -> memref<10240x128xf32, #tpu.memory_space<vmem_shared>>
          tpu.wait_indirect_dma semaphore(%run_scoped3A_146 : memref<!tpu.dma_semaphore, #tpu.memory_space<semaphore_mem>>) src(%arg14 : memref<128x128xf32, #tpu.memory_space<vmem>>) dst(%dma_wait3A_158 : memref<10240x128xf32, #tpu.memory_space<vmem_shared>>)
          tpu.yield
        }) : () -> ()
        %add3A_134 = arith.constant 3 : i32
        %add3A_135 = arith.addi %mul3A_97, %add3A_134 : i32
        %dma_start3A_136 = arith.constant 0 : i32
        %dma_start3A_137 = tpu.memref_slice %arg10[%add3A_135, %dma_start3A_136] : memref<16x128xi32, #tpu.memory_space<vmem>> -> memref<1x128xi32, #tpu.memory_space<vmem>>
        %dma_start3A_138 = tpu.memref_squeeze %dma_start3A_137 : memref<1x128xi32, #tpu.memory_space<vmem>> -> memref<128xi32, #tpu.memory_space<vmem>>
        %dma_start3A_139 = arith.constant 0 : i32
        %dma_start3A_140 = arith.constant 0 : i32
        %dma_start3A_141 = tpu.memref_slice %arg2[%arg0, %dma_start3A_139, %dma_start3A_140] : memref<2x10000x128xf32, #tpu.memory_space<hbm>> -> memref<1x10000x128xf32, #tpu.memory_space<hbm>>
        %dma_start3A_142 = tpu.memref_squeeze %dma_start3A_141 : memref<1x10000x128xf32, #tpu.memory_space<hbm>> -> memref<10000x128xf32, #tpu.memory_space<hbm>>
        %dma_start3A_143 = arith.constant 0 : i32
        %dma_start3A_144 = arith.constant 0 : i32
        %dma_start3A_145 = tpu.memref_slice %dma_start3A_142[%dma_start3A_143, %dma_start3A_144] : memref<10000x128xf32, #tpu.memory_space<hbm>> -> memref<10000x128xf32, #tpu.memory_space<hbm>>
        tpu.enqueue_indirect_dma source(%dma_start3A_145 : memref<10000x128xf32, #tpu.memory_space<hbm>>) target(%arg14 : memref<128x128xf32, #tpu.memory_space<vmem>>) offsets(%dma_start3A_138 : memref<128xi32, #tpu.memory_space<vmem>>) semaphore(%arg17 : memref<!tpu.dma_semaphore, #tpu.memory_space<semaphore_mem>>)
      }
      %scan3A_72 = arith.constant 7 : i32
      %dma_wait3A = arith.constant 0 : i32
      %dma_wait3A_73 = arith.constant 0 : i32
      %dma_wait3A_74 = tpu.memref_slice %arg10[%dma_wait3A, %dma_wait3A_73] : memref<16x128xi32, #tpu.memory_space<vmem>> -> memref<1x128xi32, #tpu.memory_space<vmem>>
      %dma_wait3A_75 = tpu.memref_squeeze %dma_wait3A_74 : memref<1x128xi32, #tpu.memory_space<vmem>> -> memref<128xi32, #tpu.memory_space<vmem>>
      %dma_wait3A_76 = arith.constant 0 : i32
      %dma_wait3A_77 = arith.constant 0 : i32
      %dma_wait3A_78 = tpu.memref_slice %arg2[%arg0, %dma_wait3A_76, %dma_wait3A_77] : memref<2x10000x128xf32, #tpu.memory_space<hbm>> -> memref<1x10000x128xf32, #tpu.memory_space<hbm>>
      %dma_wait3A_79 = tpu.memref_squeeze %dma_wait3A_78 : memref<1x10000x128xf32, #tpu.memory_space<hbm>> -> memref<10000x128xf32, #tpu.memory_space<hbm>>
      %dma_wait3A_80 = arith.constant 0 : i32
      %dma_wait3A_81 = arith.constant 0 : i32
      %dma_wait3A_82 = tpu.memref_slice %dma_wait3A_79[%dma_wait3A_80, %dma_wait3A_81] : memref<10000x128xf32, #tpu.memory_space<hbm>> -> memref<10000x128xf32, #tpu.memory_space<hbm>>
      tpu.wait_indirect_dma semaphore(%arg16 : memref<!tpu.dma_semaphore, #tpu.memory_space<semaphore_mem>>) src(%dma_wait3A_82 : memref<10000x128xf32, #tpu.memory_space<hbm>>) dst(%arg13 : memref<128x128xf32, #tpu.memory_space<vmem>>)
      %run_scoped3A = arith.constant 14 : i32
      "tpu.region"() ({
        %run_scoped3A_95 = tpu.sem_alloc : memref<!tpu.dma_semaphore, #tpu.memory_space<semaphore_mem>>
        %dma_start3A_96 = arith.constant 0 : i32
        %dma_start3A_97 = tpu.memref_slice %arg11[%run_scoped3A, %dma_start3A_96] : memref<16x128xi32, #tpu.memory_space<vmem>> -> memref<1x128xi32, #tpu.memory_space<vmem>>
        %dma_start3A_98 = tpu.memref_squeeze %dma_start3A_97 : memref<1x128xi32, #tpu.memory_space<vmem>> -> memref<128xi32, #tpu.memory_space<vmem>>
        %dma_start3A_99 = arith.constant 0 : i32
        %dma_start3A_100 = arith.constant 0 : i32
        %dma_start3A_101 = tpu.memref_slice %arg15[%dma_start3A_99, %dma_start3A_100] : memref<10240x128xf32, #tpu.memory_space<vmem_shared>> -> memref<10240x128xf32, #tpu.memory_space<vmem_shared>>
        tpu.enqueue_indirect_dma source(%arg13 : memref<128x128xf32, #tpu.memory_space<vmem>>) target(%dma_start3A_101 : memref<10240x128xf32, #tpu.memory_space<vmem_shared>>) offsets(%dma_start3A_98 : memref<128xi32, #tpu.memory_space<vmem>>) semaphore(%run_scoped3A_95 : memref<!tpu.dma_semaphore, #tpu.memory_space<semaphore_mem>>) {add = true}
        %dma_wait3A_102 = arith.constant 0 : i32
        %dma_wait3A_103 = tpu.memref_slice %arg11[%run_scoped3A, %dma_wait3A_102] : memref<16x128xi32, #tpu.memory_space<vmem>> -> memref<1x128xi32, #tpu.memory_space<vmem>>
        %dma_wait3A_104 = tpu.memref_squeeze %dma_wait3A_103 : memref<1x128xi32, #tpu.memory_space<vmem>> -> memref<128xi32, #tpu.memory_space<vmem>>
        %dma_wait3A_105 = arith.constant 0 : i32
        %dma_wait3A_106 = arith.constant 0 : i32
        %dma_wait3A_107 = tpu.memref_slice %arg15[%dma_wait3A_105, %dma_wait3A_106] : memref<10240x128xf32, #tpu.memory_space<vmem_shared>> -> memref<10240x128xf32, #tpu.memory_space<vmem_shared>>
        tpu.wait_indirect_dma semaphore(%run_scoped3A_95 : memref<!tpu.dma_semaphore, #tpu.memory_space<semaphore_mem>>) src(%arg13 : memref<128x128xf32, #tpu.memory_space<vmem>>) dst(%dma_wait3A_107 : memref<10240x128xf32, #tpu.memory_space<vmem_shared>>)
        tpu.yield
      }) : () -> ()
      %dma_wait3A_83 = arith.constant 0 : i32
      %dma_wait3A_84 = arith.constant 0 : i32
      %dma_wait3A_85 = tpu.memref_slice %arg10[%dma_wait3A_83, %dma_wait3A_84] : memref<16x128xi32, #tpu.memory_space<vmem>> -> memref<1x128xi32, #tpu.memory_space<vmem>>
      %dma_wait3A_86 = tpu.memref_squeeze %dma_wait3A_85 : memref<1x128xi32, #tpu.memory_space<vmem>> -> memref<128xi32, #tpu.memory_space<vmem>>
      %dma_wait3A_87 = arith.constant 0 : i32
      %dma_wait3A_88 = arith.constant 0 : i32
      %dma_wait3A_89 = tpu.memref_slice %arg2[%arg0, %dma_wait3A_87, %dma_wait3A_88] : memref<2x10000x128xf32, #tpu.memory_space<hbm>> -> memref<1x10000x128xf32, #tpu.memory_space<hbm>>
      %dma_wait3A_90 = tpu.memref_squeeze %dma_wait3A_89 : memref<1x10000x128xf32, #tpu.memory_space<hbm>> -> memref<10000x128xf32, #tpu.memory_space<hbm>>
      %dma_wait3A_91 = arith.constant 0 : i32
      %dma_wait3A_92 = arith.constant 0 : i32
      %dma_wait3A_93 = tpu.memref_slice %dma_wait3A_90[%dma_wait3A_91, %dma_wait3A_92] : memref<10000x128xf32, #tpu.memory_space<hbm>> -> memref<10000x128xf32, #tpu.memory_space<hbm>>
      tpu.wait_indirect_dma semaphore(%arg17 : memref<!tpu.dma_semaphore, #tpu.memory_space<semaphore_mem>>) src(%dma_wait3A_93 : memref<10000x128xf32, #tpu.memory_space<hbm>>) dst(%arg14 : memref<128x128xf32, #tpu.memory_space<vmem>>)
      %run_scoped3A_94 = arith.constant 15 : i32
      "tpu.region"() ({
        %run_scoped3A_95 = tpu.sem_alloc : memref<!tpu.dma_semaphore, #tpu.memory_space<semaphore_mem>>
        %dma_start3A_96 = arith.constant 0 : i32
        %dma_start3A_97 = tpu.memref_slice %arg11[%run_scoped3A_94, %dma_start3A_96] : memref<16x128xi32, #tpu.memory_space<vmem>> -> memref<1x128xi32, #tpu.memory_space<vmem>>
        %dma_start3A_98 = tpu.memref_squeeze %dma_start3A_97 : memref<1x128xi32, #tpu.memory_space<vmem>> -> memref<128xi32, #tpu.memory_space<vmem>>
        %dma_start3A_99 = arith.constant 0 : i32
        %dma_start3A_100 = arith.constant 0 : i32
        %dma_start3A_101 = tpu.memref_slice %arg15[%dma_start3A_99, %dma_start3A_100] : memref<10240x128xf32, #tpu.memory_space<vmem_shared>> -> memref<10240x128xf32, #tpu.memory_space<vmem_shared>>
        tpu.enqueue_indirect_dma source(%arg14 : memref<128x128xf32, #tpu.memory_space<vmem>>) target(%dma_start3A_101 : memref<10240x128xf32, #tpu.memory_space<vmem_shared>>) offsets(%dma_start3A_98 : memref<128xi32, #tpu.memory_space<vmem>>) semaphore(%run_scoped3A_95 : memref<!tpu.dma_semaphore, #tpu.memory_space<semaphore_mem>>) {add = true}
        %dma_wait3A_102 = arith.constant 0 : i32
        %dma_wait3A_103 = tpu.memref_slice %arg11[%run_scoped3A_94, %dma_wait3A_102] : memref<16x128xi32, #tpu.memory_space<vmem>> -> memref<1x128xi32, #tpu.memory_space<vmem>>
        %dma_wait3A_104 = tpu.memref_squeeze %dma_wait3A_103 : memref<1x128xi32, #tpu.memory_space<vmem>> -> memref<128xi32, #tpu.memory_space<vmem>>
        %dma_wait3A_105 = arith.constant 0 : i32
        %dma_wait3A_106 = arith.constant 0 : i32
        %dma_wait3A_107 = tpu.memref_slice %arg15[%dma_wait3A_105, %dma_wait3A_106] : memref<10240x128xf32, #tpu.memory_space<vmem_shared>> -> memref<10240x128xf32, #tpu.memory_space<vmem_shared>>
        tpu.wait_indirect_dma semaphore(%run_scoped3A_95 : memref<!tpu.dma_semaphore, #tpu.memory_space<semaphore_mem>>) src(%arg14 : memref<128x128xf32, #tpu.memory_space<vmem>>) dst(%dma_wait3A_107 : memref<10240x128xf32, #tpu.memory_space<vmem_shared>>)
        tpu.yield
      }) : () -> ()
    }
    %scan3A_17 = arith.constant 10 : i32
    %barrier3A_18 = arith.constant 0 : index
    tpu.barrier barrier_id(%barrier3A_18)
    %mul3A_19 = arith.constant 640 : i32
    %mul3A_20 = arith.muli %arg1, %mul3A_19 : i32
    %mul3A_21 = arith.constant 640 : i32
    %mul3A_22 = arith.muli %arg1, %mul3A_21 : i32
    "tpu.region"() ({
      %run_scoped3A = tpu.sem_alloc : memref<!tpu.dma_semaphore, #tpu.memory_space<semaphore_mem>>
      %dma_start3A = arith.constant 0 : i32
      %dma_start3A_40 = arith.constant 0 : i32
      %dma_start3A_41 = tpu.memref_slice %arg7[%arg0, %dma_start3A, %dma_start3A_40] : memref<2x10240x128xf32, #tpu.memory_space<hbm>> -> memref<1x10240x128xf32, #tpu.memory_space<hbm>>
      %dma_start3A_42 = tpu.memref_squeeze %dma_start3A_41 : memref<1x10240x128xf32, #tpu.memory_space<hbm>> -> memref<10240x128xf32, #tpu.memory_space<hbm>>
      %dma_start3A_43 = arith.constant 0 : i32
      %dma_start3A_44 = tpu.memref_slice %dma_start3A_42[%mul3A_22, %dma_start3A_43] : memref<10240x128xf32, #tpu.memory_space<hbm>> -> memref<640x128xf32, #tpu.memory_space<hbm>>
      %dma_start3A_45 = arith.constant 0 : i32
      %dma_start3A_46 = tpu.memref_slice %arg15[%mul3A_20, %dma_start3A_45] : memref<10240x128xf32, #tpu.memory_space<vmem_shared>> -> memref<640x128xf32, #tpu.memory_space<vmem_shared>>
      tpu.enqueue_dma source(%dma_start3A_46 : memref<640x128xf32, #tpu.memory_space<vmem_shared>>) target(%dma_start3A_44 : memref<640x128xf32, #tpu.memory_space<hbm>>) target_semaphore(%run_scoped3A : memref<!tpu.dma_semaphore, #tpu.memory_space<semaphore_mem>>)
      %dma_wait3A = arith.constant 0 : i32
      %dma_wait3A_47 = arith.constant 0 : i32
      %dma_wait3A_48 = tpu.memref_slice %arg7[%arg0, %dma_wait3A, %dma_wait3A_47] : memref<2x10240x128xf32, #tpu.memory_space<hbm>> -> memref<1x10240x128xf32, #tpu.memory_space<hbm>>
      %dma_wait3A_49 = tpu.memref_squeeze %dma_wait3A_48 : memref<1x10240x128xf32, #tpu.memory_space<hbm>> -> memref<10240x128xf32, #tpu.memory_space<hbm>>
      %dma_wait3A_50 = arith.constant 0 : i32
      %dma_wait3A_51 = tpu.memref_slice %dma_wait3A_49[%mul3A_22, %dma_wait3A_50] : memref<10240x128xf32, #tpu.memory_space<hbm>> -> memref<640x128xf32, #tpu.memory_space<hbm>>
      %dma_wait3A_52 = arith.constant 0 : i32
      %dma_wait3A_53 = tpu.memref_slice %arg15[%mul3A_20, %dma_wait3A_52] : memref<10240x128xf32, #tpu.memory_space<vmem_shared>> -> memref<640x128xf32, #tpu.memory_space<vmem_shared>>
      tpu.wait_dma2 semaphore(%run_scoped3A : memref<!tpu.dma_semaphore, #tpu.memory_space<semaphore_mem>>) src(%dma_wait3A_53 : memref<640x128xf32, #tpu.memory_space<vmem_shared>>) dst(%dma_wait3A_51 : memref<640x128xf32, #tpu.memory_space<hbm>>)
      tpu.yield
    }) : () -> ()
    %barrier3A_23 = arith.constant 0 : index
    tpu.barrier barrier_id(%barrier3A_23)
    %mul3A_24 = arith.constant 640 : i32
    %mul3A_25 = arith.muli %arg1, %mul3A_24 : i32
    %mul3A_26 = arith.constant 640 : i32
    %mul3A_27 = arith.muli %arg1, %mul3A_26 : i32
    "tpu.region"() ({
      %run_scoped3A = tpu.sem_alloc : memref<!tpu.dma_semaphore, #tpu.memory_space<semaphore_mem>>
      %dma_start3A = arith.constant 0 : i32
      %dma_start3A_40 = tpu.memref_slice %arg15[%mul3A_27, %dma_start3A] : memref<10240x128xf32, #tpu.memory_space<vmem_shared>> -> memref<640x128xf32, #tpu.memory_space<vmem_shared>>
      %dma_start3A_41 = arith.constant 0 : i32
      %dma_start3A_42 = tpu.memref_slice %arg6[%mul3A_25, %dma_start3A_41] : memref<10240x128xf32, #tpu.memory_space<hbm>> -> memref<640x128xf32, #tpu.memory_space<hbm>>
      tpu.enqueue_dma source(%dma_start3A_42 : memref<640x128xf32, #tpu.memory_space<hbm>>) target(%dma_start3A_40 : memref<640x128xf32, #tpu.memory_space<vmem_shared>>) target_semaphore(%run_scoped3A : memref<!tpu.dma_semaphore, #tpu.memory_space<semaphore_mem>>)
      %dma_wait3A = arith.constant 0 : i32
      %dma_wait3A_43 = tpu.memref_slice %arg15[%mul3A_27, %dma_wait3A] : memref<10240x128xf32, #tpu.memory_space<vmem_shared>> -> memref<640x128xf32, #tpu.memory_space<vmem_shared>>
      %dma_wait3A_44 = arith.constant 0 : i32
      %dma_wait3A_45 = tpu.memref_slice %arg6[%mul3A_25, %dma_wait3A_44] : memref<10240x128xf32, #tpu.memory_space<hbm>> -> memref<640x128xf32, #tpu.memory_space<hbm>>
      tpu.wait_dma2 semaphore(%run_scoped3A : memref<!tpu.dma_semaphore, #tpu.memory_space<semaphore_mem>>) src(%dma_wait3A_45 : memref<640x128xf32, #tpu.memory_space<hbm>>) dst(%dma_wait3A_43 : memref<640x128xf32, #tpu.memory_space<vmem_shared>>)
      tpu.yield
    }) : () -> ()
    %barrier3A_28 = arith.constant 0 : index
    tpu.barrier barrier_id(%barrier3A_28)
    %scan3A_29 = arith.constant 0 : i32
    %scan3A_30 = arith.constant 0 : i32
    %scan3A_31 = arith.constant 10 : i32
    %scan3A_32 = arith.addi %scan3A_30, %scan3A_31 : i32
    %scan3A_33 = arith.constant 1 : i32
    scf.for %scan3A_40 = %scan3A_30 to %scan3A_32 step %scan3A_33  : i32 {
      %mul3A_41 = arith.constant 160 : i32
      %mul3A_42 = arith.muli %arg1, %mul3A_41 : i32
      %mul3A_43 = arith.constant 16 : i32
      %mul3A_44 = arith.muli %scan3A_40, %mul3A_43 : i32
      %add3A_45 = arith.addi %mul3A_42, %mul3A_44 : i32
      "tpu.region"() ({
        %run_scoped3A_95 = tpu.sem_alloc : memref<!tpu.dma_semaphore, #tpu.memory_space<semaphore_mem>>
        %dma_start3A_96 = arith.constant 0 : i32
        %dma_start3A_97 = arith.constant 0 : i32
        %dma_start3A_98 = tpu.memref_slice %arg4[%arg0, %dma_start3A_96, %dma_start3A_97] : memref<2x2560x128xi32, #tpu.memory_space<hbm>> -> memref<1x2560x128xi32, #tpu.memory_space<hbm>>
        %dma_start3A_99 = tpu.memref_squeeze %dma_start3A_98 : memref<1x2560x128xi32, #tpu.memory_space<hbm>> -> memref<2560x128xi32, #tpu.memory_space<hbm>>
        %dma_start3A_100 = arith.constant 0 : i32
        %dma_start3A_101 = tpu.memref_slice %dma_start3A_99[%add3A_45, %dma_start3A_100] : memref<2560x128xi32, #tpu.memory_space<hbm>> -> memref<16x128xi32, #tpu.memory_space<hbm>>
        %dma_start3A_102 = arith.constant 0 : i32
        %dma_start3A_103 = arith.constant 0 : i32
        %dma_start3A_104 = tpu.memref_slice %arg4[%arg0, %dma_start3A_102, %dma_start3A_103] : memref<2x2560x128xi32, #tpu.memory_space<hbm>> -> memref<1x2560x128xi32, #tpu.memory_space<hbm>>
        %dma_start3A_105 = tpu.memref_squeeze %dma_start3A_104 : memref<1x2560x128xi32, #tpu.memory_space<hbm>> -> memref<2560x128xi32, #tpu.memory_space<hbm>>
        %dma_start3A_106 = arith.constant 0 : i32
        %dma_start3A_107 = tpu.memref_slice %dma_start3A_105[%add3A_45, %dma_start3A_106] : memref<2560x128xi32, #tpu.memory_space<hbm>> -> memref<16x128xi32, #tpu.memory_space<hbm>>
        tpu.enqueue_dma source(%dma_start3A_107 : memref<16x128xi32, #tpu.memory_space<hbm>>) target(%arg10 : memref<16x128xi32, #tpu.memory_space<vmem>>) target_semaphore(%run_scoped3A_95 : memref<!tpu.dma_semaphore, #tpu.memory_space<semaphore_mem>>)
        %dma_wait3A_108 = arith.constant 0 : i32
        %dma_wait3A_109 = arith.constant 0 : i32
        %dma_wait3A_110 = tpu.memref_slice %arg4[%arg0, %dma_wait3A_108, %dma_wait3A_109] : memref<2x2560x128xi32, #tpu.memory_space<hbm>> -> memref<1x2560x128xi32, #tpu.memory_space<hbm>>
        %dma_wait3A_111 = tpu.memref_squeeze %dma_wait3A_110 : memref<1x2560x128xi32, #tpu.memory_space<hbm>> -> memref<2560x128xi32, #tpu.memory_space<hbm>>
        %dma_wait3A_112 = arith.constant 0 : i32
        %dma_wait3A_113 = tpu.memref_slice %dma_wait3A_111[%add3A_45, %dma_wait3A_112] : memref<2560x128xi32, #tpu.memory_space<hbm>> -> memref<16x128xi32, #tpu.memory_space<hbm>>
        %dma_wait3A_114 = arith.constant 0 : i32
        %dma_wait3A_115 = arith.constant 0 : i32
        %dma_wait3A_116 = tpu.memref_slice %arg4[%arg0, %dma_wait3A_114, %dma_wait3A_115] : memref<2x2560x128xi32, #tpu.memory_space<hbm>> -> memref<1x2560x128xi32, #tpu.memory_space<hbm>>
        %dma_wait3A_117 = tpu.memref_squeeze %dma_wait3A_116 : memref<1x2560x128xi32, #tpu.memory_space<hbm>> -> memref<2560x128xi32, #tpu.memory_space<hbm>>
        %dma_wait3A_118 = arith.constant 0 : i32
        %dma_wait3A_119 = tpu.memref_slice %dma_wait3A_117[%add3A_45, %dma_wait3A_118] : memref<2560x128xi32, #tpu.memory_space<hbm>> -> memref<16x128xi32, #tpu.memory_space<hbm>>
        tpu.wait_dma2 semaphore(%run_scoped3A_95 : memref<!tpu.dma_semaphore, #tpu.memory_space<semaphore_mem>>) src(%dma_wait3A_119 : memref<16x128xi32, #tpu.memory_space<hbm>>) dst(%arg10 : memref<16x128xi32, #tpu.memory_space<vmem>>)
        tpu.yield
      }) : () -> ()
      "tpu.region"() ({
        %run_scoped3A_95 = tpu.sem_alloc : memref<!tpu.dma_semaphore, #tpu.memory_space<semaphore_mem>>
        %dma_start3A_96 = arith.constant 0 : i32
        %dma_start3A_97 = arith.constant 0 : i32
        %dma_start3A_98 = tpu.memref_slice %arg5[%arg0, %dma_start3A_96, %dma_start3A_97] : memref<2x2560x128xi32, #tpu.memory_space<hbm>> -> memref<1x2560x128xi32, #tpu.memory_space<hbm>>
        %dma_start3A_99 = tpu.memref_squeeze %dma_start3A_98 : memref<1x2560x128xi32, #tpu.memory_space<hbm>> -> memref<2560x128xi32, #tpu.memory_space<hbm>>
        %dma_start3A_100 = arith.constant 0 : i32
        %dma_start3A_101 = tpu.memref_slice %dma_start3A_99[%add3A_45, %dma_start3A_100] : memref<2560x128xi32, #tpu.memory_space<hbm>> -> memref<16x128xi32, #tpu.memory_space<hbm>>
        %dma_start3A_102 = arith.constant 0 : i32
        %dma_start3A_103 = arith.constant 0 : i32
        %dma_start3A_104 = tpu.memref_slice %arg5[%arg0, %dma_start3A_102, %dma_start3A_103] : memref<2x2560x128xi32, #tpu.memory_space<hbm>> -> memref<1x2560x128xi32, #tpu.memory_space<hbm>>
        %dma_start3A_105 = tpu.memref_squeeze %dma_start3A_104 : memref<1x2560x128xi32, #tpu.memory_space<hbm>> -> memref<2560x128xi32, #tpu.memory_space<hbm>>
        %dma_start3A_106 = arith.constant 0 : i32
        %dma_start3A_107 = tpu.memref_slice %dma_start3A_105[%add3A_45, %dma_start3A_106] : memref<2560x128xi32, #tpu.memory_space<hbm>> -> memref<16x128xi32, #tpu.memory_space<hbm>>
        tpu.enqueue_dma source(%dma_start3A_107 : memref<16x128xi32, #tpu.memory_space<hbm>>) target(%arg11 : memref<16x128xi32, #tpu.memory_space<vmem>>) target_semaphore(%run_scoped3A_95 : memref<!tpu.dma_semaphore, #tpu.memory_space<semaphore_mem>>)
        %dma_wait3A_108 = arith.constant 0 : i32
        %dma_wait3A_109 = arith.constant 0 : i32
        %dma_wait3A_110 = tpu.memref_slice %arg5[%arg0, %dma_wait3A_108, %dma_wait3A_109] : memref<2x2560x128xi32, #tpu.memory_space<hbm>> -> memref<1x2560x128xi32, #tpu.memory_space<hbm>>
        %dma_wait3A_111 = tpu.memref_squeeze %dma_wait3A_110 : memref<1x2560x128xi32, #tpu.memory_space<hbm>> -> memref<2560x128xi32, #tpu.memory_space<hbm>>
        %dma_wait3A_112 = arith.constant 0 : i32
        %dma_wait3A_113 = tpu.memref_slice %dma_wait3A_111[%add3A_45, %dma_wait3A_112] : memref<2560x128xi32, #tpu.memory_space<hbm>> -> memref<16x128xi32, #tpu.memory_space<hbm>>
        %dma_wait3A_114 = arith.constant 0 : i32
        %dma_wait3A_115 = arith.constant 0 : i32
        %dma_wait3A_116 = tpu.memref_slice %arg5[%arg0, %dma_wait3A_114, %dma_wait3A_115] : memref<2x2560x128xi32, #tpu.memory_space<hbm>> -> memref<1x2560x128xi32, #tpu.memory_space<hbm>>
        %dma_wait3A_117 = tpu.memref_squeeze %dma_wait3A_116 : memref<1x2560x128xi32, #tpu.memory_space<hbm>> -> memref<2560x128xi32, #tpu.memory_space<hbm>>
        %dma_wait3A_118 = arith.constant 0 : i32
        %dma_wait3A_119 = tpu.memref_slice %dma_wait3A_117[%add3A_45, %dma_wait3A_118] : memref<2560x128xi32, #tpu.memory_space<hbm>> -> memref<16x128xi32, #tpu.memory_space<hbm>>
        tpu.wait_dma2 semaphore(%run_scoped3A_95 : memref<!tpu.dma_semaphore, #tpu.memory_space<semaphore_mem>>) src(%dma_wait3A_119 : memref<16x128xi32, #tpu.memory_space<hbm>>) dst(%arg11 : memref<16x128xi32, #tpu.memory_space<vmem>>)
        tpu.yield
      }) : () -> ()
      %dma_start3A = arith.constant 0 : i32
      %dma_start3A_46 = arith.constant 0 : i32
      %dma_start3A_47 = tpu.memref_slice %arg10[%dma_start3A, %dma_start3A_46] : memref<16x128xi32, #tpu.memory_space<vmem>> -> memref<1x128xi32, #tpu.memory_space<vmem>>
      %dma_start3A_48 = tpu.memref_squeeze %dma_start3A_47 : memref<1x128xi32, #tpu.memory_space<vmem>> -> memref<128xi32, #tpu.memory_space<vmem>>
      %dma_start3A_49 = arith.constant 0 : i32
      %dma_start3A_50 = arith.constant 0 : i32
      %dma_start3A_51 = tpu.memref_slice %arg9[%arg0, %dma_start3A_49, %dma_start3A_50] : memref<2x10240x128xf32, #tpu.memory_space<hbm>> -> memref<1x10240x128xf32, #tpu.memory_space<hbm>>
      %dma_start3A_52 = tpu.memref_squeeze %dma_start3A_51 : memref<1x10240x128xf32, #tpu.memory_space<hbm>> -> memref<10240x128xf32, #tpu.memory_space<hbm>>
      %dma_start3A_53 = arith.constant 0 : i32
      %dma_start3A_54 = arith.constant 0 : i32
      %dma_start3A_55 = tpu.memref_slice %dma_start3A_52[%dma_start3A_53, %dma_start3A_54] : memref<10240x128xf32, #tpu.memory_space<hbm>> -> memref<10240x128xf32, #tpu.memory_space<hbm>>
      tpu.enqueue_indirect_dma source(%dma_start3A_55 : memref<10240x128xf32, #tpu.memory_space<hbm>>) target(%arg13 : memref<128x128xf32, #tpu.memory_space<vmem>>) offsets(%dma_start3A_48 : memref<128xi32, #tpu.memory_space<vmem>>) semaphore(%arg16 : memref<!tpu.dma_semaphore, #tpu.memory_space<semaphore_mem>>)
      %dma_start3A_56 = arith.constant 1 : i32
      %dma_start3A_57 = arith.constant 0 : i32
      %dma_start3A_58 = tpu.memref_slice %arg10[%dma_start3A_56, %dma_start3A_57] : memref<16x128xi32, #tpu.memory_space<vmem>> -> memref<1x128xi32, #tpu.memory_space<vmem>>
      %dma_start3A_59 = tpu.memref_squeeze %dma_start3A_58 : memref<1x128xi32, #tpu.memory_space<vmem>> -> memref<128xi32, #tpu.memory_space<vmem>>
      %dma_start3A_60 = arith.constant 0 : i32
      %dma_start3A_61 = arith.constant 0 : i32
      %dma_start3A_62 = tpu.memref_slice %arg9[%arg0, %dma_start3A_60, %dma_start3A_61] : memref<2x10240x128xf32, #tpu.memory_space<hbm>> -> memref<1x10240x128xf32, #tpu.memory_space<hbm>>
      %dma_start3A_63 = tpu.memref_squeeze %dma_start3A_62 : memref<1x10240x128xf32, #tpu.memory_space<hbm>> -> memref<10240x128xf32, #tpu.memory_space<hbm>>
      %dma_start3A_64 = arith.constant 0 : i32
      %dma_start3A_65 = arith.constant 0 : i32
      %dma_start3A_66 = tpu.memref_slice %dma_start3A_63[%dma_start3A_64, %dma_start3A_65] : memref<10240x128xf32, #tpu.memory_space<hbm>> -> memref<10240x128xf32, #tpu.memory_space<hbm>>
      tpu.enqueue_indirect_dma source(%dma_start3A_66 : memref<10240x128xf32, #tpu.memory_space<hbm>>) target(%arg14 : memref<128x128xf32, #tpu.memory_space<vmem>>) offsets(%dma_start3A_59 : memref<128xi32, #tpu.memory_space<vmem>>) semaphore(%arg17 : memref<!tpu.dma_semaphore, #tpu.memory_space<semaphore_mem>>)
      %scan3A_67 = arith.constant 0 : i32
      %scan3A_68 = arith.constant 0 : i32
      %scan3A_69 = arith.constant 7 : i32
      %scan3A_70 = arith.addi %scan3A_68, %scan3A_69 : i32
      %scan3A_71 = arith.constant 1 : i32
      scf.for %scan3A_95 = %scan3A_68 to %scan3A_70 step %scan3A_71  : i32 {
        %mul3A_96 = arith.constant 2 : i32
        %mul3A_97 = arith.muli %mul3A_96, %scan3A_95 : i32
        %dma_wait3A_98 = arith.constant 0 : i32
        %dma_wait3A_99 = arith.constant 0 : i32
        %dma_wait3A_100 = tpu.memref_slice %arg10[%dma_wait3A_98, %dma_wait3A_99] : memref<16x128xi32, #tpu.memory_space<vmem>> -> memref<1x128xi32, #tpu.memory_space<vmem>>
        %dma_wait3A_101 = tpu.memref_squeeze %dma_wait3A_100 : memref<1x128xi32, #tpu.memory_space<vmem>> -> memref<128xi32, #tpu.memory_space<vmem>>
        %dma_wait3A_102 = arith.constant 0 : i32
        %dma_wait3A_103 = arith.constant 0 : i32
        %dma_wait3A_104 = tpu.memref_slice %arg9[%arg0, %dma_wait3A_102, %dma_wait3A_103] : memref<2x10240x128xf32, #tpu.memory_space<hbm>> -> memref<1x10240x128xf32, #tpu.memory_space<hbm>>
        %dma_wait3A_105 = tpu.memref_squeeze %dma_wait3A_104 : memref<1x10240x128xf32, #tpu.memory_space<hbm>> -> memref<10240x128xf32, #tpu.memory_space<hbm>>
        %dma_wait3A_106 = arith.constant 0 : i32
        %dma_wait3A_107 = arith.constant 0 : i32
        %dma_wait3A_108 = tpu.memref_slice %dma_wait3A_105[%dma_wait3A_106, %dma_wait3A_107] : memref<10240x128xf32, #tpu.memory_space<hbm>> -> memref<10240x128xf32, #tpu.memory_space<hbm>>
        tpu.wait_indirect_dma semaphore(%arg16 : memref<!tpu.dma_semaphore, #tpu.memory_space<semaphore_mem>>) src(%dma_wait3A_108 : memref<10240x128xf32, #tpu.memory_space<hbm>>) dst(%arg13 : memref<128x128xf32, #tpu.memory_space<vmem>>)
        "tpu.region"() ({
          %run_scoped3A_146 = tpu.sem_alloc : memref<!tpu.dma_semaphore, #tpu.memory_space<semaphore_mem>>
          %dma_start3A_147 = arith.constant 0 : i32
          %dma_start3A_148 = tpu.memref_slice %arg11[%mul3A_97, %dma_start3A_147] : memref<16x128xi32, #tpu.memory_space<vmem>> -> memref<1x128xi32, #tpu.memory_space<vmem>>
          %dma_start3A_149 = tpu.memref_squeeze %dma_start3A_148 : memref<1x128xi32, #tpu.memory_space<vmem>> -> memref<128xi32, #tpu.memory_space<vmem>>
          %dma_start3A_150 = arith.constant 0 : i32
          %dma_start3A_151 = arith.constant 0 : i32
          %dma_start3A_152 = tpu.memref_slice %arg15[%dma_start3A_150, %dma_start3A_151] : memref<10240x128xf32, #tpu.memory_space<vmem_shared>> -> memref<10240x128xf32, #tpu.memory_space<vmem_shared>>
          tpu.enqueue_indirect_dma source(%arg13 : memref<128x128xf32, #tpu.memory_space<vmem>>) target(%dma_start3A_152 : memref<10240x128xf32, #tpu.memory_space<vmem_shared>>) offsets(%dma_start3A_149 : memref<128xi32, #tpu.memory_space<vmem>>) semaphore(%run_scoped3A_146 : memref<!tpu.dma_semaphore, #tpu.memory_space<semaphore_mem>>) {add = true}
          %dma_wait3A_153 = arith.constant 0 : i32
          %dma_wait3A_154 = tpu.memref_slice %arg11[%mul3A_97, %dma_wait3A_153] : memref<16x128xi32, #tpu.memory_space<vmem>> -> memref<1x128xi32, #tpu.memory_space<vmem>>
          %dma_wait3A_155 = tpu.memref_squeeze %dma_wait3A_154 : memref<1x128xi32, #tpu.memory_space<vmem>> -> memref<128xi32, #tpu.memory_space<vmem>>
          %dma_wait3A_156 = arith.constant 0 : i32
          %dma_wait3A_157 = arith.constant 0 : i32
          %dma_wait3A_158 = tpu.memref_slice %arg15[%dma_wait3A_156, %dma_wait3A_157] : memref<10240x128xf32, #tpu.memory_space<vmem_shared>> -> memref<10240x128xf32, #tpu.memory_space<vmem_shared>>
          tpu.wait_indirect_dma semaphore(%run_scoped3A_146 : memref<!tpu.dma_semaphore, #tpu.memory_space<semaphore_mem>>) src(%arg13 : memref<128x128xf32, #tpu.memory_space<vmem>>) dst(%dma_wait3A_158 : memref<10240x128xf32, #tpu.memory_space<vmem_shared>>)
          tpu.yield
        }) : () -> ()
        %add3A_109 = arith.constant 2 : i32
        %add3A_110 = arith.addi %mul3A_97, %add3A_109 : i32
        %dma_start3A_111 = arith.constant 0 : i32
        %dma_start3A_112 = tpu.memref_slice %arg10[%add3A_110, %dma_start3A_111] : memref<16x128xi32, #tpu.memory_space<vmem>> -> memref<1x128xi32, #tpu.memory_space<vmem>>
        %dma_start3A_113 = tpu.memref_squeeze %dma_start3A_112 : memref<1x128xi32, #tpu.memory_space<vmem>> -> memref<128xi32, #tpu.memory_space<vmem>>
        %dma_start3A_114 = arith.constant 0 : i32
        %dma_start3A_115 = arith.constant 0 : i32
        %dma_start3A_116 = tpu.memref_slice %arg9[%arg0, %dma_start3A_114, %dma_start3A_115] : memref<2x10240x128xf32, #tpu.memory_space<hbm>> -> memref<1x10240x128xf32, #tpu.memory_space<hbm>>
        %dma_start3A_117 = tpu.memref_squeeze %dma_start3A_116 : memref<1x10240x128xf32, #tpu.memory_space<hbm>> -> memref<10240x128xf32, #tpu.memory_space<hbm>>
        %dma_start3A_118 = arith.constant 0 : i32
        %dma_start3A_119 = arith.constant 0 : i32
        %dma_start3A_120 = tpu.memref_slice %dma_start3A_117[%dma_start3A_118, %dma_start3A_119] : memref<10240x128xf32, #tpu.memory_space<hbm>> -> memref<10240x128xf32, #tpu.memory_space<hbm>>
        tpu.enqueue_indirect_dma source(%dma_start3A_120 : memref<10240x128xf32, #tpu.memory_space<hbm>>) target(%arg13 : memref<128x128xf32, #tpu.memory_space<vmem>>) offsets(%dma_start3A_113 : memref<128xi32, #tpu.memory_space<vmem>>) semaphore(%arg16 : memref<!tpu.dma_semaphore, #tpu.memory_space<semaphore_mem>>)
        %dma_wait3A_121 = arith.constant 0 : i32
        %dma_wait3A_122 = arith.constant 0 : i32
        %dma_wait3A_123 = tpu.memref_slice %arg10[%dma_wait3A_121, %dma_wait3A_122] : memref<16x128xi32, #tpu.memory_space<vmem>> -> memref<1x128xi32, #tpu.memory_space<vmem>>
        %dma_wait3A_124 = tpu.memref_squeeze %dma_wait3A_123 : memref<1x128xi32, #tpu.memory_space<vmem>> -> memref<128xi32, #tpu.memory_space<vmem>>
        %dma_wait3A_125 = arith.constant 0 : i32
        %dma_wait3A_126 = arith.constant 0 : i32
        %dma_wait3A_127 = tpu.memref_slice %arg9[%arg0, %dma_wait3A_125, %dma_wait3A_126] : memref<2x10240x128xf32, #tpu.memory_space<hbm>> -> memref<1x10240x128xf32, #tpu.memory_space<hbm>>
        %dma_wait3A_128 = tpu.memref_squeeze %dma_wait3A_127 : memref<1x10240x128xf32, #tpu.memory_space<hbm>> -> memref<10240x128xf32, #tpu.memory_space<hbm>>
        %dma_wait3A_129 = arith.constant 0 : i32
        %dma_wait3A_130 = arith.constant 0 : i32
        %dma_wait3A_131 = tpu.memref_slice %dma_wait3A_128[%dma_wait3A_129, %dma_wait3A_130] : memref<10240x128xf32, #tpu.memory_space<hbm>> -> memref<10240x128xf32, #tpu.memory_space<hbm>>
        tpu.wait_indirect_dma semaphore(%arg17 : memref<!tpu.dma_semaphore, #tpu.memory_space<semaphore_mem>>) src(%dma_wait3A_131 : memref<10240x128xf32, #tpu.memory_space<hbm>>) dst(%arg14 : memref<128x128xf32, #tpu.memory_space<vmem>>)
        %add3A_132 = arith.constant 1 : i32
        %add3A_133 = arith.addi %mul3A_97, %add3A_132 : i32
        "tpu.region"() ({
          %run_scoped3A_146 = tpu.sem_alloc : memref<!tpu.dma_semaphore, #tpu.memory_space<semaphore_mem>>
          %dma_start3A_147 = arith.constant 0 : i32
          %dma_start3A_148 = tpu.memref_slice %arg11[%add3A_133, %dma_start3A_147] : memref<16x128xi32, #tpu.memory_space<vmem>> -> memref<1x128xi32, #tpu.memory_space<vmem>>
          %dma_start3A_149 = tpu.memref_squeeze %dma_start3A_148 : memref<1x128xi32, #tpu.memory_space<vmem>> -> memref<128xi32, #tpu.memory_space<vmem>>
          %dma_start3A_150 = arith.constant 0 : i32
          %dma_start3A_151 = arith.constant 0 : i32
          %dma_start3A_152 = tpu.memref_slice %arg15[%dma_start3A_150, %dma_start3A_151] : memref<10240x128xf32, #tpu.memory_space<vmem_shared>> -> memref<10240x128xf32, #tpu.memory_space<vmem_shared>>
          tpu.enqueue_indirect_dma source(%arg14 : memref<128x128xf32, #tpu.memory_space<vmem>>) target(%dma_start3A_152 : memref<10240x128xf32, #tpu.memory_space<vmem_shared>>) offsets(%dma_start3A_149 : memref<128xi32, #tpu.memory_space<vmem>>) semaphore(%run_scoped3A_146 : memref<!tpu.dma_semaphore, #tpu.memory_space<semaphore_mem>>) {add = true}
          %dma_wait3A_153 = arith.constant 0 : i32
          %dma_wait3A_154 = tpu.memref_slice %arg11[%add3A_133, %dma_wait3A_153] : memref<16x128xi32, #tpu.memory_space<vmem>> -> memref<1x128xi32, #tpu.memory_space<vmem>>
          %dma_wait3A_155 = tpu.memref_squeeze %dma_wait3A_154 : memref<1x128xi32, #tpu.memory_space<vmem>> -> memref<128xi32, #tpu.memory_space<vmem>>
          %dma_wait3A_156 = arith.constant 0 : i32
          %dma_wait3A_157 = arith.constant 0 : i32
          %dma_wait3A_158 = tpu.memref_slice %arg15[%dma_wait3A_156, %dma_wait3A_157] : memref<10240x128xf32, #tpu.memory_space<vmem_shared>> -> memref<10240x128xf32, #tpu.memory_space<vmem_shared>>
          tpu.wait_indirect_dma semaphore(%run_scoped3A_146 : memref<!tpu.dma_semaphore, #tpu.memory_space<semaphore_mem>>) src(%arg14 : memref<128x128xf32, #tpu.memory_space<vmem>>) dst(%dma_wait3A_158 : memref<10240x128xf32, #tpu.memory_space<vmem_shared>>)
          tpu.yield
        }) : () -> ()
        %add3A_134 = arith.constant 3 : i32
        %add3A_135 = arith.addi %mul3A_97, %add3A_134 : i32
        %dma_start3A_136 = arith.constant 0 : i32
        %dma_start3A_137 = tpu.memref_slice %arg10[%add3A_135, %dma_start3A_136] : memref<16x128xi32, #tpu.memory_space<vmem>> -> memref<1x128xi32, #tpu.memory_space<vmem>>
        %dma_start3A_138 = tpu.memref_squeeze %dma_start3A_137 : memref<1x128xi32, #tpu.memory_space<vmem>> -> memref<128xi32, #tpu.memory_space<vmem>>
        %dma_start3A_139 = arith.constant 0 : i32
        %dma_start3A_140 = arith.constant 0 : i32
        %dma_start3A_141 = tpu.memref_slice %arg9[%arg0, %dma_start3A_139, %dma_start3A_140] : memref<2x10240x128xf32, #tpu.memory_space<hbm>> -> memref<1x10240x128xf32, #tpu.memory_space<hbm>>
        %dma_start3A_142 = tpu.memref_squeeze %dma_start3A_141 : memref<1x10240x128xf32, #tpu.memory_space<hbm>> -> memref<10240x128xf32, #tpu.memory_space<hbm>>
        %dma_start3A_143 = arith.constant 0 : i32
        %dma_start3A_144 = arith.constant 0 : i32
        %dma_start3A_145 = tpu.memref_slice %dma_start3A_142[%dma_start3A_143, %dma_start3A_144] : memref<10240x128xf32, #tpu.memory_space<hbm>> -> memref<10240x128xf32, #tpu.memory_space<hbm>>
        tpu.enqueue_indirect_dma source(%dma_start3A_145 : memref<10240x128xf32, #tpu.memory_space<hbm>>) target(%arg14 : memref<128x128xf32, #tpu.memory_space<vmem>>) offsets(%dma_start3A_138 : memref<128xi32, #tpu.memory_space<vmem>>) semaphore(%arg17 : memref<!tpu.dma_semaphore, #tpu.memory_space<semaphore_mem>>)
      }
      %scan3A_72 = arith.constant 7 : i32
      %dma_wait3A = arith.constant 0 : i32
      %dma_wait3A_73 = arith.constant 0 : i32
      %dma_wait3A_74 = tpu.memref_slice %arg10[%dma_wait3A, %dma_wait3A_73] : memref<16x128xi32, #tpu.memory_space<vmem>> -> memref<1x128xi32, #tpu.memory_space<vmem>>
      %dma_wait3A_75 = tpu.memref_squeeze %dma_wait3A_74 : memref<1x128xi32, #tpu.memory_space<vmem>> -> memref<128xi32, #tpu.memory_space<vmem>>
      %dma_wait3A_76 = arith.constant 0 : i32
      %dma_wait3A_77 = arith.constant 0 : i32
      %dma_wait3A_78 = tpu.memref_slice %arg9[%arg0, %dma_wait3A_76, %dma_wait3A_77] : memref<2x10240x128xf32, #tpu.memory_space<hbm>> -> memref<1x10240x128xf32, #tpu.memory_space<hbm>>
      %dma_wait3A_79 = tpu.memref_squeeze %dma_wait3A_78 : memref<1x10240x128xf32, #tpu.memory_space<hbm>> -> memref<10240x128xf32, #tpu.memory_space<hbm>>
      %dma_wait3A_80 = arith.constant 0 : i32
      %dma_wait3A_81 = arith.constant 0 : i32
      %dma_wait3A_82 = tpu.memref_slice %dma_wait3A_79[%dma_wait3A_80, %dma_wait3A_81] : memref<10240x128xf32, #tpu.memory_space<hbm>> -> memref<10240x128xf32, #tpu.memory_space<hbm>>
      tpu.wait_indirect_dma semaphore(%arg16 : memref<!tpu.dma_semaphore, #tpu.memory_space<semaphore_mem>>) src(%dma_wait3A_82 : memref<10240x128xf32, #tpu.memory_space<hbm>>) dst(%arg13 : memref<128x128xf32, #tpu.memory_space<vmem>>)
      %run_scoped3A = arith.constant 14 : i32
      "tpu.region"() ({
        %run_scoped3A_95 = tpu.sem_alloc : memref<!tpu.dma_semaphore, #tpu.memory_space<semaphore_mem>>
        %dma_start3A_96 = arith.constant 0 : i32
        %dma_start3A_97 = tpu.memref_slice %arg11[%run_scoped3A, %dma_start3A_96] : memref<16x128xi32, #tpu.memory_space<vmem>> -> memref<1x128xi32, #tpu.memory_space<vmem>>
        %dma_start3A_98 = tpu.memref_squeeze %dma_start3A_97 : memref<1x128xi32, #tpu.memory_space<vmem>> -> memref<128xi32, #tpu.memory_space<vmem>>
        %dma_start3A_99 = arith.constant 0 : i32
        %dma_start3A_100 = arith.constant 0 : i32
        %dma_start3A_101 = tpu.memref_slice %arg15[%dma_start3A_99, %dma_start3A_100] : memref<10240x128xf32, #tpu.memory_space<vmem_shared>> -> memref<10240x128xf32, #tpu.memory_space<vmem_shared>>
        tpu.enqueue_indirect_dma source(%arg13 : memref<128x128xf32, #tpu.memory_space<vmem>>) target(%dma_start3A_101 : memref<10240x128xf32, #tpu.memory_space<vmem_shared>>) offsets(%dma_start3A_98 : memref<128xi32, #tpu.memory_space<vmem>>) semaphore(%run_scoped3A_95 : memref<!tpu.dma_semaphore, #tpu.memory_space<semaphore_mem>>) {add = true}
        %dma_wait3A_102 = arith.constant 0 : i32
        %dma_wait3A_103 = tpu.memref_slice %arg11[%run_scoped3A, %dma_wait3A_102] : memref<16x128xi32, #tpu.memory_space<vmem>> -> memref<1x128xi32, #tpu.memory_space<vmem>>
        %dma_wait3A_104 = tpu.memref_squeeze %dma_wait3A_103 : memref<1x128xi32, #tpu.memory_space<vmem>> -> memref<128xi32, #tpu.memory_space<vmem>>
        %dma_wait3A_105 = arith.constant 0 : i32
        %dma_wait3A_106 = arith.constant 0 : i32
        %dma_wait3A_107 = tpu.memref_slice %arg15[%dma_wait3A_105, %dma_wait3A_106] : memref<10240x128xf32, #tpu.memory_space<vmem_shared>> -> memref<10240x128xf32, #tpu.memory_space<vmem_shared>>
        tpu.wait_indirect_dma semaphore(%run_scoped3A_95 : memref<!tpu.dma_semaphore, #tpu.memory_space<semaphore_mem>>) src(%arg13 : memref<128x128xf32, #tpu.memory_space<vmem>>) dst(%dma_wait3A_107 : memref<10240x128xf32, #tpu.memory_space<vmem_shared>>)
        tpu.yield
      }) : () -> ()
      %dma_wait3A_83 = arith.constant 0 : i32
      %dma_wait3A_84 = arith.constant 0 : i32
      %dma_wait3A_85 = tpu.memref_slice %arg10[%dma_wait3A_83, %dma_wait3A_84] : memref<16x128xi32, #tpu.memory_space<vmem>> -> memref<1x128xi32, #tpu.memory_space<vmem>>
      %dma_wait3A_86 = tpu.memref_squeeze %dma_wait3A_85 : memref<1x128xi32, #tpu.memory_space<vmem>> -> memref<128xi32, #tpu.memory_space<vmem>>
      %dma_wait3A_87 = arith.constant 0 : i32
      %dma_wait3A_88 = arith.constant 0 : i32
      %dma_wait3A_89 = tpu.memref_slice %arg9[%arg0, %dma_wait3A_87, %dma_wait3A_88] : memref<2x10240x128xf32, #tpu.memory_space<hbm>> -> memref<1x10240x128xf32, #tpu.memory_space<hbm>>
      %dma_wait3A_90 = tpu.memref_squeeze %dma_wait3A_89 : memref<1x10240x128xf32, #tpu.memory_space<hbm>> -> memref<10240x128xf32, #tpu.memory_space<hbm>>
      %dma_wait3A_91 = arith.constant 0 : i32
      %dma_wait3A_92 = arith.constant 0 : i32
      %dma_wait3A_93 = tpu.memref_slice %dma_wait3A_90[%dma_wait3A_91, %dma_wait3A_92] : memref<10240x128xf32, #tpu.memory_space<hbm>> -> memref<10240x128xf32, #tpu.memory_space<hbm>>
      tpu.wait_indirect_dma semaphore(%arg17 : memref<!tpu.dma_semaphore, #tpu.memory_space<semaphore_mem>>) src(%dma_wait3A_93 : memref<10240x128xf32, #tpu.memory_space<hbm>>) dst(%arg14 : memref<128x128xf32, #tpu.memory_space<vmem>>)
      %run_scoped3A_94 = arith.constant 15 : i32
      "tpu.region"() ({
        %run_scoped3A_95 = tpu.sem_alloc : memref<!tpu.dma_semaphore, #tpu.memory_space<semaphore_mem>>
        %dma_start3A_96 = arith.constant 0 : i32
        %dma_start3A_97 = tpu.memref_slice %arg11[%run_scoped3A_94, %dma_start3A_96] : memref<16x128xi32, #tpu.memory_space<vmem>> -> memref<1x128xi32, #tpu.memory_space<vmem>>
        %dma_start3A_98 = tpu.memref_squeeze %dma_start3A_97 : memref<1x128xi32, #tpu.memory_space<vmem>> -> memref<128xi32, #tpu.memory_space<vmem>>
        %dma_start3A_99 = arith.constant 0 : i32
        %dma_start3A_100 = arith.constant 0 : i32
        %dma_start3A_101 = tpu.memref_slice %arg15[%dma_start3A_99, %dma_start3A_100] : memref<10240x128xf32, #tpu.memory_space<vmem_shared>> -> memref<10240x128xf32, #tpu.memory_space<vmem_shared>>
        tpu.enqueue_indirect_dma source(%arg14 : memref<128x128xf32, #tpu.memory_space<vmem>>) target(%dma_start3A_101 : memref<10240x128xf32, #tpu.memory_space<vmem_shared>>) offsets(%dma_start3A_98 : memref<128xi32, #tpu.memory_space<vmem>>) semaphore(%run_scoped3A_95 : memref<!tpu.dma_semaphore, #tpu.memory_space<semaphore_mem>>) {add = true}
        %dma_wait3A_102 = arith.constant 0 : i32
        %dma_wait3A_103 = tpu.memref_slice %arg11[%run_scoped3A_94, %dma_wait3A_102] : memref<16x128xi32, #tpu.memory_space<vmem>> -> memref<1x128xi32, #tpu.memory_space<vmem>>
        %dma_wait3A_104 = tpu.memref_squeeze %dma_wait3A_103 : memref<1x128xi32, #tpu.memory_space<vmem>> -> memref<128xi32, #tpu.memory_space<vmem>>
        %dma_wait3A_105 = arith.constant 0 : i32
        %dma_wait3A_106 = arith.constant 0 : i32
        %dma_wait3A_107 = tpu.memref_slice %arg15[%dma_wait3A_105, %dma_wait3A_106] : memref<10240x128xf32, #tpu.memory_space<vmem_shared>> -> memref<10240x128xf32, #tpu.memory_space<vmem_shared>>
        tpu.wait_indirect_dma semaphore(%run_scoped3A_95 : memref<!tpu.dma_semaphore, #tpu.memory_space<semaphore_mem>>) src(%arg14 : memref<128x128xf32, #tpu.memory_space<vmem>>) dst(%dma_wait3A_107 : memref<10240x128xf32, #tpu.memory_space<vmem_shared>>)
        tpu.yield
      }) : () -> ()
    }
    %scan3A_34 = arith.constant 10 : i32
    %barrier3A_35 = arith.constant 0 : index
    tpu.barrier barrier_id(%barrier3A_35)
    %mul3A_36 = arith.constant 640 : i32
    %mul3A_37 = arith.muli %arg1, %mul3A_36 : i32
    %mul3A_38 = arith.constant 640 : i32
    %mul3A_39 = arith.muli %arg1, %mul3A_38 : i32
    "tpu.region"() ({
      %run_scoped3A = tpu.sem_alloc : memref<!tpu.dma_semaphore, #tpu.memory_space<semaphore_mem>>
      %dma_start3A = arith.constant 0 : i32
      %dma_start3A_40 = arith.constant 0 : i32
      %dma_start3A_41 = tpu.memref_slice %arg8[%arg0, %dma_start3A, %dma_start3A_40] : memref<2x10240x128xf32, #tpu.memory_space<hbm>> -> memref<1x10240x128xf32, #tpu.memory_space<hbm>>
      %dma_start3A_42 = tpu.memref_squeeze %dma_start3A_41 : memref<1x10240x128xf32, #tpu.memory_space<hbm>> -> memref<10240x128xf32, #tpu.memory_space<hbm>>
      %dma_start3A_43 = arith.constant 0 : i32
      %dma_start3A_44 = tpu.memref_slice %dma_start3A_42[%mul3A_39, %dma_start3A_43] : memref<10240x128xf32, #tpu.memory_space<hbm>> -> memref<640x128xf32, #tpu.memory_space<hbm>>
      %dma_start3A_45 = arith.constant 0 : i32
      %dma_start3A_46 = tpu.memref_slice %arg15[%mul3A_37, %dma_start3A_45] : memref<10240x128xf32, #tpu.memory_space<vmem_shared>> -> memref<640x128xf32, #tpu.memory_space<vmem_shared>>
      tpu.enqueue_dma source(%dma_start3A_46 : memref<640x128xf32, #tpu.memory_space<vmem_shared>>) target(%dma_start3A_44 : memref<640x128xf32, #tpu.memory_space<hbm>>) target_semaphore(%run_scoped3A : memref<!tpu.dma_semaphore, #tpu.memory_space<semaphore_mem>>)
      %dma_wait3A = arith.constant 0 : i32
      %dma_wait3A_47 = arith.constant 0 : i32
      %dma_wait3A_48 = tpu.memref_slice %arg8[%arg0, %dma_wait3A, %dma_wait3A_47] : memref<2x10240x128xf32, #tpu.memory_space<hbm>> -> memref<1x10240x128xf32, #tpu.memory_space<hbm>>
      %dma_wait3A_49 = tpu.memref_squeeze %dma_wait3A_48 : memref<1x10240x128xf32, #tpu.memory_space<hbm>> -> memref<10240x128xf32, #tpu.memory_space<hbm>>
      %dma_wait3A_50 = arith.constant 0 : i32
      %dma_wait3A_51 = tpu.memref_slice %dma_wait3A_49[%mul3A_39, %dma_wait3A_50] : memref<10240x128xf32, #tpu.memory_space<hbm>> -> memref<640x128xf32, #tpu.memory_space<hbm>>
      %dma_wait3A_52 = arith.constant 0 : i32
      %dma_wait3A_53 = tpu.memref_slice %arg15[%mul3A_37, %dma_wait3A_52] : memref<10240x128xf32, #tpu.memory_space<vmem_shared>> -> memref<640x128xf32, #tpu.memory_space<vmem_shared>>
      tpu.wait_dma2 semaphore(%run_scoped3A : memref<!tpu.dma_semaphore, #tpu.memory_space<semaphore_mem>>) src(%dma_wait3A_53 : memref<640x128xf32, #tpu.memory_space<vmem_shared>>) dst(%dma_wait3A_51 : memref<640x128xf32, #tpu.memory_space<hbm>>)
      tpu.yield
    }) : () -> ()
    return
  }
}

module attributes {stable_mosaic.version = 14 : i64} {
  func.func @body(%arg0: i32, %arg1: memref<1000x128xf32, #tpu.memory_space<vmem>>, %arg2: memref<1000x128xf32, #tpu.memory_space<vmem>>, %arg3: memref<1x1000x128xf32, #tpu.memory_space<vmem>>, %arg4: memref<1x1000x128xf32, #tpu.memory_space<vmem>>, %arg5: memref<1x1000x128xf32, #tpu.memory_space<vmem>>, %arg6: memref<1x1000x128xf32, #tpu.memory_space<vmem>>, %arg7: memref<1x1000x128xf32, #tpu.memory_space<vmem>>, %arg8: memref<1x1000x128xf32, #tpu.memory_space<vmem>>, %arg9: memref<1x128xf32, #tpu.memory_space<vmem>>, %arg10: memref<1x128xf32, #tpu.memory_space<vmem>>, %arg11: memref<128x128xf32, #tpu.memory_space<vmem>>, %arg12: memref<128x128xf32, #tpu.memory_space<vmem>>, %arg13: memref<128x128xf32, #tpu.memory_space<vmem>>, %arg14: memref<128x128xf32, #tpu.memory_space<vmem>>, %arg15: memref<1000x128xf32, #tpu.memory_space<vmem>>, %arg16: memref<1000x128xf32, #tpu.memory_space<vmem>>, %arg17: memref<1000x128xf32, #tpu.memory_space<vmem>>, %arg18: memref<1000x128xf32, #tpu.memory_space<vmem>>, %arg19: memref<2x128xf32, #tpu.memory_space<vmem>>, %arg20: memref<2x128xf32, #tpu.memory_space<vmem>>) attributes {dimension_semantics = [#tpu.dimension_semantics<arbitrary>], iteration_bounds = array<i64: 10>, scalar_prefetch = 0 : i64, scratch_operands = 1 : i64, tpu.core_type = #tpu.core_type<tc>, window_params = [{transform_indices = @transform_0, window_bounds = array<i64: 1000, 128>}, {transform_indices = @transform_1, window_bounds = array<i64: 1000, 128>}, {transform_indices = @transform_2, window_bounds = array<i64: 1, 1000, 128>}, {transform_indices = @transform_3, window_bounds = array<i64: 1, 1000, 128>}, {transform_indices = @transform_4, window_bounds = array<i64: 1, 1000, 128>}, {transform_indices = @transform_5, window_bounds = array<i64: 1, 1000, 128>}, {transform_indices = @transform_6, window_bounds = array<i64: 1, 1000, 128>}, {transform_indices = @transform_7, window_bounds = array<i64: 1, 1000, 128>}, {pipeline_mode = #tpu.pipeline_mode<synchronous>, transform_indices = @transform_8, window_bounds = array<i64: 1, 128>}, {pipeline_mode = #tpu.pipeline_mode<synchronous>, transform_indices = @transform_9, window_bounds = array<i64: 1, 128>}, {pipeline_mode = #tpu.pipeline_mode<synchronous>, transform_indices = @transform_10, window_bounds = array<i64: 128, 128>}, {pipeline_mode = #tpu.pipeline_mode<synchronous>, transform_indices = @transform_11, window_bounds = array<i64: 128, 128>}, {pipeline_mode = #tpu.pipeline_mode<synchronous>, transform_indices = @transform_12, window_bounds = array<i64: 128, 128>}, {pipeline_mode = #tpu.pipeline_mode<synchronous>, transform_indices = @transform_13, window_bounds = array<i64: 128, 128>}, {transform_indices = @transform_14, window_bounds = array<i64: 1000, 128>}, {transform_indices = @transform_15, window_bounds = array<i64: 1000, 128>}, {transform_indices = @transform_16, window_bounds = array<i64: 1000, 128>}, {transform_indices = @transform_17, window_bounds = array<i64: 1000, 128>}, {pipeline_mode = #tpu.pipeline_mode<synchronous>, transform_indices = @transform_18, window_bounds = array<i64: 2, 128>}]} {
    %get3A = arith.constant 0 : index
    %get3A_0 = arith.constant 0 : index
    %get3A_1 = vector.load %arg9[%get3A, %get3A_0] : memref<1x128xf32, #tpu.memory_space<vmem>>, vector<1x128xf32>
    %get3A_2 = arith.constant 0 : index
    %get3A_3 = arith.constant 0 : index
    %get3A_4 = vector.load %arg10[%get3A_2, %get3A_3] : memref<1x128xf32, #tpu.memory_space<vmem>>, vector<1x128xf32>
    %get3A_5 = arith.constant 0 : index
    %get3A_6 = arith.constant 0 : index
    %get3A_7 = vector.load %arg1[%get3A_5, %get3A_6] : memref<1000x128xf32, #tpu.memory_space<vmem>>, vector<1000x128xf32>
    %mul3A = vector.broadcast %get3A_1 : vector<1x128xf32> to vector<1000x128xf32>
    %mul3A_8 = arith.mulf %get3A_7, %mul3A : vector<1000x128xf32>
    %get3A_9 = arith.constant 0 : index
    %get3A_10 = arith.constant 0 : index
    %get3A_11 = vector.load %arg11[%get3A_9, %get3A_10] : memref<128x128xf32, #tpu.memory_space<vmem>>, vector<128x128xf32>
    %dot_general3A = arith.constant dense<0.000000e+00> : vector<1000x128xf32>
    %dot_general3A_12 = tpu.matmul %mul3A_8, %get3A_11, %dot_general3A {dimension_numbers = #tpu.dot_dimension_numbers<[1], [0], [0], [1], [0, 0, 1, 1], [], []>, transpose_lhs_hint = false} : vector<1000x128xf32>, vector<128x128xf32>, vector<1000x128xf32> -> vector<1000x128xf32>
    %get3A_13 = arith.constant 0 : index
    %get3A_14 = arith.constant 0 : index
    %get3A_15 = arith.constant 0 : index
    %get3A_16 = vector.load %arg3[%get3A_13, %get3A_14, %get3A_15] : memref<1x1000x128xf32, #tpu.memory_space<vmem>>, vector<1x1000x128xf32>
    %get3A_17 = vector.shape_cast %get3A_16 : vector<1x1000x128xf32> to vector<1000x128xf32>
    %mul3A_18 = vector.broadcast %get3A_4 : vector<1x128xf32> to vector<1000x128xf32>
    %mul3A_19 = arith.mulf %get3A_17, %mul3A_18 : vector<1000x128xf32>
    %get3A_20 = arith.constant 0 : index
    %get3A_21 = arith.constant 0 : index
    %get3A_22 = vector.load %arg13[%get3A_20, %get3A_21] : memref<128x128xf32, #tpu.memory_space<vmem>>, vector<128x128xf32>
    %dot_general3A_23 = arith.constant dense<0.000000e+00> : vector<1000x128xf32>
    %dot_general3A_24 = tpu.matmul %mul3A_19, %get3A_22, %dot_general3A_23 {dimension_numbers = #tpu.dot_dimension_numbers<[1], [0], [0], [1], [0, 0, 1, 1], [], []>, transpose_lhs_hint = false} : vector<1000x128xf32>, vector<128x128xf32>, vector<1000x128xf32> -> vector<1000x128xf32>
    %add3A = arith.addf %dot_general3A_12, %dot_general3A_24 : vector<1000x128xf32>
    %max3A = arith.constant 0.000000e+00 : f32
    %max3A_25 = vector.broadcast %max3A : f32 to vector<1000x128xf32>
    %max3A_26 = arith.maximumf %add3A, %max3A_25 : vector<1000x128xf32>
    %get3A_27 = arith.constant 0 : index
    %get3A_28 = arith.constant 0 : index
    %get3A_29 = arith.constant 0 : index
    %get3A_30 = vector.load %arg8[%get3A_27, %get3A_28, %get3A_29] : memref<1x1000x128xf32, #tpu.memory_space<vmem>>, vector<1x1000x128xf32>
    %get3A_31 = vector.shape_cast %get3A_30 : vector<1x1000x128xf32> to vector<1000x128xf32>
    %mul3A_32 = vector.broadcast %get3A_1 : vector<1x128xf32> to vector<1000x128xf32>
    %mul3A_33 = arith.mulf %get3A_31, %mul3A_32 : vector<1000x128xf32>
    %get3A_34 = arith.constant 0 : index
    %get3A_35 = arith.constant 0 : index
    %get3A_36 = vector.load %arg11[%get3A_34, %get3A_35] : memref<128x128xf32, #tpu.memory_space<vmem>>, vector<128x128xf32>
    %dot_general3A_37 = arith.constant dense<0.000000e+00> : vector<1000x128xf32>
    %dot_general3A_38 = tpu.matmul %mul3A_33, %get3A_36, %dot_general3A_37 {dimension_numbers = #tpu.dot_dimension_numbers<[1], [0], [0], [1], [0, 0, 1, 1], [], []>, transpose_lhs_hint = false} : vector<1000x128xf32>, vector<128x128xf32>, vector<1000x128xf32> -> vector<1000x128xf32>
    %get3A_39 = arith.constant 0 : index
    %get3A_40 = arith.constant 0 : index
    %get3A_41 = arith.constant 0 : index
    %get3A_42 = vector.load %arg5[%get3A_39, %get3A_40, %get3A_41] : memref<1x1000x128xf32, #tpu.memory_space<vmem>>, vector<1x1000x128xf32>
    %get3A_43 = vector.shape_cast %get3A_42 : vector<1x1000x128xf32> to vector<1000x128xf32>
    %mul3A_44 = vector.broadcast %get3A_4 : vector<1x128xf32> to vector<1000x128xf32>
    %mul3A_45 = arith.mulf %get3A_43, %mul3A_44 : vector<1000x128xf32>
    %get3A_46 = arith.constant 0 : index
    %get3A_47 = arith.constant 0 : index
    %get3A_48 = vector.load %arg13[%get3A_46, %get3A_47] : memref<128x128xf32, #tpu.memory_space<vmem>>, vector<128x128xf32>
    %dot_general3A_49 = arith.constant dense<0.000000e+00> : vector<1000x128xf32>
    %dot_general3A_50 = tpu.matmul %mul3A_45, %get3A_48, %dot_general3A_49 {dimension_numbers = #tpu.dot_dimension_numbers<[1], [0], [0], [1], [0, 0, 1, 1], [], []>, transpose_lhs_hint = false} : vector<1000x128xf32>, vector<128x128xf32>, vector<1000x128xf32> -> vector<1000x128xf32>
    %add3A_51 = arith.addf %dot_general3A_38, %dot_general3A_50 : vector<1000x128xf32>
    %max3A_52 = arith.constant 0.000000e+00 : f32
    %max3A_53 = vector.broadcast %max3A_52 : f32 to vector<1000x128xf32>
    %max3A_54 = arith.maximumf %add3A_51, %max3A_53 : vector<1000x128xf32>
    %get3A_55 = arith.constant 0 : index
    %get3A_56 = arith.constant 0 : index
    %get3A_57 = vector.load %arg2[%get3A_55, %get3A_56] : memref<1000x128xf32, #tpu.memory_space<vmem>>, vector<1000x128xf32>
    %mul3A_58 = vector.broadcast %get3A_4 : vector<1x128xf32> to vector<1000x128xf32>
    %mul3A_59 = arith.mulf %get3A_57, %mul3A_58 : vector<1000x128xf32>
    %get3A_60 = arith.constant 0 : index
    %get3A_61 = arith.constant 0 : index
    %get3A_62 = vector.load %arg12[%get3A_60, %get3A_61] : memref<128x128xf32, #tpu.memory_space<vmem>>, vector<128x128xf32>
    %dot_general3A_63 = arith.constant dense<0.000000e+00> : vector<1000x128xf32>
    %dot_general3A_64 = tpu.matmul %mul3A_59, %get3A_62, %dot_general3A_63 {dimension_numbers = #tpu.dot_dimension_numbers<[1], [0], [0], [1], [0, 0, 1, 1], [], []>, transpose_lhs_hint = false} : vector<1000x128xf32>, vector<128x128xf32>, vector<1000x128xf32> -> vector<1000x128xf32>
    %get3A_65 = arith.constant 0 : index
    %get3A_66 = arith.constant 0 : index
    %get3A_67 = arith.constant 0 : index
    %get3A_68 = vector.load %arg4[%get3A_65, %get3A_66, %get3A_67] : memref<1x1000x128xf32, #tpu.memory_space<vmem>>, vector<1x1000x128xf32>
    %get3A_69 = vector.shape_cast %get3A_68 : vector<1x1000x128xf32> to vector<1000x128xf32>
    %mul3A_70 = vector.broadcast %get3A_1 : vector<1x128xf32> to vector<1000x128xf32>
    %mul3A_71 = arith.mulf %get3A_69, %mul3A_70 : vector<1000x128xf32>
    %get3A_72 = arith.constant 0 : index
    %get3A_73 = arith.constant 0 : index
    %get3A_74 = vector.load %arg14[%get3A_72, %get3A_73] : memref<128x128xf32, #tpu.memory_space<vmem>>, vector<128x128xf32>
    %dot_general3A_75 = arith.constant dense<0.000000e+00> : vector<1000x128xf32>
    %dot_general3A_76 = tpu.matmul %mul3A_71, %get3A_74, %dot_general3A_75 {dimension_numbers = #tpu.dot_dimension_numbers<[1], [0], [0], [1], [0, 0, 1, 1], [], []>, transpose_lhs_hint = false} : vector<1000x128xf32>, vector<128x128xf32>, vector<1000x128xf32> -> vector<1000x128xf32>
    %add3A_77 = arith.addf %dot_general3A_64, %dot_general3A_76 : vector<1000x128xf32>
    %max3A_78 = arith.constant 0.000000e+00 : f32
    %max3A_79 = vector.broadcast %max3A_78 : f32 to vector<1000x128xf32>
    %max3A_80 = arith.maximumf %add3A_77, %max3A_79 : vector<1000x128xf32>
    %get3A_81 = arith.constant 0 : index
    %get3A_82 = arith.constant 0 : index
    %get3A_83 = arith.constant 0 : index
    %get3A_84 = vector.load %arg7[%get3A_81, %get3A_82, %get3A_83] : memref<1x1000x128xf32, #tpu.memory_space<vmem>>, vector<1x1000x128xf32>
    %get3A_85 = vector.shape_cast %get3A_84 : vector<1x1000x128xf32> to vector<1000x128xf32>
    %mul3A_86 = vector.broadcast %get3A_4 : vector<1x128xf32> to vector<1000x128xf32>
    %mul3A_87 = arith.mulf %get3A_85, %mul3A_86 : vector<1000x128xf32>
    %get3A_88 = arith.constant 0 : index
    %get3A_89 = arith.constant 0 : index
    %get3A_90 = vector.load %arg12[%get3A_88, %get3A_89] : memref<128x128xf32, #tpu.memory_space<vmem>>, vector<128x128xf32>
    %dot_general3A_91 = arith.constant dense<0.000000e+00> : vector<1000x128xf32>
    %dot_general3A_92 = tpu.matmul %mul3A_87, %get3A_90, %dot_general3A_91 {dimension_numbers = #tpu.dot_dimension_numbers<[1], [0], [0], [1], [0, 0, 1, 1], [], []>, transpose_lhs_hint = false} : vector<1000x128xf32>, vector<128x128xf32>, vector<1000x128xf32> -> vector<1000x128xf32>
    %get3A_93 = arith.constant 0 : index
    %get3A_94 = arith.constant 0 : index
    %get3A_95 = arith.constant 0 : index
    %get3A_96 = vector.load %arg6[%get3A_93, %get3A_94, %get3A_95] : memref<1x1000x128xf32, #tpu.memory_space<vmem>>, vector<1x1000x128xf32>
    %get3A_97 = vector.shape_cast %get3A_96 : vector<1x1000x128xf32> to vector<1000x128xf32>
    %mul3A_98 = vector.broadcast %get3A_1 : vector<1x128xf32> to vector<1000x128xf32>
    %mul3A_99 = arith.mulf %get3A_97, %mul3A_98 : vector<1000x128xf32>
    %get3A_100 = arith.constant 0 : index
    %get3A_101 = arith.constant 0 : index
    %get3A_102 = vector.load %arg14[%get3A_100, %get3A_101] : memref<128x128xf32, #tpu.memory_space<vmem>>, vector<128x128xf32>
    %dot_general3A_103 = arith.constant dense<0.000000e+00> : vector<1000x128xf32>
    %dot_general3A_104 = tpu.matmul %mul3A_99, %get3A_102, %dot_general3A_103 {dimension_numbers = #tpu.dot_dimension_numbers<[1], [0], [0], [1], [0, 0, 1, 1], [], []>, transpose_lhs_hint = false} : vector<1000x128xf32>, vector<128x128xf32>, vector<1000x128xf32> -> vector<1000x128xf32>
    %add3A_105 = arith.addf %dot_general3A_92, %dot_general3A_104 : vector<1000x128xf32>
    %max3A_106 = arith.constant 0.000000e+00 : f32
    %max3A_107 = vector.broadcast %max3A_106 : f32 to vector<1000x128xf32>
    %max3A_108 = arith.maximumf %add3A_105, %max3A_107 : vector<1000x128xf32>
    %swap3A = arith.constant 0 : index
    %swap3A_109 = arith.constant 0 : index
    %swap3A_110 = vector.load %arg15[%swap3A, %swap3A_109] : memref<1000x128xf32, #tpu.memory_space<vmem>>, vector<1000x128xf32>
    tpu.vector_store %arg15[%swap3A, %swap3A_109], %max3A_26 {strides = array<i32>} : memref<1000x128xf32, #tpu.memory_space<vmem>>, vector<1000x128xf32>,
    %swap3A_111 = arith.constant 0 : index
    %swap3A_112 = arith.constant 0 : index
    %swap3A_113 = vector.load %arg16[%swap3A_111, %swap3A_112] : memref<1000x128xf32, #tpu.memory_space<vmem>>, vector<1000x128xf32>
    tpu.vector_store %arg16[%swap3A_111, %swap3A_112], %max3A_54 {strides = array<i32>} : memref<1000x128xf32, #tpu.memory_space<vmem>>, vector<1000x128xf32>,
    %swap3A_114 = arith.constant 0 : index
    %swap3A_115 = arith.constant 0 : index
    %swap3A_116 = vector.load %arg17[%swap3A_114, %swap3A_115] : memref<1000x128xf32, #tpu.memory_space<vmem>>, vector<1000x128xf32>
    tpu.vector_store %arg17[%swap3A_114, %swap3A_115], %max3A_80 {strides = array<i32>} : memref<1000x128xf32, #tpu.memory_space<vmem>>, vector<1000x128xf32>,
    %swap3A_117 = arith.constant 0 : index
    %swap3A_118 = arith.constant 0 : index
    %swap3A_119 = vector.load %arg18[%swap3A_117, %swap3A_118] : memref<1000x128xf32, #tpu.memory_space<vmem>>, vector<1000x128xf32>
    tpu.vector_store %arg18[%swap3A_117, %swap3A_118], %max3A_108 {strides = array<i32>} : memref<1000x128xf32, #tpu.memory_space<vmem>>, vector<1000x128xf32>,
    %eq3A = arith.constant 0 : i32
    %eq3A_120 = arith.cmpi eq, %arg0, %eq3A : i32
    %convert_element_type3A = arith.extui %eq3A_120 : i1 to i32
    %cond3A = arith.constant 0 : i32
    %cond3A_121 = arith.cmpi ne, %convert_element_type3A, %cond3A : i32
    scf.if %cond3A_121 {
      %broadcast_in_dim3A_145 = arith.constant 0.000000e+00 : f32
      %broadcast_in_dim3A_146 = vector.broadcast %broadcast_in_dim3A_145 : f32 to vector<2x128xf32>
      %swap3A_147 = arith.constant 0 : index
      %swap3A_148 = arith.constant 0 : index
      %swap3A_149 = vector.load %arg20[%swap3A_147, %swap3A_148] : memref<2x128xf32, #tpu.memory_space<vmem>>, vector<2x128xf32>
      tpu.vector_store %arg20[%swap3A_147, %swap3A_148], %broadcast_in_dim3A_146 {strides = array<i32>} : memref<2x128xf32, #tpu.memory_space<vmem>>, vector<2x128xf32>,
    } else {
    }
    %get3A_122 = arith.constant 0 : index
    %get3A_123 = arith.constant 0 : index
    %get3A_124 = vector.load %arg20[%get3A_122, %get3A_123] : memref<2x128xf32, #tpu.memory_space<vmem>>, vector<1x128xf32>
    %reduce_sum3A = arith.constant dense<0.000000e+00> : vector<128xf32>
    %reduce_sum3A_125 = vector.multi_reduction <add>, %max3A_26, %reduce_sum3A [0] : vector<1000x128xf32> to vector<128xf32>
    %broadcast_in_dim3A = vector.shape_cast %reduce_sum3A_125 : vector<128xf32> to vector<1x128xf32>
    %add3A_126 = arith.addf %get3A_124, %broadcast_in_dim3A : vector<1x128xf32>
    %swap3A_127 = arith.constant 0 : index
    %swap3A_128 = arith.constant 0 : index
    %swap3A_129 = vector.load %arg20[%swap3A_127, %swap3A_128] : memref<2x128xf32, #tpu.memory_space<vmem>>, vector<1x128xf32>
    tpu.vector_store %arg20[%swap3A_127, %swap3A_128], %add3A_126 {strides = array<i32>} : memref<2x128xf32, #tpu.memory_space<vmem>>, vector<1x128xf32>,
    %get3A_130 = arith.constant 1 : index
    %get3A_131 = arith.constant 0 : index
    %get3A_132 = vector.load %arg20[%get3A_130, %get3A_131] : memref<2x128xf32, #tpu.memory_space<vmem>>, vector<1x128xf32>
    %reduce_sum3A_133 = arith.constant dense<0.000000e+00> : vector<128xf32>
    %reduce_sum3A_134 = vector.multi_reduction <add>, %max3A_80, %reduce_sum3A_133 [0] : vector<1000x128xf32> to vector<128xf32>
    %broadcast_in_dim3A_135 = vector.shape_cast %reduce_sum3A_134 : vector<128xf32> to vector<1x128xf32>
    %add3A_136 = arith.addf %get3A_132, %broadcast_in_dim3A_135 : vector<1x128xf32>
    %swap3A_137 = arith.constant 1 : index
    %swap3A_138 = arith.constant 0 : index
    %swap3A_139 = vector.load %arg20[%swap3A_137, %swap3A_138] : memref<2x128xf32, #tpu.memory_space<vmem>>, vector<1x128xf32>
    tpu.vector_store %arg20[%swap3A_137, %swap3A_138], %add3A_136 {strides = array<i32>} : memref<2x128xf32, #tpu.memory_space<vmem>>, vector<1x128xf32>,
    %eq3A_140 = arith.constant 9 : i32
    %eq3A_141 = arith.cmpi eq, %arg0, %eq3A_140 : i32
    %convert_element_type3A_142 = arith.extui %eq3A_141 : i1 to i32
    %cond3A_143 = arith.constant 0 : i32
    %cond3A_144 = arith.cmpi ne, %convert_element_type3A_142, %cond3A_143 : i32
    scf.if %cond3A_144 {
      %get3A_145 = arith.constant 0 : index
      %get3A_146 = arith.constant 0 : index
      %get3A_147 = vector.load %arg20[%get3A_145, %get3A_146] : memref<2x128xf32, #tpu.memory_space<vmem>>, vector<2x128xf32>
      %swap3A_148 = arith.constant 0 : index
      %swap3A_149 = arith.constant 0 : index
      %swap3A_150 = vector.load %arg19[%swap3A_148, %swap3A_149] : memref<2x128xf32, #tpu.memory_space<vmem>>, vector<2x128xf32>
      tpu.vector_store %arg19[%swap3A_148, %swap3A_149], %get3A_147 {strides = array<i32>} : memref<2x128xf32, #tpu.memory_space<vmem>>, vector<2x128xf32>,
    } else {
    }
    return
  }
  func.func @transform_0(%arg0: i32) -> (i32, i32) {
    %c0_i32 = arith.constant 0 : i32
    %c0_i32_0 = arith.constant 0 : i32
    return %arg0, %c0_i32 : i32, i32
  }
  func.func @transform_1(%arg0: i32) -> (i32, i32) {
    %c0_i32 = arith.constant 0 : i32
    %c0_i32_0 = arith.constant 0 : i32
    return %arg0, %c0_i32 : i32, i32
  }
  func.func @transform_2(%arg0: i32) -> (i32, i32, i32) {
    %c0_i32 = arith.constant 0 : i32
    %c0_i32_0 = arith.constant 0 : i32
    %c0_i32_1 = arith.constant 0 : i32
    return %c0_i32, %arg0, %c0_i32_0 : i32, i32, i32
  }
  func.func @transform_3(%arg0: i32) -> (i32, i32, i32) {
    %c1_i32 = arith.constant 1 : i32
    %c0_i32 = arith.constant 0 : i32
    %c0_i32_0 = arith.constant 0 : i32
    return %c1_i32, %arg0, %c0_i32 : i32, i32, i32
  }
  func.func @transform_4(%arg0: i32) -> (i32, i32, i32) {
    %c0_i32 = arith.constant 0 : i32
    %c0_i32_0 = arith.constant 0 : i32
    %c0_i32_1 = arith.constant 0 : i32
    return %c0_i32, %arg0, %c0_i32_0 : i32, i32, i32
  }
  func.func @transform_5(%arg0: i32) -> (i32, i32, i32) {
    %c1_i32 = arith.constant 1 : i32
    %c0_i32 = arith.constant 0 : i32
    %c0_i32_0 = arith.constant 0 : i32
    return %c1_i32, %arg0, %c0_i32 : i32, i32, i32
  }
  func.func @transform_6(%arg0: i32) -> (i32, i32, i32) {
    %c0_i32 = arith.constant 0 : i32
    %c0_i32_0 = arith.constant 0 : i32
    %c0_i32_1 = arith.constant 0 : i32
    return %c0_i32, %arg0, %c0_i32_0 : i32, i32, i32
  }
  func.func @transform_7(%arg0: i32) -> (i32, i32, i32) {
    %c1_i32 = arith.constant 1 : i32
    %c0_i32 = arith.constant 0 : i32
    %c0_i32_0 = arith.constant 0 : i32
    return %c1_i32, %arg0, %c0_i32 : i32, i32, i32
  }
  func.func @transform_8(%arg0: i32) -> (i32, i32) {
    %c0_i32 = arith.constant 0 : i32
    %c0_i32_0 = arith.constant 0 : i32
    %c0_i32_1 = arith.constant 0 : i32
    return %c0_i32, %c0_i32_0 : i32, i32
  }
  func.func @transform_9(%arg0: i32) -> (i32, i32) {
    %c0_i32 = arith.constant 0 : i32
    %c0_i32_0 = arith.constant 0 : i32
    %c0_i32_1 = arith.constant 0 : i32
    return %c0_i32, %c0_i32_0 : i32, i32
  }
  func.func @transform_10(%arg0: i32) -> (i32, i32) {
    %c0_i32 = arith.constant 0 : i32
    %c0_i32_0 = arith.constant 0 : i32
    %c0_i32_1 = arith.constant 0 : i32
    return %c0_i32, %c0_i32_0 : i32, i32
  }
  func.func @transform_11(%arg0: i32) -> (i32, i32) {
    %c0_i32 = arith.constant 0 : i32
    %c0_i32_0 = arith.constant 0 : i32
    %c0_i32_1 = arith.constant 0 : i32
    return %c0_i32, %c0_i32_0 : i32, i32
  }
  func.func @transform_12(%arg0: i32) -> (i32, i32) {
    %c0_i32 = arith.constant 0 : i32
    %c0_i32_0 = arith.constant 0 : i32
    %c0_i32_1 = arith.constant 0 : i32
    return %c0_i32, %c0_i32_0 : i32, i32
  }
  func.func @transform_13(%arg0: i32) -> (i32, i32) {
    %c0_i32 = arith.constant 0 : i32
    %c0_i32_0 = arith.constant 0 : i32
    %c0_i32_1 = arith.constant 0 : i32
    return %c0_i32, %c0_i32_0 : i32, i32
  }
  func.func @transform_14(%arg0: i32) -> (i32, i32) {
    %c0_i32 = arith.constant 0 : i32
    %c0_i32_0 = arith.constant 0 : i32
    return %arg0, %c0_i32 : i32, i32
  }
  func.func @transform_15(%arg0: i32) -> (i32, i32) {
    %c0_i32 = arith.constant 0 : i32
    %c0_i32_0 = arith.constant 0 : i32
    return %arg0, %c0_i32 : i32, i32
  }
  func.func @transform_16(%arg0: i32) -> (i32, i32) {
    %c0_i32 = arith.constant 0 : i32
    %c0_i32_0 = arith.constant 0 : i32
    return %arg0, %c0_i32 : i32, i32
  }
  func.func @transform_17(%arg0: i32) -> (i32, i32) {
    %c0_i32 = arith.constant 0 : i32
    %c0_i32_0 = arith.constant 0 : i32
    return %arg0, %c0_i32 : i32, i32
  }
  func.func @transform_18(%arg0: i32) -> (i32, i32) {
    %c0_i32 = arith.constant 0 : i32
    %c0_i32_0 = arith.constant 0 : i32
    %c0_i32_1 = arith.constant 0 : i32
    return %c0_i32, %c0_i32_0 : i32, i32
  }
}

module attributes {stable_mosaic.version = 14 : i64} {
  func.func @body(%arg0: i32, %arg1: memref<1000x128xf32, #tpu.memory_space<vmem>>, %arg2: memref<1000x128xf32, #tpu.memory_space<vmem>>, %arg3: memref<1000x128xf32, #tpu.memory_space<vmem>>, %arg4: memref<1000x128xf32, #tpu.memory_space<vmem>>, %arg5: memref<2x128xf32, #tpu.memory_space<vmem>>, %arg6: memref<128x128xf32, #tpu.memory_space<vmem>>, %arg7: memref<1000x1xf32, #tpu.memory_space<vmem>>, %arg8: memref<1000x1xf32, #tpu.memory_space<vmem>>, %arg9: memref<1000x1xf32, #tpu.memory_space<vmem>>, %arg10: memref<1000x1xf32, #tpu.memory_space<vmem>>, %arg11: memref<128x2xf32, #tpu.memory_space<vmem>>) attributes {dimension_semantics = [#tpu.dimension_semantics<arbitrary>], iteration_bounds = array<i64: 10>, scalar_prefetch = 0 : i64, scratch_operands = 1 : i64, tpu.core_type = #tpu.core_type<tc>, window_params = [{transform_indices = @transform_0, window_bounds = array<i64: 1000, 128>}, {transform_indices = @transform_1, window_bounds = array<i64: 1000, 128>}, {transform_indices = @transform_2, window_bounds = array<i64: 1000, 128>}, {transform_indices = @transform_3, window_bounds = array<i64: 1000, 128>}, {pipeline_mode = #tpu.pipeline_mode<synchronous>, transform_indices = @transform_4, window_bounds = array<i64: 2, 128>}, {pipeline_mode = #tpu.pipeline_mode<synchronous>, transform_indices = @transform_5, window_bounds = array<i64: 128, 128>}, {transform_indices = @transform_6, window_bounds = array<i64: 1000, 1>}, {transform_indices = @transform_7, window_bounds = array<i64: 1000, 1>}, {transform_indices = @transform_8, window_bounds = array<i64: 1000, 1>}, {transform_indices = @transform_9, window_bounds = array<i64: 1000, 1>}]} {
    %eq3A = arith.constant 0 : i32
    %eq3A_0 = arith.cmpi eq, %arg0, %eq3A : i32
    %convert_element_type3A = arith.extui %eq3A_0 : i1 to i32
    %cond3A = arith.constant 0 : i32
    %cond3A_1 = arith.cmpi ne, %convert_element_type3A, %cond3A : i32
    scf.if %cond3A_1 {
      %get3A_37 = arith.constant 0 : index
      %get3A_38 = arith.constant 0 : index
      %get3A_39 = vector.load %arg5[%get3A_37, %get3A_38] : memref<2x128xf32, #tpu.memory_space<vmem>>, vector<2x128xf32>
      %mul3A = arith.constant 9.99999974E-5 : f32
      %mul3A_40 = vector.broadcast %mul3A : f32 to vector<2x128xf32>
      %mul3A_41 = arith.mulf %get3A_39, %mul3A_40 : vector<2x128xf32>
      %logistic3A = arith.negf %mul3A_41 : vector<2x128xf32>
      %logistic3A_42 = math.exp %logistic3A : vector<2x128xf32>
      %logistic3A_43 = arith.constant 1.000000e+00 : f32
      %logistic3A_44 = vector.broadcast %logistic3A_43 : f32 to vector<2x128xf32>
      %logistic3A_45 = arith.addf %logistic3A_44, %logistic3A_42 : vector<2x128xf32>
      %logistic3A_46 = arith.divf %logistic3A_44, %logistic3A_45 : vector<2x128xf32>
      %get3A_47 = arith.constant 0 : index
      %get3A_48 = arith.constant 0 : index
      %get3A_49 = vector.load %arg6[%get3A_47, %get3A_48] : memref<128x128xf32, #tpu.memory_space<vmem>>, vector<128x128xf32>
      %slice3A = vector.extract_strided_slice %logistic3A_46 {offsets = [0, 0], sizes = [1, 128], strides = [1, 1]} : vector<2x128xf32> to vector<1x128xf32>
      %mul3A_50 = vector.broadcast %slice3A : vector<1x128xf32> to vector<128x128xf32>
      %mul3A_51 = arith.mulf %get3A_49, %mul3A_50 : vector<128x128xf32>
      %reduce_sum3A = arith.constant dense<0.000000e+00> : vector<128xf32>
      %reduce_sum3A_52 = vector.multi_reduction <add>, %mul3A_51, %reduce_sum3A [1] : vector<128x128xf32> to vector<128xf32>
      %broadcast_in_dim3A = vector.shape_cast %reduce_sum3A_52 : vector<128xf32> to vector<128x1xf32>
      %slice3A_53 = vector.extract_strided_slice %logistic3A_46 {offsets = [1, 0], sizes = [1, 128], strides = [1, 1]} : vector<2x128xf32> to vector<1x128xf32>
      %mul3A_54 = vector.broadcast %slice3A_53 : vector<1x128xf32> to vector<128x128xf32>
      %mul3A_55 = arith.mulf %get3A_49, %mul3A_54 : vector<128x128xf32>
      %reduce_sum3A_56 = arith.constant dense<0.000000e+00> : vector<128xf32>
      %reduce_sum3A_57 = vector.multi_reduction <add>, %mul3A_55, %reduce_sum3A_56 [1] : vector<128x128xf32> to vector<128xf32>
      %broadcast_in_dim3A_58 = vector.shape_cast %reduce_sum3A_57 : vector<128xf32> to vector<128x1xf32>
      %concatenate3A = tpu.concatenate %broadcast_in_dim3A, %broadcast_in_dim3A_58 in 1 : vector<128x1xf32>, vector<128x1xf32> -> vector<128x2xf32>
      %swap3A_59 = arith.constant 0 : index
      %swap3A_60 = arith.constant 0 : index
      %swap3A_61 = vector.load %arg11[%swap3A_59, %swap3A_60] : memref<128x2xf32, #tpu.memory_space<vmem>>, vector<128x2xf32>
      tpu.vector_store %arg11[%swap3A_59, %swap3A_60], %concatenate3A {strides = array<i32>} : memref<128x2xf32, #tpu.memory_space<vmem>>, vector<128x2xf32>,
    } else {
    }
    %get3A = arith.constant 0 : index
    %get3A_2 = arith.constant 0 : index
    %get3A_3 = vector.load %arg11[%get3A, %get3A_2] : memref<128x2xf32, #tpu.memory_space<vmem>>, vector<128x1xf32>
    %get3A_4 = arith.constant 0 : index
    %get3A_5 = arith.constant 1 : index
    %get3A_6 = vector.load %arg11[%get3A_4, %get3A_5] : memref<128x2xf32, #tpu.memory_space<vmem>>, vector<128x1xf32>
    %get3A_7 = arith.constant 0 : index
    %get3A_8 = arith.constant 0 : index
    %get3A_9 = vector.load %arg1[%get3A_7, %get3A_8] : memref<1000x128xf32, #tpu.memory_space<vmem>>, vector<1000x128xf32>
    %dot_general3A = arith.constant dense<0.000000e+00> : vector<1000x1xf32>
    %dot_general3A_10 = tpu.matmul %get3A_9, %get3A_3, %dot_general3A {dimension_numbers = #tpu.dot_dimension_numbers<[1], [0], [0], [1], [0, 0, 1, 1], [], []>, transpose_lhs_hint = false} : vector<1000x128xf32>, vector<128x1xf32>, vector<1000x1xf32> -> vector<1000x1xf32>
    %swap3A = arith.constant 0 : index
    %swap3A_11 = arith.constant 0 : index
    %swap3A_12 = vector.load %arg7[%swap3A, %swap3A_11] : memref<1000x1xf32, #tpu.memory_space<vmem>>, vector<1000x1xf32>
    tpu.vector_store %arg7[%swap3A, %swap3A_11], %dot_general3A_10 {strides = array<i32>} : memref<1000x1xf32, #tpu.memory_space<vmem>>, vector<1000x1xf32>,
    %get3A_13 = arith.constant 0 : index
    %get3A_14 = arith.constant 0 : index
    %get3A_15 = vector.load %arg2[%get3A_13, %get3A_14] : memref<1000x128xf32, #tpu.memory_space<vmem>>, vector<1000x128xf32>
    %dot_general3A_16 = arith.constant dense<0.000000e+00> : vector<1000x1xf32>
    %dot_general3A_17 = tpu.matmul %get3A_15, %get3A_3, %dot_general3A_16 {dimension_numbers = #tpu.dot_dimension_numbers<[1], [0], [0], [1], [0, 0, 1, 1], [], []>, transpose_lhs_hint = false} : vector<1000x128xf32>, vector<128x1xf32>, vector<1000x1xf32> -> vector<1000x1xf32>
    %swap3A_18 = arith.constant 0 : index
    %swap3A_19 = arith.constant 0 : index
    %swap3A_20 = vector.load %arg8[%swap3A_18, %swap3A_19] : memref<1000x1xf32, #tpu.memory_space<vmem>>, vector<1000x1xf32>
    tpu.vector_store %arg8[%swap3A_18, %swap3A_19], %dot_general3A_17 {strides = array<i32>} : memref<1000x1xf32, #tpu.memory_space<vmem>>, vector<1000x1xf32>,
    %get3A_21 = arith.constant 0 : index
    %get3A_22 = arith.constant 0 : index
    %get3A_23 = vector.load %arg3[%get3A_21, %get3A_22] : memref<1000x128xf32, #tpu.memory_space<vmem>>, vector<1000x128xf32>
    %dot_general3A_24 = arith.constant dense<0.000000e+00> : vector<1000x1xf32>
    %dot_general3A_25 = tpu.matmul %get3A_23, %get3A_6, %dot_general3A_24 {dimension_numbers = #tpu.dot_dimension_numbers<[1], [0], [0], [1], [0, 0, 1, 1], [], []>, transpose_lhs_hint = false} : vector<1000x128xf32>, vector<128x1xf32>, vector<1000x1xf32> -> vector<1000x1xf32>
    %swap3A_26 = arith.constant 0 : index
    %swap3A_27 = arith.constant 0 : index
    %swap3A_28 = vector.load %arg9[%swap3A_26, %swap3A_27] : memref<1000x1xf32, #tpu.memory_space<vmem>>, vector<1000x1xf32>
    tpu.vector_store %arg9[%swap3A_26, %swap3A_27], %dot_general3A_25 {strides = array<i32>} : memref<1000x1xf32, #tpu.memory_space<vmem>>, vector<1000x1xf32>,
    %get3A_29 = arith.constant 0 : index
    %get3A_30 = arith.constant 0 : index
    %get3A_31 = vector.load %arg4[%get3A_29, %get3A_30] : memref<1000x128xf32, #tpu.memory_space<vmem>>, vector<1000x128xf32>
    %dot_general3A_32 = arith.constant dense<0.000000e+00> : vector<1000x1xf32>
    %dot_general3A_33 = tpu.matmul %get3A_31, %get3A_6, %dot_general3A_32 {dimension_numbers = #tpu.dot_dimension_numbers<[1], [0], [0], [1], [0, 0, 1, 1], [], []>, transpose_lhs_hint = false} : vector<1000x128xf32>, vector<128x1xf32>, vector<1000x1xf32> -> vector<1000x1xf32>
    %swap3A_34 = arith.constant 0 : index
    %swap3A_35 = arith.constant 0 : index
    %swap3A_36 = vector.load %arg10[%swap3A_34, %swap3A_35] : memref<1000x1xf32, #tpu.memory_space<vmem>>, vector<1000x1xf32>
    tpu.vector_store %arg10[%swap3A_34, %swap3A_35], %dot_general3A_33 {strides = array<i32>} : memref<1000x1xf32, #tpu.memory_space<vmem>>, vector<1000x1xf32>,
    return
  }
  func.func @transform_0(%arg0: i32) -> (i32, i32) {
    %c0_i32 = arith.constant 0 : i32
    %c0_i32_0 = arith.constant 0 : i32
    return %arg0, %c0_i32 : i32, i32
  }
  func.func @transform_1(%arg0: i32) -> (i32, i32) {
    %c0_i32 = arith.constant 0 : i32
    %c0_i32_0 = arith.constant 0 : i32
    return %arg0, %c0_i32 : i32, i32
  }
  func.func @transform_2(%arg0: i32) -> (i32, i32) {
    %c0_i32 = arith.constant 0 : i32
    %c0_i32_0 = arith.constant 0 : i32
    return %arg0, %c0_i32 : i32, i32
  }
  func.func @transform_3(%arg0: i32) -> (i32, i32) {
    %c0_i32 = arith.constant 0 : i32
    %c0_i32_0 = arith.constant 0 : i32
    return %arg0, %c0_i32 : i32, i32
  }
  func.func @transform_4(%arg0: i32) -> (i32, i32) {
    %c0_i32 = arith.constant 0 : i32
    %c0_i32_0 = arith.constant 0 : i32
    %c0_i32_1 = arith.constant 0 : i32
    return %c0_i32, %c0_i32_0 : i32, i32
  }
  func.func @transform_5(%arg0: i32) -> (i32, i32) {
    %c0_i32 = arith.constant 0 : i32
    %c0_i32_0 = arith.constant 0 : i32
    %c0_i32_1 = arith.constant 0 : i32
    return %c0_i32, %c0_i32_0 : i32, i32
  }
  func.func @transform_6(%arg0: i32) -> (i32, i32) {
    %c0_i32 = arith.constant 0 : i32
    %c0_i32_0 = arith.constant 0 : i32
    return %arg0, %c0_i32 : i32, i32
  }
  func.func @transform_7(%arg0: i32) -> (i32, i32) {
    %c0_i32 = arith.constant 0 : i32
    %c0_i32_0 = arith.constant 0 : i32
    return %arg0, %c0_i32 : i32, i32
  }
  func.func @transform_8(%arg0: i32) -> (i32, i32) {
    %c0_i32 = arith.constant 0 : i32
    %c0_i32_0 = arith.constant 0 : i32
    return %arg0, %c0_i32 : i32, i32
  }
  func.func @transform_9(%arg0: i32) -> (i32, i32) {
    %c0_i32 = arith.constant 0 : i32
    %c0_i32_0 = arith.constant 0 : i32
    return %arg0, %c0_i32 : i32, i32
  }
}

</mosaic_0001>

<sc_bundles>
// kernel: kernel.5.cloned.1.call-start
scs
__scs_entry_jumppad:
0x0: {  	(pc) =	sbr.rel $0x88, $3  }
0x1: {  	(tag) =	ssettag $0x0;
	lr =	simm.s32 $0x1  }
0x2: {  	[smem:$0x3F94] =	sst lr;
	_ =	strace $0xD0000000  }
0x3: {  	_ = 	snop  }
0x4: {  	_ = 	snop  }
0x5: {  	_ = 	snop  }
0x6: {  	_ = 	snop  }
0x7: {  	_ = 	snop  }
__scs_overlays_trampoline_lowered:
0x8: {  	[smem:$0x3FA3] =	sst s0  }
0x9: {  	[smem:$0x3FA4] =	sst s1  }
0xa: {  	[smem:$0x3FA5] =	sst s2  }
0xb: {  	[smem:$0x3FA6] =	sst s3  }
0xc: {  	[smem:$0x3FA7] =	sst s4  }
0xd: {  	[smem:$0x3FA8] =	sst s5  }
0xe: {  	[smem:$0x3FA9] =	sst s6  }
0xf: {  	[smem:$0x3FAA] =	sst s7  }
0x10: {  	[smem:$0x3FAB] =	sst s8  }
0x11: {  	[smem:$0x3FAC] =	sst s9;
	s0 =	simm.s32 @!p0 $0x0  }
0x12: {  	s1 =	sld [smem:$0x3F92];
	s0 =	simm.s32 @p0 $0x1  }
0x13: {  	[smem:$0x3FAD] =	sst s0;
	s0 =	simm.s32 @!p1 $0x0  }
0x14: {  	s2 =	sld [smem:$0x3F91];
	s0 =	simm.s32 @p1 $0x1  }
0x15: {  	[smem:$0x3FAE] =	sst s0;
	s0 =	simm.s32 @!p2 $0x0  }
0x16: {  	s3 =	sld [smem:$0x3FDB];
	s0 =	simm.s32 @p2 $0x1  }
0x17: {  	s4 =	simm.s32 $0x1BF5;
	[smem:$0x3FB0] =	sst s0  }
0x18: {  	s0 =	sld [smem:$0x3F93];
	_ =	swait.ge [sflag:s4], $0x0  }
0x19: {  	s7 =	sld [smem:$0x3F94]  }
0x1a: {  	s8 =	sadd.s32 $0xFFFFE003, lr  }
0x1b: {  	s9 =	sadd.s32 $0xFFFFFEF7, lr;
	s5 =	simm.s32 $0xFFFFFFFF;
	p2 =	slt.u32 s8, $0xFFFFF086  }
0x1c: {  	p1 =	slt.u32 s9, $0xF7A;
	s5 =	simm.s32 @!p2 $0x0  }
0x1d: {  	s5 =	simm.s32 @p1 $0x1;
	p0 =	seq.s32 s7, s2  }
0x1e: {  	s7 =	smul.u32 @!p0 $0xF7A, s2;
	p2 =	seq.s32 @!p0 s5, $0x0  }
0x1f: {  	s9 =	smul.u32 $0xF7A, s1;
	s8 =	simm.s32 @!p0 $0x1BF5;
	p2 =	por !p2, p0  }
0x20: {  	[sflag:s8] =	ssyncset.s32 @!p0 $0xFFFFF086;
	s6 =	sadd.s32 @!p0 s3, s7;
	s7 =	simm.s32 @!p0 $0x108  }
0x21: {  	s3 =	sadd.s32 s3, s9;
	s6 =	sadd.s32 @!p0 $0x88, s6;
	s7 =	simm.s32 @p2 $0x1082  }
0x22: {  	[simem:s7], [sflag:s8] =	dma.local @!p0 [hbm:s6], $0xF7A  }
0x23: {  	s9 =	sor.u32 $0xD0000000, s2;
	s6 =	simm.s32 $0x108;
	_ =	swait.ge @!p0 [sflag:s8], $0x0  }
0x24: {  	s3 =	sadd.s32 $0x88, s3;
	s6 =	simm.s32 @!p1 $0x1082;
	[sflag:s4] =	ssyncset.s32 $0xFFFFF086  }
0x25: {  	[simem:s6], [sflag:s4] =	dma.local [hbm:s3], $0xF7A  }
0x26: {  	[smem:$0x3F94] =	sst s1;
	(tag) =	ssettag s2;
	_ =	strace s9  }
0x27: {  	s1 =	sld [smem:$0x3FA4]  }
0x28: {  	s2 =	sld [smem:$0x3FA5]  }
0x29: {  	s4 =	sld [smem:$0x3FA7]  }
0x2a: {  	p0 =	seq.s32 s5, $0x0;
	s5 =	sld [smem:$0x3FA8]  }
0x2b: {  	s6 =	sld [smem:$0x3FA9]  }
0x2c: {  	s7 =	sld [smem:$0x3FAA]  }
0x2d: {  	s3 =	simm.s32 $0x108;
	s8 =	sld [smem:$0x3FAB]  }
0x2e: {  	s3 =	simm.s32 @!p0 $0x1082;
	s9 =	sld [smem:$0x3FAC]  }
0x2f: {  	lr =	sadd.s32 s0, s3;
	s0 =	sld [smem:$0x3FA3]  }
0x30: {  	s3 =	sld [smem:$0x3FA6]  }
0x31: {  	[smem:$0x3FAF] =	sst s10  }
0x32: {  	s10 =	sld [smem:$0x3FAD];
	_ =	sdelay $0x3  }
0x33: {  	p0 =	seq.s32 s10, $0x1;
	s10 =	sld [smem:$0x3FAF];
	_ =	sdelay $0x3  }
0x34: {  	[smem:$0x3FAF] =	sst s10  }
0x35: {  	s10 =	sld [smem:$0x3FAE];
	_ =	sdelay $0x3  }
0x36: {  	p1 =	seq.s32 s10, $0x1;
	s10 =	sld [smem:$0x3FAF];
	_ =	sdelay $0x3  }
0x37: {  	[smem:$0x3FAF] =	sst s10  }
0x38: {  	s10 =	sld [smem:$0x3FB0]  }
0x39: {  	_ = 	snop;
	(pc) =	sbr.ind lr, $3  }
0x3a: {  	_ = 	snop  }
0x3b: {  	_ = 	snop  }
0x3c: {  	p2 =	seq.s32 s10, $0x1;
	s10 =	sld [smem:$0x3FAF]  }
0x3d: {  	_ =	shalt  }
0x3e: {  	_ =	shalt  }
0x3f: {  	_ =	shalt  }
0x40: {  	_ =	shalt  }
0x41: {  	_ =	shalt  }
0x42: {  	_ =	shalt  }
0x43: {  	_ =	shalt  }
0x44: {  	_ =	shalt  }
0x45: {  	_ =	shalt  }
0x46: {  	_ =	shalt  }
0x47: {  	_ =	shalt  }
0x48: {  	_ =	shalt  }
0x49: {  	_ =	shalt  }
0x4a: {  	_ =	shalt  }
0x4b: {  	_ =	shalt  }
0x4c: {  	_ =	shalt  }
0x4d: {  	_ =	shalt  }
0x4e: {  	_ =	shalt  }
0x4f: {  	_ =	shalt  }
0x50: {  	_ =	shalt  }
0x51: {  	_ =	shalt  }
0x52: {  	_ =	shalt  }
0x53: {  	_ =	shalt  }
0x54: {  	_ =	shalt  }
0x55: {  	_ =	shalt  }
0x56: {  	_ =	shalt  }
0x57: {  	_ =	shalt  }
0x58: {  	_ =	shalt  }
0x59: {  	_ =	shalt  }
0x5a: {  	_ =	shalt  }
0x5b: {  	_ =	shalt  }
0x5c: {  	_ =	shalt  }
0x5d: {  	_ =	shalt  }
0x5e: {  	_ =	shalt  }
0x5f: {  	_ =	shalt  }
0x60: {  	_ =	shalt  }
0x61: {  	_ =	shalt  }
0x62: {  	_ =	shalt  }
0x63: {  	_ =	shalt  }
0x64: {  	_ =	shalt  }
0x65: {  	_ =	shalt  }
0x66: {  	_ =	shalt  }
0x67: {  	_ =	shalt  }
0x68: {  	_ =	shalt  }
0x69: {  	_ =	shalt  }
0x6a: {  	_ =	shalt  }
0x6b: {  	_ =	shalt  }
0x6c: {  	_ =	shalt  }
0x6d: {  	_ =	shalt  }
0x6e: {  	_ =	shalt  }
0x6f: {  	_ =	shalt  }
0x70: {  	_ =	shalt  }
0x71: {  	_ =	shalt  }
0x72: {  	_ =	shalt  }
0x73: {  	_ =	shalt  }
0x74: {  	_ =	shalt  }
0x75: {  	_ =	shalt  }
0x76: {  	_ =	shalt  }
0x77: {  	_ =	shalt  }
0x78: {  	_ =	shalt  }
0x79: {  	_ =	shalt  }
0x7a: {  	_ =	shalt  }
0x7b: {  	_ =	shalt  }
0x7c: {  	_ =	shalt  }
0x7d: {  	_ =	shalt  }
0x7e: {  	_ =	shalt  }
0x7f: {  	_ =	shalt  }
0x80: {  	_ =	shalt  }
0x81: {  	_ =	shalt  }
0x82: {  	_ =	shalt  }
0x83: {  	_ =	shalt  }
0x84: {  	_ =	shalt  }
0x85: {  	_ =	shalt  }
0x86: {  	_ =	shalt  }
0x87: {  	_ =	shalt  }
.Lfunc_end0:
.L_simem_size_0:
called_computation_lowered:
.L_overlay_start_0:
0x88: {  	s2 =	sld [smem:$0x3FD9]  }
0x89: {  	s3 =	sld [smem:$0x3FFE];
	_ =	sdelay $0x1  }
0x8a: {  	s1 =	srdreg.scid  }
0x8b: {  	s0 =	sand.u32 $0x1, s1  }
0x8c: {  	s17 =	sshll.u32 s0, $0xA;
	s2 =	sadd.s32 s3, s2  }
0x8d: {  	s2 =	sadd.s32 s2, s17  }
0x8e: {  	[smem:$0x3FBB] =	sst s2  }
0x8f: {  	_ = 	snop  }
0x90: {  	s2 =	sld [smem:$0x3FD0];
	(tm) =	ssettm $0x1  }
0x91: {  	s18 =	sld [smem:$0x3FFB];
	_ =	sdelay $0x3  }
0x92: {  	_ =	strace s18  }
0x93: {  	s3 =	sld [smem:$0x3FFC];
	_ =	sdelay $0x3  }
0x94: {  	_ =	strace s3  }
0x95: {  	s3 =	sld [smem:$0x3FFD];
	_ =	sdelay $0x3  }
0x96: {  	_ =	strace s3  }
0x97: {  	_ =	strace $0x8FFFFFFF  }
0x98: {  	s19 =	sld [smem:$0x3FDB];
	_ =	sdelay $0x1  }
0x99: {  	s4 =	simm.s32 $_scs_section_size  }
0x9a: {  	s5 =	simm.s32 $_size__tile_overlayer_lowered;
	s6 =	simm.s32 $_tile_overlayer_lowered  }
0x9b: {  	s22 =	simm.s32 $0x1BFF;
	s21 =	sshll.u32 s6, $0x1;
	s3 =	sadd.s32 s4, s19  }
0x9c: {  	s7 =	simm.s32 $0x0;
	s20 =	sshll.u32 s5, $0x1;
	s5 =	sadd.s32 s21, s3  }
0x9d: {  	[timem:s7], [sflag:s22] =	dma.local [hbm:s5], s20  }
0x9e: {  	_ =	swait.ge [sflag:s22], s20  }
0x9f: {  	s4 =	ssub.s32 $0x0, s20;
	[sflag:s22] =	ssyncset.done $0x0  }
0xa0: {  	[sflag:s22] =	ssyncadd.s32 s4;
	_ =	sdelay $0x1  }
0xa1: {  	s23 =	simm.s32 $0x1B8B  }
0xa2: {  	_ =	swait.ge [sflag:s23], $0x1  }
0xa3: {  	[sflag:s23] =	ssyncset.done $0x0  }
0xa4: {  	s25 =	simm.s32 $0x1B8E;
	s24 =	sld [smem:$0x3FFE];
	[sflag:s23] =	ssyncadd.s32 $0xFFFFFFFF  }
0xa5: {  	s26 =	simm.s32 $execute0_lowered;
	[smem:$0x3FD2] =	sst s25  }
0xa6: {  	s5 =	sshll.u32 s26, $0x1;
	_ =	strace $0x80000046;
	[dreg:$0x1] =	wrdreg $0xFFFFFFFF  }
0xa7: {  	s28 =	simm.s32 $_size_execute0_lowered;
	s3 =	sadd.s32 s3, s5;
	[dreg:$0x0] =	wrdreg $0x0  }
0xa8: {  	s5 =	sshll.u32 s28, $0x1;
	[dreg:$0x2] =	wrdreg s3  }
0xa9: {  	[dreg:$0x3] =	wrdreg s5  }
0xaa: {  	[dreg:$0x4] =	wrdreg $0xC0  }
0xab: {  	_ =	task [dreg:s7], $0x5FFFF  }
0xac: {  	[dreg:$0x1] =	wrdreg $0xFFFFFFFF  }
0xad: {  	[dreg:$0x0] =	wrdreg $0x60  }
0xae: {  	[dreg:$0x2] =	wrdreg s24  }
0xaf: {  	[dreg:$0x3] =	wrdreg s2  }
0xb0: {  	[dreg:$0x4] =	wrdreg $0x92800  }
0xb1: {  	[dreg:$0x5] =	wrdreg $0x9  }
0xb2: {  	_ =	task.clear_ibuf [dreg:s7], $0x6FFFF;
	_ =	strace $0x90000046  }
0xb3: {  	s29 =	simm.s32 $0x9;
	_ =	strace $0x80000048  }
0xb4: {  	_ =	swait.ge [sflag:s29], $0x1  }
0xb5: {  	[sflag:s29] =	ssyncadd.s32 $0xFFFFFFFF  }
0xb6: {  	_ =	strace $0x90000048  }
0xb7: {  	_ =	sfence  }
0xb8: {  	s30 =	sld [smem:$0x0];
	_ =	sdelay $0x2  }
0xb9: {  	s31 =	sshll.u32 s1, $0xD;
	s1 =	sshrl.u32 s1, $0x2  }
0xba: {  	s3 =	sand.u32 $0x4000, s31;
	s1 =	sadd.s32 s1, s30  }
0xbb: {  	s0 =	sor.u32 s3, s0;
	s1 =	sshll.u32 s1, $0x11  }
0xbc: {  	s0 =	sor.u32 s1, s0  }
0xbd: {  	s0 =	sadd.s32 $0x8F2B, s0  }
0xbe: {  	[sflag:s0] =	ssyncadd.remote.s32 $0x1  }
0xbf: {  	_ =	sfence.sel $0xFFFF  }
0xc0: {  	[dreg:$0x0] =	wrdreg $0xFFFFFFFF;
	(pc) =	sbr.abs _section_cstart, $3  }
0xc1: {  	[dreg:$0x1] =	wrdreg $0xFFFFFFFF  }
0xc2: {  	_ =	task.clear_ibuf [dreg:s7], $0x2FFFF;
	_ =	strace $0x9FFFFFFF  }
0xc3: {  	(tm) =	ssettm $0x7FFFFFFF  }
tec
execute0_lowered:
.L_overlay_start_1:
0x0: {  	(tag) =	ssettag $0x1  }
0x1: {  	s0 =	rddreg [dreg:$0x0]  }
0x2: {  	s1 =	srdreg.scid;
	s4 =	rddreg [dreg:$0x1]  }
0x3: {  	s2 =	rddreg [dreg:$0x2];
	s13 =	stileid.u32  }
0x4: {  	s3 =	simm.s32 $0x0;
	s14 =	simm.s32 $0x3;
	s15 =	smul.u32 $0x2800, s13  }
0x5: {  	s16 =	simm.s32 $0x80;
	s17 =	simm.s32 $0x1280;
	s8 =	smul.u32 $0x50000, s13  }
0x6: {  	s18 =	simm.s32 $0x1;
	s31 =	simm.s32 $0x5280;
	s12 =	smul.u32 $0x280, s13  }
0x7: {  	s28 =	simm.s32 $0xD80;
	s1 =	sand.u32 $0x1, s1;
	s23 =	smul.u32 $0xA00, s13  }
0x8: {  	s29 =	simm.s32 $0x680;
	s30 =	simm.s32 $0xF00;
	s5 =	smul.u32 $0x27100, s1  }
0x9: {  	[smem:$0x7FF] =	sst s3;
	s24 =	sshll.u32 s13, $0x6;
	s6 =	smul.u32 $0xA000, s1  }
0xa: {  	s13 =	simm.s32 $0x500;
	s7 =	smul.u32 $0x28000, s1;
	_ =	strace $0x80000047  }
0xb: {  	s9 =	ssub.s32 $0x2, s1;
	s1 =	smul.u32 $0x2800, s1;
	s20 =	sor.u32 $0x1C03, s24  }
0xc: {  	s10 =	sadd.s32 s15, s0;
	s11 =	sshrl.u32 s9, $0x1;
	[dreg:$0xb] =	wrdreg s23  }
0xd: {  	s8 =	sshrl.u32 s8, $0x2;
	s22 =	sadd.s32 $0x2000, s15;
	[dreg:$0x5] =	wrdreg s15  }
0xe: {  	[dreg:$0x7] =	wrdreg s20;
	s5 =	sadd.s32 s5, s0;
	s6 =	sadd.s32 s6, s0  }
0xf: {  	s0 =	sadd.s32 s7, s0;
	s19 =	ssub.s32 s9, s11;
	s21 =	sadd.s32 s8, s2  }
0x10: {  	s1 =	sadd.s32 s12, s1;
	s25 =	sadd.s32 $0x77400, s10;
	s7 =	sadd.s32 $0x800, s15  }
0x11: {  	s12 =	sadd.s32 $0x1000, s15;
	s10 =	simm.s32 $0xE80;
	s11 =	simm.s32 $0x780  }
0x12: {  	[dreg:$0x6] =	wrdreg s25;
	s1 =	sshrl.u32 s1, $0x3;
	s8 =	sadd.s32 $0x29200, s5  }
0x13: {  	s26 =	sadd.s32 $0x1200, s6;
	s9 =	sadd.s32 $0x13F400, s0;
	s5 =	sadd.s32 $0x15200, s6  }
0x14: {  	s6 =	smax.u32 s19, $0x1;
	s19 =	sadd.s32 $0x1800, s15;
	[dreg:$0x9] =	wrdreg s5  }
0x15: {  	s21 =	sshrl.u32 s21, $0x3;
	s1 =	sadd.s32 s4, s1;
	[dreg:$0x4] =	wrdreg s26  }
0x16: {  	[dreg:$0xa] =	wrdreg s6;
	s4 =	sadd.s32 s7, s9;
	s24 =	sadd.s32 s12, s9  }
0x17: {  	s25 =	sadd.s32 s19, s9;
	s26 =	sadd.s32 s22, s9;
	[dreg:$0xc] =	wrdreg s21  }
0x18: {  	s6 =	simm.s32 $0xC00;
	s12 =	simm.s32 $0xC80;
	[dreg:$0x8] =	wrdreg s1  }
0x19: {  	s19 =	simm.s32 $0xD00;
	s7 =	simm.s32 $0x700;
	[dreg:$0xd] =	wrdreg s4  }
0x1a: {  	s5 =	simm.s32 $0xF80;
	s22 =	simm.s32 $0x0;
	[dreg:$0xe] =	wrdreg s24  }
0x1b: {  	s1 =	sadd.s32 $0x9F400, s0;
	s0 =	sadd.s32 $0xEF400, s0;
	[dreg:$0xf] =	wrdreg s25  }
0x1c: {  	[dreg:$0x10] =	wrdreg s26;
	s26 =	simm.s32 $0x600;
	s1 =	sadd.s32 s15, s1  }
0x1d: {  	s0 =	sadd.s32 s15, s0;
	s15 =	simm.s32 $0xE00;
	[dreg:$0x11] =	wrdreg s1  }
0x1e: {  	[dreg:$0x12] =	wrdreg s0;
	s1 =	simm.s32 $0x2;
	s0 =	simm.s32 $0x580  }
.LBB2_1:
0x1f: {  	[dreg:$0x13] =	wrdreg s22  }
0x20: {  	s4 =	rddreg [dreg:$0x6]  }
0x21: {  	[spmem:s21], [sflag:s20] =	dma.local [hbm:s4], $0x2800  }
0x22: {  	_ =	swait.ge [sflag:s14], $0x2800  }
0x23: {  	[sflag:s14] =	ssyncset.done $0x0  }
0x24: {  	s22 =	simm.s32 $0x1000;
	s21 =	rddreg [dreg:$0x8];
	[sflag:s14] =	ssyncadd.s32 $0xFFFFD800  }
0x25: {  	[tilespmem:s22], [sflag:$0x3] =	stream.linear.gather [hbm4b:s21+s3], $0x280, $0x38;
	[tilespmem:$0x1D280] =	vst v63  }
0x26: {  	_ =	swait.ge [sflag:s14], $0x280  }
0x27: {  	[sflag:s14] =	ssyncset.done $0x0  }
0x28: {  	[sflag:s14] =	ssyncadd.s32 $0xFFFFFD80  }
0x29: {  	[tilespmem:s17], [sflag:$0x1] =	stream.indirect.gather [hbm4b:s8+s16], $0x80, s22, s16, $0xb8;
	[tilespmem:$0x1D280] =	vst v63  }
0x2a: {  	_ =	swait.ge [sflag:s18], $0x4000  }
0x2b: {  	[sflag:s18] =	ssyncset.done $0x0;
	s23 =	rddreg [dreg:$0x5]  }
0x2c: {  	[sflag:s18] =	ssyncadd.s32 $0xFFFFC000;
	s24 =	sadd.s32 s23, s9  }
0x2d: {  	[hbm4b:s24+s3] =	stream.linear.scatter [tilespmem:s17], [sflag:$0x3], $0x4000, $0x38;
	[tilespmem:$0x1D280] =	vst v63  }
0x2e: {  	_ =	swait.ge [sflag:s14], $0x4000  }
0x2f: {  	[sflag:s14] =	ssyncset.done $0x0  }
0x30: {  	s25 =	simm.s32 $0x1080;
	[sflag:s14] =	ssyncadd.s32 $0xFFFFC000  }
0x31: {  	[tilespmem:s17], [sflag:$0x1] =	stream.indirect.gather [hbm4b:s8+s16], $0x80, s25, s16, $0xb8;
	[tilespmem:$0x1D280] =	vst v63  }
0x32: {  	_ =	swait.ge [sflag:s18], $0x4000  }
0x33: {  	[sflag:s18] =	ssyncset.done $0x0  }
0x34: {  	s20 =	rddreg [dreg:$0xd];
	[sflag:s18] =	ssyncadd.s32 $0xFFFFC000  }
0x35: {  	[hbm4b:s20+s3] =	stream.linear.scatter [tilespmem:s17], [sflag:$0x3], $0x4000, $0x38;
	[tilespmem:$0x1D280] =	vst v63  }
0x36: {  	_ =	swait.ge [sflag:s14], $0x4000  }
0x37: {  	[sflag:s14] =	ssyncset.done $0x0  }
0x38: {  	s21 =	simm.s32 $0x1100;
	[sflag:s14] =	ssyncadd.s32 $0xFFFFC000  }
0x39: {  	[tilespmem:s17], [sflag:$0x1] =	stream.indirect.gather [hbm4b:s8+s16], $0x80, s21, s16, $0xb8;
	[tilespmem:$0x1D280] =	vst v63  }
0x3a: {  	_ =	swait.ge [sflag:s18], $0x4000  }
0x3b: {  	[sflag:s18] =	ssyncset.done $0x0  }
0x3c: {  	s22 =	rddreg [dreg:$0xe];
	[sflag:s18] =	ssyncadd.s32 $0xFFFFC000  }
0x3d: {  	[hbm4b:s22+s3] =	stream.linear.scatter [tilespmem:s17], [sflag:$0x3], $0x4000, $0x38;
	[tilespmem:$0x1D280] =	vst v63  }
0x3e: {  	_ =	swait.ge [sflag:s14], $0x4000  }
0x3f: {  	[sflag:s14] =	ssyncset.done $0x0  }
0x40: {  	s23 =	simm.s32 $0x1180;
	[sflag:s14] =	ssyncadd.s32 $0xFFFFC000  }
0x41: {  	[tilespmem:s17], [sflag:$0x1] =	stream.indirect.gather [hbm4b:s8+s16], $0x80, s23, s16, $0xb8;
	[tilespmem:$0x1D280] =	vst v63  }
0x42: {  	_ =	swait.ge [sflag:s18], $0x4000  }
0x43: {  	[sflag:s18] =	ssyncset.done $0x0  }
0x44: {  	s24 =	rddreg [dreg:$0xf];
	[sflag:s18] =	ssyncadd.s32 $0xFFFFC000  }
0x45: {  	[hbm4b:s24+s3] =	stream.linear.scatter [tilespmem:s17], [sflag:$0x3], $0x4000, $0x38;
	[tilespmem:$0x1D280] =	vst v63  }
0x46: {  	_ =	swait.ge [sflag:s14], $0x4000  }
0x47: {  	[sflag:s14] =	ssyncset.done $0x0  }
0x48: {  	s25 =	simm.s32 $0x1200;
	[sflag:s14] =	ssyncadd.s32 $0xFFFFC000  }
0x49: {  	[tilespmem:s17], [sflag:$0x1] =	stream.indirect.gather [hbm4b:s8+s16], $0x80, s25, s16, $0xb8;
	[tilespmem:$0x1D280] =	vst v63  }
0x4a: {  	_ =	swait.ge [sflag:s18], $0x4000  }
0x4b: {  	[sflag:s18] =	ssyncset.done $0x0  }
0x4c: {  	s20 =	rddreg [dreg:$0x10];
	[sflag:s18] =	ssyncadd.s32 $0xFFFFC000  }
0x4d: {  	[hbm4b:s20+s3] =	stream.linear.scatter [tilespmem:s17], [sflag:$0x3], $0x4000, $0x38;
	[tilespmem:$0x1D280] =	vst v63  }
0x4e: {  	_ =	swait.ge [sflag:s14], $0x4000  }
0x4f: {  	s21 =	rddreg [dreg:$0x9]  }
0x50: {  	[sflag:s14] =	ssyncset.done $0x0;
	s22 =	rddreg [dreg:$0xb]  }
0x51: {  	[sflag:s14] =	ssyncadd.s32 $0xFFFFC000;
	s20 =	sadd.s32 s21, s22  }
0x52: {  	[bflag:$0x0] =	sbarrier.arrive $0xFFFF;
	s23 =	sadd.s32 $0x0, s20  }
0x53: {  	[tilespmem:s3], [sflag:$0x3] =	stream.linear.gather [hbm4b:s23+s3], $0x800, $0x38;
	[tilespmem:$0x1D280] =	vst v63  }
0x54: {  	_ =	swait.ge [sflag:s14], $0x800  }
0x55: {  	s4 =	smov.u32 s22;
	s24 =	rddreg [dreg:$0x4]  }
0x56: {  	[sflag:s14] =	ssyncset.done $0x0;
	s21 =	sadd.s32 s24, s4  }
0x57: {  	s25 =	simm.s32 $0x800;
	[sflag:s14] =	ssyncadd.s32 $0xFFFFF800;
	s21 =	sadd.s32 $0x0, s21  }
0x58: {  	[tilespmem:s25], [sflag:$0x3] =	stream.linear.gather [hbm4b:s21+s3], $0x800, $0x38;
	[tilespmem:$0x1D280] =	vst v63  }
0x59: {  	_ =	swait.ge [sflag:s14], $0x800  }
0x5a: {  	[sflag:s14] =	ssyncset.done $0x0  }
0x5b: {  	[sflag:s14] =	ssyncadd.s32 $0xFFFFF800  }
0x5c: {  	[tilespmem:s17], [sflag:$0x1] =	stream.indirect.gather [hbm4b:s8+s16], $0x80, s3, s16, $0xb8;
	[tilespmem:$0x1D280] =	vst v63  }
0x5d: {  	_ = 	snop  }
0x5e: {  	[tilespmem:s31], [sflag:$0x2] =	stream.indirect.gather [hbm4b:s8+s16], $0x80, s16, s16, $0xb8;
	[tilespmem:$0x1D280] =	vst v63  }
0x5f: {  	_ =	swait.ge [sflag:s18], $0x4000  }
0x60: {  	[sflag:s18] =	ssyncset.done $0x0  }
0x61: {  	[sflag:s18] =	ssyncadd.s32 $0xFFFFC000  }
0x62: {  	[spmem:s2] =	stream.indirect.scatter.add.f32 [tilespmem:s17], [sflag:$0x3], $0x80, s25, s16, $0xb8;
	[tilespmem:$0x1D280] =	vst v63  }
0x63: {  	_ =	swait.ge [sflag:s14], $0x4000  }
0x64: {  	[sflag:s14] =	ssyncset.done $0x0  }
0x65: {  	s23 =	simm.s32 $0x100;
	[sflag:s14] =	ssyncadd.s32 $0xFFFFC000  }
0x66: {  	[tilespmem:s17], [sflag:$0x1] =	stream.indirect.gather [hbm4b:s8+s16], $0x80, s23, s16, $0xb8;
	[tilespmem:$0x1D280] =	vst v63  }
0x67: {  	_ =	swait.ge [sflag:s1], $0x4000  }
0x68: {  	[sflag:s1] =	ssyncset.done $0x0  }
0x69: {  	s24 =	simm.s32 $0x880;
	[sflag:s1] =	ssyncadd.s32 $0xFFFFC000  }
0x6a: {  	[spmem:s2] =	stream.indirect.scatter.add.f32 [tilespmem:s31], [sflag:$0x3], $0x80, s24, s16, $0xb8;
	[tilespmem:$0x1D280] =	vst v63  }
0x6b: {  	_ =	swait.ge [sflag:s14], $0x4000  }
0x6c: {  	[sflag:s14] =	ssyncset.done $0x0  }
0x6d: {  	s25 =	simm.s32 $0x180;
	[sflag:s14] =	ssyncadd.s32 $0xFFFFC000  }
0x6e: {  	[tilespmem:s31], [sflag:$0x2] =	stream.indirect.gather [hbm4b:s8+s16], $0x80, s25, s16, $0xb8;
	[tilespmem:$0x1D280] =	vst v63  }
0x6f: {  	_ =	swait.ge [sflag:s18], $0x4000  }
0x70: {  	[sflag:s18] =	ssyncset.done $0x0  }
0x71: {  	s22 =	simm.s32 $0x900;
	[sflag:s18] =	ssyncadd.s32 $0xFFFFC000  }
0x72: {  	[spmem:s2] =	stream.indirect.scatter.add.f32 [tilespmem:s17], [sflag:$0x3], $0x80, s22, s16, $0xb8;
	[tilespmem:$0x1D280] =	vst v63  }
0x73: {  	_ =	swait.ge [sflag:s14], $0x4000  }
0x74: {  	[sflag:s14] =	ssyncset.done $0x0  }
0x75: {  	s23 =	simm.s32 $0x200;
	[sflag:s14] =	ssyncadd.s32 $0xFFFFC000  }
0x76: {  	[tilespmem:s17], [sflag:$0x1] =	stream.indirect.gather [hbm4b:s8+s16], $0x80, s23, s16, $0xb8;
	[tilespmem:$0x1D280] =	vst v63  }
0x77: {  	_ =	swait.ge [sflag:s1], $0x4000  }
0x78: {  	[sflag:s1] =	ssyncset.done $0x0  }
0x79: {  	s24 =	simm.s32 $0x980;
	[sflag:s1] =	ssyncadd.s32 $0xFFFFC000  }
0x7a: {  	[spmem:s2] =	stream.indirect.scatter.add.f32 [tilespmem:s31], [sflag:$0x3], $0x80, s24, s16, $0xb8;
	[tilespmem:$0x1D280] =	vst v63  }
0x7b: {  	_ =	swait.ge [sflag:s14], $0x4000  }
0x7c: {  	[sflag:s14] =	ssyncset.done $0x0  }
0x7d: {  	s25 =	simm.s32 $0x280;
	[sflag:s14] =	ssyncadd.s32 $0xFFFFC000  }
0x7e: {  	[tilespmem:s31], [sflag:$0x2] =	stream.indirect.gather [hbm4b:s8+s16], $0x80, s25, s16, $0xb8;
	[tilespmem:$0x1D280] =	vst v63  }
0x7f: {  	_ =	swait.ge [sflag:s18], $0x4000  }
0x80: {  	[sflag:s18] =	ssyncset.done $0x0  }
0x81: {  	s22 =	simm.s32 $0xA00;
	[sflag:s18] =	ssyncadd.s32 $0xFFFFC000  }
0x82: {  	[spmem:s2] =	stream.indirect.scatter.add.f32 [tilespmem:s17], [sflag:$0x3], $0x80, s22, s16, $0xb8;
	[tilespmem:$0x1D280] =	vst v63  }
0x83: {  	_ =	swait.ge [sflag:s14], $0x4000  }
0x84: {  	[sflag:s14] =	ssyncset.done $0x0  }
0x85: {  	s23 =	simm.s32 $0x300;
	[sflag:s14] =	ssyncadd.s32 $0xFFFFC000  }
0x86: {  	[tilespmem:s17], [sflag:$0x1] =	stream.indirect.gather [hbm4b:s8+s16], $0x80, s23, s16, $0xb8;
	[tilespmem:$0x1D280] =	vst v63  }
0x87: {  	_ =	swait.ge [sflag:s1], $0x4000  }
0x88: {  	[sflag:s1] =	ssyncset.done $0x0  }
0x89: {  	s24 =	simm.s32 $0xA80;
	[sflag:s1] =	ssyncadd.s32 $0xFFFFC000  }
0x8a: {  	[spmem:s2] =	stream.indirect.scatter.add.f32 [tilespmem:s31], [sflag:$0x3], $0x80, s24, s16, $0xb8;
	[tilespmem:$0x1D280] =	vst v63  }
0x8b: {  	_ =	swait.ge [sflag:s14], $0x4000  }
0x8c: {  	[sflag:s14] =	ssyncset.done $0x0  }
0x8d: {  	s25 =	simm.s32 $0x380;
	[sflag:s14] =	ssyncadd.s32 $0xFFFFC000  }
0x8e: {  	[tilespmem:s31], [sflag:$0x2] =	stream.indirect.gather [hbm4b:s8+s16], $0x80, s25, s16, $0xb8;
	[tilespmem:$0x1D280] =	vst v63  }
0x8f: {  	_ =	swait.ge [sflag:s18], $0x4000  }
0x90: {  	[sflag:s18] =	ssyncset.done $0x0  }
0x91: {  	s22 =	simm.s32 $0xB00;
	[sflag:s18] =	ssyncadd.s32 $0xFFFFC000  }
0x92: {  	[spmem:s2] =	stream.indirect.scatter.add.f32 [tilespmem:s17], [sflag:$0x3], $0x80, s22, s16, $0xb8;
	[tilespmem:$0x1D280] =	vst v63  }
0x93: {  	_ =	swait.ge [sflag:s14], $0x4000  }
0x94: {  	[sflag:s14] =	ssyncset.done $0x0  }
0x95: {  	s23 =	simm.s32 $0x400;
	[sflag:s14] =	ssyncadd.s32 $0xFFFFC000  }
0x96: {  	[tilespmem:s17], [sflag:$0x1] =	stream.indirect.gather [hbm4b:s8+s16], $0x80, s23, s16, $0xb8;
	[tilespmem:$0x1D280] =	vst v63  }
0x97: {  	_ =	swait.ge [sflag:s1], $0x4000  }
0x98: {  	[sflag:s1] =	ssyncset.done $0x0  }
0x99: {  	s24 =	simm.s32 $0xB80;
	[sflag:s1] =	ssyncadd.s32 $0xFFFFC000  }
0x9a: {  	[spmem:s2] =	stream.indirect.scatter.add.f32 [tilespmem:s31], [sflag:$0x3], $0x80, s24, s16, $0xb8;
	[tilespmem:$0x1D280] =	vst v63  }
0x9b: {  	_ =	swait.ge [sflag:s14], $0x4000  }
0x9c: {  	[sflag:s14] =	ssyncset.done $0x0  }
0x9d: {  	s25 =	simm.s32 $0x480;
	[sflag:s14] =	ssyncadd.s32 $0xFFFFC000  }
0x9e: {  	[tilespmem:s31], [sflag:$0x2] =	stream.indirect.gather [hbm4b:s8+s16], $0x80, s25, s16, $0xb8;
	[tilespmem:$0x1D280] =	vst v63  }
0x9f: {  	_ =	swait.ge [sflag:s18], $0x4000  }
0xa0: {  	[sflag:s18] =	ssyncset.done $0x0  }
0xa1: {  	[sflag:s18] =	ssyncadd.s32 $0xFFFFC000  }
0xa2: {  	[spmem:s2] =	stream.indirect.scatter.add.f32 [tilespmem:s17], [sflag:$0x3], $0x80, s6, s16, $0xb8;
	[tilespmem:$0x1D280] =	vst v63  }
0xa3: {  	_ =	swait.ge [sflag:s14], $0x4000  }
0xa4: {  	[sflag:s14] =	ssyncset.done $0x0  }
0xa5: {  	[sflag:s14] =	ssyncadd.s32 $0xFFFFC000  }
0xa6: {  	[tilespmem:s17], [sflag:$0x1] =	stream.indirect.gather [hbm4b:s8+s16], $0x80, s13, s16, $0xb8;
	[tilespmem:$0x1D280] =	vst v63  }
0xa7: {  	_ =	swait.ge [sflag:s1], $0x4000  }
0xa8: {  	[sflag:s1] =	ssyncset.done $0x0  }
0xa9: {  	[sflag:s1] =	ssyncadd.s32 $0xFFFFC000  }
0xaa: {  	[spmem:s2] =	stream.indirect.scatter.add.f32 [tilespmem:s31], [sflag:$0x3], $0x80, s12, s16, $0xb8;
	[tilespmem:$0x1D280] =	vst v63  }
0xab: {  	_ =	swait.ge [sflag:s14], $0x4000  }
0xac: {  	[sflag:s14] =	ssyncset.done $0x0  }
0xad: {  	[sflag:s14] =	ssyncadd.s32 $0xFFFFC000  }
0xae: {  	[tilespmem:s31], [sflag:$0x2] =	stream.indirect.gather [hbm4b:s8+s16], $0x80, s0, s16, $0xb8;
	[tilespmem:$0x1D280] =	vst v63  }
0xaf: {  	_ =	swait.ge [sflag:s18], $0x4000  }
0xb0: {  	[sflag:s18] =	ssyncset.done $0x0  }
0xb1: {  	[sflag:s18] =	ssyncadd.s32 $0xFFFFC000  }
0xb2: {  	[spmem:s2] =	stream.indirect.scatter.add.f32 [tilespmem:s17], [sflag:$0x3], $0x80, s19, s16, $0xb8;
	[tilespmem:$0x1D280] =	vst v63  }
0xb3: {  	_ =	swait.ge [sflag:s14], $0x4000  }
0xb4: {  	[sflag:s14] =	ssyncset.done $0x0  }
0xb5: {  	[sflag:s14] =	ssyncadd.s32 $0xFFFFC000  }
0xb6: {  	[tilespmem:s17], [sflag:$0x1] =	stream.indirect.gather [hbm4b:s8+s16], $0x80, s26, s16, $0xb8;
	[tilespmem:$0x1D280] =	vst v63  }
0xb7: {  	_ =	swait.ge [sflag:s1], $0x4000  }
0xb8: {  	[sflag:s1] =	ssyncset.done $0x0  }
0xb9: {  	[sflag:s1] =	ssyncadd.s32 $0xFFFFC000  }
0xba: {  	[spmem:s2] =	stream.indirect.scatter.add.f32 [tilespmem:s31], [sflag:$0x3], $0x80, s28, s16, $0xb8;
	[tilespmem:$0x1D280] =	vst v63  }
0xbb: {  	_ =	swait.ge [sflag:s14], $0x4000  }
0xbc: {  	[sflag:s14] =	ssyncset.done $0x0  }
0xbd: {  	[sflag:s14] =	ssyncadd.s32 $0xFFFFC000  }
0xbe: {  	[tilespmem:s31], [sflag:$0x2] =	stream.indirect.gather [hbm4b:s8+s16], $0x80, s29, s16, $0xb8;
	[tilespmem:$0x1D280] =	vst v63  }
0xbf: {  	_ =	swait.ge [sflag:s18], $0x4000  }
0xc0: {  	[sflag:s18] =	ssyncset.done $0x0  }
0xc1: {  	[sflag:s18] =	ssyncadd.s32 $0xFFFFC000  }
0xc2: {  	[spmem:s2] =	stream.indirect.scatter.add.f32 [tilespmem:s17], [sflag:$0x3], $0x80, s15, s16, $0xb8;
	[tilespmem:$0x1D280] =	vst v63  }
0xc3: {  	_ =	swait.ge [sflag:s14], $0x4000  }
0xc4: {  	[sflag:s14] =	ssyncset.done $0x0  }
0xc5: {  	[sflag:s14] =	ssyncadd.s32 $0xFFFFC000  }
0xc6: {  	[tilespmem:s17], [sflag:$0x1] =	stream.indirect.gather [hbm4b:s8+s16], $0x80, s7, s16, $0xb8;
	[tilespmem:$0x1D280] =	vst v63  }
0xc7: {  	_ =	swait.ge [sflag:s1], $0x4000  }
0xc8: {  	[sflag:s1] =	ssyncset.done $0x0  }
0xc9: {  	[sflag:s1] =	ssyncadd.s32 $0xFFFFC000  }
0xca: {  	[spmem:s2] =	stream.indirect.scatter.add.f32 [tilespmem:s31], [sflag:$0x3], $0x80, s10, s16, $0xb8;
	[tilespmem:$0x1D280] =	vst v63  }
0xcb: {  	_ =	swait.ge [sflag:s14], $0x4000  }
0xcc: {  	[sflag:s14] =	ssyncset.done $0x0  }
0xcd: {  	[sflag:s14] =	ssyncadd.s32 $0xFFFFC000  }
0xce: {  	[tilespmem:s31], [sflag:$0x2] =	stream.indirect.gather [hbm4b:s8+s16], $0x80, s11, s16, $0xb8;
	[tilespmem:$0x1D280] =	vst v63  }
0xcf: {  	_ =	swait.ge [sflag:s18], $0x4000  }
0xd0: {  	[sflag:s18] =	ssyncset.done $0x0  }
0xd1: {  	[sflag:s18] =	ssyncadd.s32 $0xFFFFC000  }
0xd2: {  	[spmem:s2] =	stream.indirect.scatter.add.f32 [tilespmem:s17], [sflag:$0x3], $0x80, s30, s16, $0xb8;
	[tilespmem:$0x1D280] =	vst v63  }
0xd3: {  	_ =	swait.ge [sflag:s14], $0x4000  }
0xd4: {  	[sflag:s14] =	ssyncset.done $0x0  }
0xd5: {  	[sflag:s14] =	ssyncadd.s32 $0xFFFFC000  }
0xd6: {  	_ =	swait.ge [sflag:s1], $0x4000  }
0xd7: {  	[sflag:s1] =	ssyncset.done $0x0  }
0xd8: {  	[sflag:s1] =	ssyncadd.s32 $0xFFFFC000  }
0xd9: {  	[spmem:s2] =	stream.indirect.scatter.add.f32 [tilespmem:s31], [sflag:$0x3], $0x80, s5, s16, $0xb8;
	[tilespmem:$0x1D280] =	vst v63  }
0xda: {  	_ =	swait.ge [sflag:s14], $0x4000  }
0xdb: {  	s22 =	simm.s32 $0x100;
	s23 =	simm.s32 $0x200;
	[sflag:s14] =	ssyncset.done $0x0  }
.LBB2_2:
0xdc: {  	s24 =	sadd.s32 s22, s20;
	[sflag:s14] =	ssyncadd.s32 $0xFFFFC000  }
0xdd: {  	[tilespmem:s3], [sflag:$0x3] =	stream.linear.gather [hbm4b:s24+s3], $0x800, $0x38;
	[tilespmem:$0x1D280] =	vst v63  }
0xde: {  	s25 =	smov.u32 s23;
	_ =	swait.ge [sflag:s14], $0x800  }
0xdf: {  	s21 =	sadd.s32 $0x100, s23;
	s24 =	rddreg [dreg:$0x4];
	[sflag:s14] =	ssyncset.done $0x0  }
0xe0: {  	p0 =	sne.s32 s23, $0x900;
	s23 =	sadd.s32 s24, s4;
	[sflag:s14] =	ssyncadd.s32 $0xFFFFF800  }
0xe1: {  	s23 =	sadd.s32 s22, s23;
	s22 =	smov.u32 s25;
	s25 =	simm.s32 $0x800  }
0xe2: {  	[tilespmem:s25], [sflag:$0x3] =	stream.linear.gather [hbm4b:s23+s3], $0x800, $0x38;
	[tilespmem:$0x1D280] =	vst v63  }
0xe3: {  	_ =	swait.ge [sflag:s14], $0x800  }
0xe4: {  	[sflag:s14] =	ssyncset.done $0x0  }
0xe5: {  	[sflag:s14] =	ssyncadd.s32 $0xFFFFF800  }
0xe6: {  	[tilespmem:s17], [sflag:$0x1] =	stream.indirect.gather [hbm4b:s8+s16], $0x80, s3, s16, $0xb8;
	[tilespmem:$0x1D280] =	vst v63  }
0xe7: {  	_ = 	snop  }
0xe8: {  	[tilespmem:s31], [sflag:$0x2] =	stream.indirect.gather [hbm4b:s8+s16], $0x80, s16, s16, $0xb8;
	[tilespmem:$0x1D280] =	vst v63  }
0xe9: {  	_ =	swait.ge [sflag:s18], $0x4000  }
0xea: {  	[sflag:s18] =	ssyncset.done $0x0  }
0xeb: {  	[sflag:s18] =	ssyncadd.s32 $0xFFFFC000  }
0xec: {  	[spmem:s2] =	stream.indirect.scatter.add.f32 [tilespmem:s17], [sflag:$0x3], $0x80, s25, s16, $0xb8;
	[tilespmem:$0x1D280] =	vst v63  }
0xed: {  	_ =	swait.ge [sflag:s14], $0x4000  }
0xee: {  	[sflag:s14] =	ssyncset.done $0x0  }
0xef: {  	s25 =	simm.s32 $0x100;
	[sflag:s14] =	ssyncadd.s32 $0xFFFFC000  }
0xf0: {  	[tilespmem:s17], [sflag:$0x1] =	stream.indirect.gather [hbm4b:s8+s16], $0x80, s25, s16, $0xb8;
	[tilespmem:$0x1D280] =	vst v63  }
0xf1: {  	_ =	swait.ge [sflag:s1], $0x4000  }
0xf2: {  	[sflag:s1] =	ssyncset.done $0x0  }
0xf3: {  	s24 =	simm.s32 $0x880;
	[sflag:s1] =	ssyncadd.s32 $0xFFFFC000  }
0xf4: {  	[spmem:s2] =	stream.indirect.scatter.add.f32 [tilespmem:s31], [sflag:$0x3], $0x80, s24, s16, $0xb8;
	[tilespmem:$0x1D280] =	vst v63  }
0xf5: {  	_ =	swait.ge [sflag:s14], $0x4000  }
0xf6: {  	[sflag:s14] =	ssyncset.done $0x0  }
0xf7: {  	s25 =	simm.s32 $0x180;
	[sflag:s14] =	ssyncadd.s32 $0xFFFFC000  }
0xf8: {  	[tilespmem:s31], [sflag:$0x2] =	stream.indirect.gather [hbm4b:s8+s16], $0x80, s25, s16, $0xb8;
	[tilespmem:$0x1D280] =	vst v63  }
0xf9: {  	_ =	swait.ge [sflag:s18], $0x4000  }
0xfa: {  	[sflag:s18] =	ssyncset.done $0x0  }
0xfb: {  	s24 =	simm.s32 $0x900;
	[sflag:s18] =	ssyncadd.s32 $0xFFFFC000  }
0xfc: {  	[spmem:s2] =	stream.indirect.scatter.add.f32 [tilespmem:s17], [sflag:$0x3], $0x80, s24, s16, $0xb8;
	[tilespmem:$0x1D280] =	vst v63  }
0xfd: {  	_ =	swait.ge [sflag:s14], $0x4000  }
0xfe: {  	[sflag:s14] =	ssyncset.done $0x0  }
0xff: {  	s25 =	simm.s32 $0x200;
	[sflag:s14] =	ssyncadd.s32 $0xFFFFC000  }
0x100: {  	[tilespmem:s17], [sflag:$0x1] =	stream.indirect.gather [hbm4b:s8+s16], $0x80, s25, s16, $0xb8;
	[tilespmem:$0x1D280] =	vst v63  }
0x101: {  	_ =	swait.ge [sflag:s1], $0x4000  }
0x102: {  	[sflag:s1] =	ssyncset.done $0x0  }
0x103: {  	s24 =	simm.s32 $0x980;
	[sflag:s1] =	ssyncadd.s32 $0xFFFFC000  }
0x104: {  	[spmem:s2] =	stream.indirect.scatter.add.f32 [tilespmem:s31], [sflag:$0x3], $0x80, s24, s16, $0xb8;
	[tilespmem:$0x1D280] =	vst v63  }
0x105: {  	_ =	swait.ge [sflag:s14], $0x4000  }
0x106: {  	[sflag:s14] =	ssyncset.done $0x0  }
0x107: {  	s25 =	simm.s32 $0x280;
	[sflag:s14] =	ssyncadd.s32 $0xFFFFC000  }
0x108: {  	[tilespmem:s31], [sflag:$0x2] =	stream.indirect.gather [hbm4b:s8+s16], $0x80, s25, s16, $0xb8;
	[tilespmem:$0x1D280] =	vst v63  }
0x109: {  	_ =	swait.ge [sflag:s18], $0x4000  }
0x10a: {  	[sflag:s18] =	ssyncset.done $0x0  }
0x10b: {  	s24 =	simm.s32 $0xA00;
	[sflag:s18] =	ssyncadd.s32 $0xFFFFC000  }
0x10c: {  	[spmem:s2] =	stream.indirect.scatter.add.f32 [tilespmem:s17], [sflag:$0x3], $0x80, s24, s16, $0xb8;
	[tilespmem:$0x1D280] =	vst v63  }
0x10d: {  	_ =	swait.ge [sflag:s14], $0x4000  }
0x10e: {  	[sflag:s14] =	ssyncset.done $0x0  }
0x10f: {  	s25 =	simm.s32 $0x300;
	[sflag:s14] =	ssyncadd.s32 $0xFFFFC000  }
0x110: {  	[tilespmem:s17], [sflag:$0x1] =	stream.indirect.gather [hbm4b:s8+s16], $0x80, s25, s16, $0xb8;
	[tilespmem:$0x1D280] =	vst v63  }
0x111: {  	_ =	swait.ge [sflag:s1], $0x4000  }
0x112: {  	[sflag:s1] =	ssyncset.done $0x0  }
0x113: {  	s24 =	simm.s32 $0xA80;
	[sflag:s1] =	ssyncadd.s32 $0xFFFFC000  }
0x114: {  	[spmem:s2] =	stream.indirect.scatter.add.f32 [tilespmem:s31], [sflag:$0x3], $0x80, s24, s16, $0xb8;
	[tilespmem:$0x1D280] =	vst v63  }
0x115: {  	_ =	swait.ge [sflag:s14], $0x4000  }
0x116: {  	[sflag:s14] =	ssyncset.done $0x0  }
0x117: {  	s25 =	simm.s32 $0x380;
	[sflag:s14] =	ssyncadd.s32 $0xFFFFC000  }
0x118: {  	[tilespmem:s31], [sflag:$0x2] =	stream.indirect.gather [hbm4b:s8+s16], $0x80, s25, s16, $0xb8;
	[tilespmem:$0x1D280] =	vst v63  }
0x119: {  	_ =	swait.ge [sflag:s18], $0x4000  }
0x11a: {  	[sflag:s18] =	ssyncset.done $0x0  }
0x11b: {  	s24 =	simm.s32 $0xB00;
	[sflag:s18] =	ssyncadd.s32 $0xFFFFC000  }
0x11c: {  	[spmem:s2] =	stream.indirect.scatter.add.f32 [tilespmem:s17], [sflag:$0x3], $0x80, s24, s16, $0xb8;
	[tilespmem:$0x1D280] =	vst v63  }
0x11d: {  	_ =	swait.ge [sflag:s14], $0x4000  }
0x11e: {  	[sflag:s14] =	ssyncset.done $0x0  }
0x11f: {  	s25 =	simm.s32 $0x400;
	[sflag:s14] =	ssyncadd.s32 $0xFFFFC000  }
0x120: {  	[tilespmem:s17], [sflag:$0x1] =	stream.indirect.gather [hbm4b:s8+s16], $0x80, s25, s16, $0xb8;
	[tilespmem:$0x1D280] =	vst v63  }
0x121: {  	_ =	swait.ge [sflag:s1], $0x4000  }
0x122: {  	[sflag:s1] =	ssyncset.done $0x0  }
0x123: {  	s24 =	simm.s32 $0xB80;
	[sflag:s1] =	ssyncadd.s32 $0xFFFFC000  }
0x124: {  	[spmem:s2] =	stream.indirect.scatter.add.f32 [tilespmem:s31], [sflag:$0x3], $0x80, s24, s16, $0xb8;
	[tilespmem:$0x1D280] =	vst v63  }
0x125: {  	_ =	swait.ge [sflag:s14], $0x4000  }
0x126: {  	[sflag:s14] =	ssyncset.done $0x0  }
0x127: {  	s25 =	simm.s32 $0x480;
	[sflag:s14] =	ssyncadd.s32 $0xFFFFC000  }
0x128: {  	[tilespmem:s31], [sflag:$0x2] =	stream.indirect.gather [hbm4b:s8+s16], $0x80, s25, s16, $0xb8;
	[tilespmem:$0x1D280] =	vst v63  }
0x129: {  	_ =	swait.ge [sflag:s18], $0x4000  }
0x12a: {  	[sflag:s18] =	ssyncset.done $0x0  }
0x12b: {  	[sflag:s18] =	ssyncadd.s32 $0xFFFFC000  }
0x12c: {  	[spmem:s2] =	stream.indirect.scatter.add.f32 [tilespmem:s17], [sflag:$0x3], $0x80, s6, s16, $0xb8;
	[tilespmem:$0x1D280] =	vst v63  }
0x12d: {  	_ =	swait.ge [sflag:s14], $0x4000  }
0x12e: {  	[sflag:s14] =	ssyncset.done $0x0  }
0x12f: {  	[sflag:s14] =	ssyncadd.s32 $0xFFFFC000  }
0x130: {  	[tilespmem:s17], [sflag:$0x1] =	stream.indirect.gather [hbm4b:s8+s16], $0x80, s13, s16, $0xb8;
	[tilespmem:$0x1D280] =	vst v63  }
0x131: {  	_ =	swait.ge [sflag:s1], $0x4000  }
0x132: {  	[sflag:s1] =	ssyncset.done $0x0  }
0x133: {  	[sflag:s1] =	ssyncadd.s32 $0xFFFFC000  }
0x134: {  	[spmem:s2] =	stream.indirect.scatter.add.f32 [tilespmem:s31], [sflag:$0x3], $0x80, s12, s16, $0xb8;
	[tilespmem:$0x1D280] =	vst v63  }
0x135: {  	_ =	swait.ge [sflag:s14], $0x4000  }
0x136: {  	[sflag:s14] =	ssyncset.done $0x0  }
0x137: {  	[sflag:s14] =	ssyncadd.s32 $0xFFFFC000  }
0x138: {  	[tilespmem:s31], [sflag:$0x2] =	stream.indirect.gather [hbm4b:s8+s16], $0x80, s0, s16, $0xb8;
	[tilespmem:$0x1D280] =	vst v63  }
0x139: {  	_ =	swait.ge [sflag:s18], $0x4000  }
0x13a: {  	[sflag:s18] =	ssyncset.done $0x0  }
0x13b: {  	[sflag:s18] =	ssyncadd.s32 $0xFFFFC000  }
0x13c: {  	[spmem:s2] =	stream.indirect.scatter.add.f32 [tilespmem:s17], [sflag:$0x3], $0x80, s19, s16, $0xb8;
	[tilespmem:$0x1D280] =	vst v63  }
0x13d: {  	_ =	swait.ge [sflag:s14], $0x4000  }
0x13e: {  	[sflag:s14] =	ssyncset.done $0x0  }
0x13f: {  	[sflag:s14] =	ssyncadd.s32 $0xFFFFC000  }
0x140: {  	[tilespmem:s17], [sflag:$0x1] =	stream.indirect.gather [hbm4b:s8+s16], $0x80, s26, s16, $0xb8;
	[tilespmem:$0x1D280] =	vst v63  }
0x141: {  	_ =	swait.ge [sflag:s1], $0x4000  }
0x142: {  	[sflag:s1] =	ssyncset.done $0x0  }
0x143: {  	[sflag:s1] =	ssyncadd.s32 $0xFFFFC000  }
0x144: {  	[spmem:s2] =	stream.indirect.scatter.add.f32 [tilespmem:s31], [sflag:$0x3], $0x80, s28, s16, $0xb8;
	[tilespmem:$0x1D280] =	vst v63  }
0x145: {  	_ =	swait.ge [sflag:s14], $0x4000  }
0x146: {  	[sflag:s14] =	ssyncset.done $0x0  }
0x147: {  	[sflag:s14] =	ssyncadd.s32 $0xFFFFC000  }
0x148: {  	[tilespmem:s31], [sflag:$0x2] =	stream.indirect.gather [hbm4b:s8+s16], $0x80, s29, s16, $0xb8;
	[tilespmem:$0x1D280] =	vst v63  }
0x149: {  	_ =	swait.ge [sflag:s18], $0x4000  }
0x14a: {  	[sflag:s18] =	ssyncset.done $0x0  }
0x14b: {  	[sflag:s18] =	ssyncadd.s32 $0xFFFFC000  }
0x14c: {  	[spmem:s2] =	stream.indirect.scatter.add.f32 [tilespmem:s17], [sflag:$0x3], $0x80, s15, s16, $0xb8;
	[tilespmem:$0x1D280] =	vst v63  }
0x14d: {  	_ =	swait.ge [sflag:s14], $0x4000  }
0x14e: {  	[sflag:s14] =	ssyncset.done $0x0  }
0x14f: {  	[sflag:s14] =	ssyncadd.s32 $0xFFFFC000  }
0x150: {  	[tilespmem:s17], [sflag:$0x1] =	stream.indirect.gather [hbm4b:s8+s16], $0x80, s7, s16, $0xb8;
	[tilespmem:$0x1D280] =	vst v63  }
0x151: {  	_ =	swait.ge [sflag:s1], $0x4000  }
0x152: {  	[sflag:s1] =	ssyncset.done $0x0  }
0x153: {  	[sflag:s1] =	ssyncadd.s32 $0xFFFFC000  }
0x154: {  	[spmem:s2] =	stream.indirect.scatter.add.f32 [tilespmem:s31], [sflag:$0x3], $0x80, s10, s16, $0xb8;
	[tilespmem:$0x1D280] =	vst v63  }
0x155: {  	_ =	swait.ge [sflag:s14], $0x4000  }
0x156: {  	[sflag:s14] =	ssyncset.done $0x0  }
0x157: {  	[sflag:s14] =	ssyncadd.s32 $0xFFFFC000  }
0x158: {  	[tilespmem:s31], [sflag:$0x2] =	stream.indirect.gather [hbm4b:s8+s16], $0x80, s11, s16, $0xb8;
	[tilespmem:$0x1D280] =	vst v63  }
0x159: {  	_ =	swait.ge [sflag:s18], $0x4000  }
0x15a: {  	[sflag:s18] =	ssyncset.done $0x0  }
0x15b: {  	[sflag:s18] =	ssyncadd.s32 $0xFFFFC000  }
0x15c: {  	[spmem:s2] =	stream.indirect.scatter.add.f32 [tilespmem:s17], [sflag:$0x3], $0x80, s30, s16, $0xb8;
	[tilespmem:$0x1D280] =	vst v63  }
0x15d: {  	_ =	swait.ge [sflag:s14], $0x4000  }
0x15e: {  	[sflag:s14] =	ssyncset.done $0x0  }
0x15f: {  	[sflag:s14] =	ssyncadd.s32 $0xFFFFC000  }
0x160: {  	_ =	swait.ge [sflag:s1], $0x4000  }
.Ltmp0:
0x161: {  	[sflag:s1] =	ssyncset.done $0x0;
	(pc) =	sbr.rel @p0 .LBB2_2-.Ltmp0, $4  }
0x162: {  	[sflag:s1] =	ssyncadd.s32 $0xFFFFC000  }
0x163: {  	[spmem:s2] =	stream.indirect.scatter.add.f32 [tilespmem:s31], [sflag:$0x3], $0x80, s5, s16, $0xb8;
	[tilespmem:$0x1D280] =	vst v63  }
0x164: {  	_ =	swait.ge [sflag:s14], $0x4000  }
0x165: {  	s23 =	smov.u32 s21;
	[sflag:s14] =	ssyncset.done $0x0  }
0x166: {  	s21 =	sadd.s32 s22, s20;
	[sflag:s14] =	ssyncadd.s32 $0xFFFFC000  }
0x167: {  	[tilespmem:s3], [sflag:$0x3] =	stream.linear.gather [hbm4b:s21+s3], $0x800, $0x38;
	[tilespmem:$0x1D280] =	vst v63  }
0x168: {  	_ =	swait.ge [sflag:s14], $0x800  }
0x169: {  	s15 =	rddreg [dreg:$0x4]  }
0x16a: {  	[sflag:s14] =	ssyncset.done $0x0;
	s21 =	sadd.s32 s15, s4  }
0x16b: {  	s0 =	simm.s32 $0x800;
	[sflag:s14] =	ssyncadd.s32 $0xFFFFF800;
	s19 =	sadd.s32 s22, s21  }
0x16c: {  	[tilespmem:s0], [sflag:$0x3] =	stream.linear.gather [hbm4b:s19+s3], $0x800, $0x38;
	[tilespmem:$0x1D280] =	vst v63  }
0x16d: {  	_ =	swait.ge [sflag:s14], $0x800  }
0x16e: {  	[sflag:s14] =	ssyncset.done $0x0  }
0x16f: {  	[sflag:s14] =	ssyncadd.s32 $0xFFFFF800  }
0x170: {  	[tilespmem:s17], [sflag:$0x1] =	stream.indirect.gather [hbm4b:s8+s16], $0x80, s3, s16, $0xb8;
	[tilespmem:$0x1D280] =	vst v63  }
0x171: {  	_ = 	snop  }
0x172: {  	[tilespmem:s31], [sflag:$0x2] =	stream.indirect.gather [hbm4b:s8+s16], $0x80, s16, s16, $0xb8;
	[tilespmem:$0x1D280] =	vst v63  }
0x173: {  	_ =	swait.ge [sflag:s18], $0x4000  }
0x174: {  	[sflag:s18] =	ssyncset.done $0x0  }
0x175: {  	[sflag:s18] =	ssyncadd.s32 $0xFFFFC000  }
0x176: {  	[spmem:s2] =	stream.indirect.scatter.add.f32 [tilespmem:s17], [sflag:$0x3], $0x80, s0, s16, $0xb8;
	[tilespmem:$0x1D280] =	vst v63  }
0x177: {  	_ =	swait.ge [sflag:s14], $0x4000  }
0x178: {  	[sflag:s14] =	ssyncset.done $0x0  }
0x179: {  	s24 =	simm.s32 $0x100;
	[sflag:s14] =	ssyncadd.s32 $0xFFFFC000  }
0x17a: {  	[tilespmem:s17], [sflag:$0x1] =	stream.indirect.gather [hbm4b:s8+s16], $0x80, s24, s16, $0xb8;
	[tilespmem:$0x1D280] =	vst v63  }
0x17b: {  	_ =	swait.ge [sflag:s1], $0x4000  }
0x17c: {  	[sflag:s1] =	ssyncset.done $0x0  }
0x17d: {  	s25 =	simm.s32 $0x880;
	[sflag:s1] =	ssyncadd.s32 $0xFFFFC000  }
0x17e: {  	[spmem:s2] =	stream.indirect.scatter.add.f32 [tilespmem:s31], [sflag:$0x3], $0x80, s25, s16, $0xb8;
	[tilespmem:$0x1D280] =	vst v63  }
0x17f: {  	_ =	swait.ge [sflag:s14], $0x4000  }
0x180: {  	[sflag:s14] =	ssyncset.done $0x0  }
0x181: {  	s5 =	simm.s32 $0x180;
	[sflag:s14] =	ssyncadd.s32 $0xFFFFC000  }
0x182: {  	[tilespmem:s31], [sflag:$0x2] =	stream.indirect.gather [hbm4b:s8+s16], $0x80, s5, s16, $0xb8;
	[tilespmem:$0x1D280] =	vst v63  }
0x183: {  	_ =	swait.ge [sflag:s18], $0x4000  }
0x184: {  	[sflag:s18] =	ssyncset.done $0x0  }
0x185: {  	s6 =	simm.s32 $0x900;
	[sflag:s18] =	ssyncadd.s32 $0xFFFFC000  }
0x186: {  	[spmem:s2] =	stream.indirect.scatter.add.f32 [tilespmem:s17], [sflag:$0x3], $0x80, s6, s16, $0xb8;
	[tilespmem:$0x1D280] =	vst v63  }
0x187: {  	_ =	swait.ge [sflag:s14], $0x4000  }
0x188: {  	[sflag:s14] =	ssyncset.done $0x0  }
0x189: {  	s7 =	simm.s32 $0x200;
	[sflag:s14] =	ssyncadd.s32 $0xFFFFC000  }
0x18a: {  	[tilespmem:s17], [sflag:$0x1] =	stream.indirect.gather [hbm4b:s8+s16], $0x80, s7, s16, $0xb8;
	[tilespmem:$0x1D280] =	vst v63  }
0x18b: {  	_ =	swait.ge [sflag:s1], $0x4000  }
0x18c: {  	[sflag:s1] =	ssyncset.done $0x0  }
0x18d: {  	s10 =	simm.s32 $0x980;
	[sflag:s1] =	ssyncadd.s32 $0xFFFFC000  }
0x18e: {  	[spmem:s2] =	stream.indirect.scatter.add.f32 [tilespmem:s31], [sflag:$0x3], $0x80, s10, s16, $0xb8;
	[tilespmem:$0x1D280] =	vst v63  }
0x18f: {  	_ =	swait.ge [sflag:s14], $0x4000  }
0x190: {  	[sflag:s14] =	ssyncset.done $0x0  }
0x191: {  	s11 =	simm.s32 $0x280;
	[sflag:s14] =	ssyncadd.s32 $0xFFFFC000  }
0x192: {  	[tilespmem:s31], [sflag:$0x2] =	stream.indirect.gather [hbm4b:s8+s16], $0x80, s11, s16, $0xb8;
	[tilespmem:$0x1D280] =	vst v63  }
0x193: {  	_ =	swait.ge [sflag:s18], $0x4000  }
0x194: {  	[sflag:s18] =	ssyncset.done $0x0  }
0x195: {  	s12 =	simm.s32 $0xA00;
	[sflag:s18] =	ssyncadd.s32 $0xFFFFC000  }
0x196: {  	[spmem:s2] =	stream.indirect.scatter.add.f32 [tilespmem:s17], [sflag:$0x3], $0x80, s12, s16, $0xb8;
	[tilespmem:$0x1D280] =	vst v63  }
0x197: {  	_ =	swait.ge [sflag:s14], $0x4000  }
0x198: {  	[sflag:s14] =	ssyncset.done $0x0  }
0x199: {  	s13 =	simm.s32 $0x300;
	[sflag:s14] =	ssyncadd.s32 $0xFFFFC000  }
0x19a: {  	[tilespmem:s17], [sflag:$0x1] =	stream.indirect.gather [hbm4b:s8+s16], $0x80, s13, s16, $0xb8;
	[tilespmem:$0x1D280] =	vst v63  }
0x19b: {  	_ =	swait.ge [sflag:s1], $0x4000  }
0x19c: {  	[sflag:s1] =	ssyncset.done $0x0  }
0x19d: {  	s15 =	simm.s32 $0xA80;
	[sflag:s1] =	ssyncadd.s32 $0xFFFFC000  }
0x19e: {  	[spmem:s2] =	stream.indirect.scatter.add.f32 [tilespmem:s31], [sflag:$0x3], $0x80, s15, s16, $0xb8;
	[tilespmem:$0x1D280] =	vst v63  }
0x19f: {  	_ =	swait.ge [sflag:s14], $0x4000  }
0x1a0: {  	[sflag:s14] =	ssyncset.done $0x0  }
0x1a1: {  	s19 =	simm.s32 $0x380;
	[sflag:s14] =	ssyncadd.s32 $0xFFFFC000  }
0x1a2: {  	[tilespmem:s31], [sflag:$0x2] =	stream.indirect.gather [hbm4b:s8+s16], $0x80, s19, s16, $0xb8;
	[tilespmem:$0x1D280] =	vst v63  }
0x1a3: {  	_ =	swait.ge [sflag:s18], $0x4000  }
0x1a4: {  	[sflag:s18] =	ssyncset.done $0x0  }
0x1a5: {  	s26 =	simm.s32 $0xB00;
	[sflag:s18] =	ssyncadd.s32 $0xFFFFC000  }
0x1a6: {  	[spmem:s2] =	stream.indirect.scatter.add.f32 [tilespmem:s17], [sflag:$0x3], $0x80, s26, s16, $0xb8;
	[tilespmem:$0x1D280] =	vst v63  }
0x1a7: {  	_ =	swait.ge [sflag:s14], $0x4000  }
0x1a8: {  	[sflag:s14] =	ssyncset.done $0x0  }
0x1a9: {  	s28 =	simm.s32 $0x400;
	[sflag:s14] =	ssyncadd.s32 $0xFFFFC000  }
0x1aa: {  	[tilespmem:s17], [sflag:$0x1] =	stream.indirect.gather [hbm4b:s8+s16], $0x80, s28, s16, $0xb8;
	[tilespmem:$0x1D280] =	vst v63  }
0x1ab: {  	_ =	swait.ge [sflag:s1], $0x4000  }
0x1ac: {  	[sflag:s1] =	ssyncset.done $0x0  }
0x1ad: {  	s29 =	simm.s32 $0xB80;
	[sflag:s1] =	ssyncadd.s32 $0xFFFFC000  }
0x1ae: {  	[spmem:s2] =	stream.indirect.scatter.add.f32 [tilespmem:s31], [sflag:$0x3], $0x80, s29, s16, $0xb8;
	[tilespmem:$0x1D280] =	vst v63  }
0x1af: {  	_ =	swait.ge [sflag:s14], $0x4000  }
0x1b0: {  	[sflag:s14] =	ssyncset.done $0x0  }
0x1b1: {  	s30 =	simm.s32 $0x480;
	[sflag:s14] =	ssyncadd.s32 $0xFFFFC000  }
0x1b2: {  	[tilespmem:s31], [sflag:$0x2] =	stream.indirect.gather [hbm4b:s8+s16], $0x80, s30, s16, $0xb8;
	[tilespmem:$0x1D280] =	vst v63  }
0x1b3: {  	_ =	swait.ge [sflag:s18], $0x4000  }
0x1b4: {  	[sflag:s18] =	ssyncset.done $0x0  }
0x1b5: {  	s23 =	simm.s32 $0xC00;
	[sflag:s18] =	ssyncadd.s32 $0xFFFFC000  }
0x1b6: {  	[spmem:s2] =	stream.indirect.scatter.add.f32 [tilespmem:s17], [sflag:$0x3], $0x80, s23, s16, $0xb8;
	[tilespmem:$0x1D280] =	vst v63  }
0x1b7: {  	_ =	swait.ge [sflag:s14], $0x4000  }
0x1b8: {  	[sflag:s14] =	ssyncset.done $0x0  }
0x1b9: {  	s22 =	simm.s32 $0x500;
	[sflag:s14] =	ssyncadd.s32 $0xFFFFC000  }
0x1ba: {  	[tilespmem:s17], [sflag:$0x1] =	stream.indirect.gather [hbm4b:s8+s16], $0x80, s22, s16, $0xb8;
	[tilespmem:$0x1D280] =	vst v63  }
0x1bb: {  	_ =	swait.ge [sflag:s1], $0x4000  }
0x1bc: {  	[sflag:s1] =	ssyncset.done $0x0  }
0x1bd: {  	s23 =	simm.s32 $0xC80;
	[sflag:s1] =	ssyncadd.s32 $0xFFFFC000  }
0x1be: {  	[spmem:s2] =	stream.indirect.scatter.add.f32 [tilespmem:s31], [sflag:$0x3], $0x80, s23, s16, $0xb8;
	[tilespmem:$0x1D280] =	vst v63  }
0x1bf: {  	_ =	swait.ge [sflag:s14], $0x4000  }
0x1c0: {  	[sflag:s14] =	ssyncset.done $0x0  }
0x1c1: {  	s22 =	simm.s32 $0x580;
	[sflag:s14] =	ssyncadd.s32 $0xFFFFC000  }
0x1c2: {  	[tilespmem:s31], [sflag:$0x2] =	stream.indirect.gather [hbm4b:s8+s16], $0x80, s22, s16, $0xb8;
	[tilespmem:$0x1D280] =	vst v63  }
0x1c3: {  	_ =	swait.ge [sflag:s18], $0x4000  }
0x1c4: {  	[sflag:s18] =	ssyncset.done $0x0  }
0x1c5: {  	s23 =	simm.s32 $0xD00;
	[sflag:s18] =	ssyncadd.s32 $0xFFFFC000  }
0x1c6: {  	[spmem:s2] =	stream.indirect.scatter.add.f32 [tilespmem:s17], [sflag:$0x3], $0x80, s23, s16, $0xb8;
	[tilespmem:$0x1D280] =	vst v63  }
0x1c7: {  	_ =	swait.ge [sflag:s14], $0x4000  }
0x1c8: {  	[sflag:s14] =	ssyncset.done $0x0  }
0x1c9: {  	s22 =	simm.s32 $0x600;
	[sflag:s14] =	ssyncadd.s32 $0xFFFFC000  }
0x1ca: {  	[tilespmem:s17], [sflag:$0x1] =	stream.indirect.gather [hbm4b:s8+s16], $0x80, s22, s16, $0xb8;
	[tilespmem:$0x1D280] =	vst v63  }
0x1cb: {  	_ =	swait.ge [sflag:s1], $0x4000  }
0x1cc: {  	[sflag:s1] =	ssyncset.done $0x0  }
0x1cd: {  	s23 =	simm.s32 $0xD80;
	[sflag:s1] =	ssyncadd.s32 $0xFFFFC000  }
0x1ce: {  	[spmem:s2] =	stream.indirect.scatter.add.f32 [tilespmem:s31], [sflag:$0x3], $0x80, s23, s16, $0xb8;
	[tilespmem:$0x1D280] =	vst v63  }
0x1cf: {  	_ =	swait.ge [sflag:s14], $0x4000  }
0x1d0: {  	[sflag:s14] =	ssyncset.done $0x0  }
0x1d1: {  	s22 =	simm.s32 $0x680;
	[sflag:s14] =	ssyncadd.s32 $0xFFFFC000  }
0x1d2: {  	[tilespmem:s31], [sflag:$0x2] =	stream.indirect.gather [hbm4b:s8+s16], $0x80, s22, s16, $0xb8;
	[tilespmem:$0x1D280] =	vst v63  }
0x1d3: {  	_ =	swait.ge [sflag:s18], $0x4000  }
0x1d4: {  	[sflag:s18] =	ssyncset.done $0x0  }
0x1d5: {  	s23 =	simm.s32 $0xE00;
	[sflag:s18] =	ssyncadd.s32 $0xFFFFC000  }
0x1d6: {  	[spmem:s2] =	stream.indirect.scatter.add.f32 [tilespmem:s17], [sflag:$0x3], $0x80, s23, s16, $0xb8;
	[tilespmem:$0x1D280] =	vst v63  }
0x1d7: {  	_ =	swait.ge [sflag:s14], $0x4000  }
0x1d8: {  	[sflag:s14] =	ssyncset.done $0x0  }
0x1d9: {  	s22 =	simm.s32 $0x700;
	[sflag:s14] =	ssyncadd.s32 $0xFFFFC000  }
0x1da: {  	[tilespmem:s17], [sflag:$0x1] =	stream.indirect.gather [hbm4b:s8+s16], $0x80, s22, s16, $0xb8;
	[tilespmem:$0x1D280] =	vst v63  }
0x1db: {  	_ =	swait.ge [sflag:s1], $0x4000  }
0x1dc: {  	[sflag:s1] =	ssyncset.done $0x0  }
0x1dd: {  	s23 =	simm.s32 $0xE80;
	[sflag:s1] =	ssyncadd.s32 $0xFFFFC000  }
0x1de: {  	[spmem:s2] =	stream.indirect.scatter.add.f32 [tilespmem:s31], [sflag:$0x3], $0x80, s23, s16, $0xb8;
	[tilespmem:$0x1D280] =	vst v63  }
0x1df: {  	_ =	swait.ge [sflag:s14], $0x4000  }
0x1e0: {  	[sflag:s14] =	ssyncset.done $0x0  }
0x1e1: {  	s22 =	simm.s32 $0x780;
	[sflag:s14] =	ssyncadd.s32 $0xFFFFC000  }
0x1e2: {  	[tilespmem:s31], [sflag:$0x2] =	stream.indirect.gather [hbm4b:s8+s16], $0x80, s22, s16, $0xb8;
	[tilespmem:$0x1D280] =	vst v63  }
0x1e3: {  	_ =	swait.ge [sflag:s18], $0x4000  }
0x1e4: {  	[sflag:s18] =	ssyncset.done $0x0  }
0x1e5: {  	s23 =	simm.s32 $0xF00;
	[sflag:s18] =	ssyncadd.s32 $0xFFFFC000  }
0x1e6: {  	[spmem:s2] =	stream.indirect.scatter.add.f32 [tilespmem:s17], [sflag:$0x3], $0x80, s23, s16, $0xb8;
	[tilespmem:$0x1D280] =	vst v63  }
0x1e7: {  	_ =	swait.ge [sflag:s14], $0x4000  }
0x1e8: {  	[sflag:s14] =	ssyncset.done $0x0  }
0x1e9: {  	[sflag:s14] =	ssyncadd.s32 $0xFFFFC000  }
0x1ea: {  	_ =	swait.ge [sflag:s1], $0x4000  }
0x1eb: {  	[sflag:s1] =	ssyncset.done $0x0  }
0x1ec: {  	s22 =	simm.s32 $0xF80;
	[sflag:s1] =	ssyncadd.s32 $0xFFFFC000  }
0x1ed: {  	[spmem:s2] =	stream.indirect.scatter.add.f32 [tilespmem:s31], [sflag:$0x3], $0x80, s22, s16, $0xb8;
	[tilespmem:$0x1D280] =	vst v63  }
0x1ee: {  	_ =	swait.ge [sflag:s14], $0x4000  }
0x1ef: {  	[sflag:s14] =	ssyncset.done $0x0  }
0x1f0: {  	[sflag:s14] =	ssyncadd.s32 $0xFFFFC000  }
0x1f1: {  	[bflag:$0x0] =	sbarrier.arrive $0xFFFF  }
0x1f2: {  	s22 =	rddreg [dreg:$0x7]  }
0x1f3: {  	s23 =	rddreg [dreg:$0xc]  }
0x1f4: {  	s4 =	rddreg [dreg:$0x11]  }
0x1f5: {  	[hbm:s4], [sflag:s22] =	dma.local [spmem:s23], $0x2800  }
0x1f6: {  	_ =	swait.ge [sflag:s14], $0x2800  }
0x1f7: {  	[sflag:s14] =	ssyncset.done $0x0  }
0x1f8: {  	[sflag:s14] =	ssyncadd.s32 $0xFFFFD800  }
0x1f9: {  	[bflag:$0x0] =	sbarrier.arrive $0xFFFF  }
0x1fa: {  	s4 =	rddreg [dreg:$0x6]  }
0x1fb: {  	[spmem:s23], [sflag:s22] =	dma.local [hbm:s4], $0x2800  }
0x1fc: {  	_ =	swait.ge [sflag:s14], $0x2800  }
0x1fd: {  	[sflag:s14] =	ssyncset.done $0x0  }
0x1fe: {  	[sflag:s14] =	ssyncadd.s32 $0xFFFFD800  }
0x1ff: {  	s23 =	sadd.s32 $0x0, s20;
	[bflag:$0x0] =	sbarrier.arrive $0xFFFF  }
0x200: {  	[tilespmem:s3], [sflag:$0x3] =	stream.linear.gather [hbm4b:s23+s3], $0x800, $0x38;
	[tilespmem:$0x1D280] =	vst v63  }
0x201: {  	_ =	swait.ge [sflag:s14], $0x800  }
0x202: {  	[sflag:s14] =	ssyncset.done $0x0  }
0x203: {  	s4 =	sadd.s32 $0x0, s21;
	[sflag:s14] =	ssyncadd.s32 $0xFFFFF800  }
0x204: {  	[tilespmem:s0], [sflag:$0x3] =	stream.linear.gather [hbm4b:s4+s3], $0x800, $0x38;
	[tilespmem:$0x1D280] =	vst v63  }
0x205: {  	_ =	swait.ge [sflag:s14], $0x800  }
0x206: {  	[sflag:s14] =	ssyncset.done $0x0  }
0x207: {  	[sflag:s14] =	ssyncadd.s32 $0xFFFFF800  }
0x208: {  	[tilespmem:s17], [sflag:$0x1] =	stream.indirect.gather [hbm4b:s9+s16], $0x80, s3, s16, $0xb8;
	[tilespmem:$0x1D280] =	vst v63  }
0x209: {  	_ = 	snop  }
0x20a: {  	[tilespmem:s31], [sflag:$0x2] =	stream.indirect.gather [hbm4b:s9+s16], $0x80, s16, s16, $0xb8;
	[tilespmem:$0x1D280] =	vst v63  }
0x20b: {  	_ =	swait.ge [sflag:s18], $0x4000  }
0x20c: {  	[sflag:s18] =	ssyncset.done $0x0  }
0x20d: {  	[sflag:s18] =	ssyncadd.s32 $0xFFFFC000  }
0x20e: {  	[spmem:s2] =	stream.indirect.scatter.add.f32 [tilespmem:s17], [sflag:$0x3], $0x80, s0, s16, $0xb8;
	[tilespmem:$0x1D280] =	vst v63  }
0x20f: {  	_ =	swait.ge [sflag:s14], $0x4000  }
0x210: {  	[sflag:s14] =	ssyncset.done $0x0  }
0x211: {  	[sflag:s14] =	ssyncadd.s32 $0xFFFFC000  }
0x212: {  	[tilespmem:s17], [sflag:$0x1] =	stream.indirect.gather [hbm4b:s9+s16], $0x80, s24, s16, $0xb8;
	[tilespmem:$0x1D280] =	vst v63  }
0x213: {  	_ =	swait.ge [sflag:s1], $0x4000  }
0x214: {  	[sflag:s1] =	ssyncset.done $0x0  }
0x215: {  	[sflag:s1] =	ssyncadd.s32 $0xFFFFC000  }
0x216: {  	[spmem:s2] =	stream.indirect.scatter.add.f32 [tilespmem:s31], [sflag:$0x3], $0x80, s25, s16, $0xb8;
	[tilespmem:$0x1D280] =	vst v63  }
0x217: {  	_ =	swait.ge [sflag:s14], $0x4000  }
0x218: {  	[sflag:s14] =	ssyncset.done $0x0  }
0x219: {  	[sflag:s14] =	ssyncadd.s32 $0xFFFFC000  }
0x21a: {  	[tilespmem:s31], [sflag:$0x2] =	stream.indirect.gather [hbm4b:s9+s16], $0x80, s5, s16, $0xb8;
	[tilespmem:$0x1D280] =	vst v63  }
0x21b: {  	_ =	swait.ge [sflag:s18], $0x4000  }
0x21c: {  	[sflag:s18] =	ssyncset.done $0x0  }
0x21d: {  	[sflag:s18] =	ssyncadd.s32 $0xFFFFC000  }
0x21e: {  	[spmem:s2] =	stream.indirect.scatter.add.f32 [tilespmem:s17], [sflag:$0x3], $0x80, s6, s16, $0xb8;
	[tilespmem:$0x1D280] =	vst v63  }
0x21f: {  	_ =	swait.ge [sflag:s14], $0x4000  }
0x220: {  	[sflag:s14] =	ssyncset.done $0x0  }
0x221: {  	[sflag:s14] =	ssyncadd.s32 $0xFFFFC000  }
0x222: {  	[tilespmem:s17], [sflag:$0x1] =	stream.indirect.gather [hbm4b:s9+s16], $0x80, s7, s16, $0xb8;
	[tilespmem:$0x1D280] =	vst v63  }
0x223: {  	_ =	swait.ge [sflag:s1], $0x4000  }
0x224: {  	[sflag:s1] =	ssyncset.done $0x0  }
0x225: {  	[sflag:s1] =	ssyncadd.s32 $0xFFFFC000  }
0x226: {  	[spmem:s2] =	stream.indirect.scatter.add.f32 [tilespmem:s31], [sflag:$0x3], $0x80, s10, s16, $0xb8;
	[tilespmem:$0x1D280] =	vst v63  }
0x227: {  	_ =	swait.ge [sflag:s14], $0x4000  }
0x228: {  	[sflag:s14] =	ssyncset.done $0x0  }
0x229: {  	[sflag:s14] =	ssyncadd.s32 $0xFFFFC000  }
0x22a: {  	[tilespmem:s31], [sflag:$0x2] =	stream.indirect.gather [hbm4b:s9+s16], $0x80, s11, s16, $0xb8;
	[tilespmem:$0x1D280] =	vst v63  }
0x22b: {  	_ =	swait.ge [sflag:s18], $0x4000  }
0x22c: {  	[sflag:s18] =	ssyncset.done $0x0  }
0x22d: {  	[sflag:s18] =	ssyncadd.s32 $0xFFFFC000  }
0x22e: {  	[spmem:s2] =	stream.indirect.scatter.add.f32 [tilespmem:s17], [sflag:$0x3], $0x80, s12, s16, $0xb8;
	[tilespmem:$0x1D280] =	vst v63  }
0x22f: {  	_ =	swait.ge [sflag:s14], $0x4000  }
0x230: {  	[sflag:s14] =	ssyncset.done $0x0  }
0x231: {  	[sflag:s14] =	ssyncadd.s32 $0xFFFFC000  }
0x232: {  	[tilespmem:s17], [sflag:$0x1] =	stream.indirect.gather [hbm4b:s9+s16], $0x80, s13, s16, $0xb8;
	[tilespmem:$0x1D280] =	vst v63  }
0x233: {  	_ =	swait.ge [sflag:s1], $0x4000  }
0x234: {  	[sflag:s1] =	ssyncset.done $0x0  }
0x235: {  	[sflag:s1] =	ssyncadd.s32 $0xFFFFC000  }
0x236: {  	[spmem:s2] =	stream.indirect.scatter.add.f32 [tilespmem:s31], [sflag:$0x3], $0x80, s15, s16, $0xb8;
	[tilespmem:$0x1D280] =	vst v63  }
0x237: {  	_ =	swait.ge [sflag:s14], $0x4000  }
0x238: {  	[sflag:s14] =	ssyncset.done $0x0  }
0x239: {  	[sflag:s14] =	ssyncadd.s32 $0xFFFFC000  }
0x23a: {  	[tilespmem:s31], [sflag:$0x2] =	stream.indirect.gather [hbm4b:s9+s16], $0x80, s19, s16, $0xb8;
	[tilespmem:$0x1D280] =	vst v63  }
0x23b: {  	_ =	swait.ge [sflag:s18], $0x4000  }
0x23c: {  	[sflag:s18] =	ssyncset.done $0x0  }
0x23d: {  	[sflag:s18] =	ssyncadd.s32 $0xFFFFC000  }
0x23e: {  	[spmem:s2] =	stream.indirect.scatter.add.f32 [tilespmem:s17], [sflag:$0x3], $0x80, s26, s16, $0xb8;
	[tilespmem:$0x1D280] =	vst v63  }
0x23f: {  	_ =	swait.ge [sflag:s14], $0x4000  }
0x240: {  	[sflag:s14] =	ssyncset.done $0x0  }
0x241: {  	[sflag:s14] =	ssyncadd.s32 $0xFFFFC000  }
0x242: {  	[tilespmem:s17], [sflag:$0x1] =	stream.indirect.gather [hbm4b:s9+s16], $0x80, s28, s16, $0xb8;
	[tilespmem:$0x1D280] =	vst v63  }
0x243: {  	_ =	swait.ge [sflag:s1], $0x4000  }
0x244: {  	[sflag:s1] =	ssyncset.done $0x0  }
0x245: {  	[sflag:s1] =	ssyncadd.s32 $0xFFFFC000  }
0x246: {  	[spmem:s2] =	stream.indirect.scatter.add.f32 [tilespmem:s31], [sflag:$0x3], $0x80, s29, s16, $0xb8;
	[tilespmem:$0x1D280] =	vst v63  }
0x247: {  	_ =	swait.ge [sflag:s14], $0x4000  }
0x248: {  	[sflag:s14] =	ssyncset.done $0x0  }
0x249: {  	[sflag:s14] =	ssyncadd.s32 $0xFFFFC000  }
0x24a: {  	[tilespmem:s31], [sflag:$0x2] =	stream.indirect.gather [hbm4b:s9+s16], $0x80, s30, s16, $0xb8;
	[tilespmem:$0x1D280] =	vst v63  }
0x24b: {  	_ =	swait.ge [sflag:s18], $0x4000  }
0x24c: {  	[sflag:s18] =	ssyncset.done $0x0  }
0x24d: {  	s15 =	simm.s32 $0xC00;
	[sflag:s18] =	ssyncadd.s32 $0xFFFFC000  }
0x24e: {  	[spmem:s2] =	stream.indirect.scatter.add.f32 [tilespmem:s17], [sflag:$0x3], $0x80, s15, s16, $0xb8;
	[tilespmem:$0x1D280] =	vst v63  }
0x24f: {  	_ =	swait.ge [sflag:s14], $0x4000  }
0x250: {  	[sflag:s14] =	ssyncset.done $0x0  }
0x251: {  	s19 =	simm.s32 $0x500;
	[sflag:s14] =	ssyncadd.s32 $0xFFFFC000  }
0x252: {  	[tilespmem:s17], [sflag:$0x1] =	stream.indirect.gather [hbm4b:s9+s16], $0x80, s19, s16, $0xb8;
	[tilespmem:$0x1D280] =	vst v63  }
0x253: {  	_ =	swait.ge [sflag:s1], $0x4000  }
0x254: {  	[sflag:s1] =	ssyncset.done $0x0  }
0x255: {  	s22 =	simm.s32 $0xC80;
	[sflag:s1] =	ssyncadd.s32 $0xFFFFC000  }
0x256: {  	[spmem:s2] =	stream.indirect.scatter.add.f32 [tilespmem:s31], [sflag:$0x3], $0x80, s22, s16, $0xb8;
	[tilespmem:$0x1D280] =	vst v63  }
0x257: {  	_ =	swait.ge [sflag:s14], $0x4000  }
0x258: {  	[sflag:s14] =	ssyncset.done $0x0  }
0x259: {  	s23 =	simm.s32 $0x580;
	[sflag:s14] =	ssyncadd.s32 $0xFFFFC000  }
0x25a: {  	[tilespmem:s31], [sflag:$0x2] =	stream.indirect.gather [hbm4b:s9+s16], $0x80, s23, s16, $0xb8;
	[tilespmem:$0x1D280] =	vst v63  }
0x25b: {  	_ =	swait.ge [sflag:s18], $0x4000  }
0x25c: {  	[sflag:s18] =	ssyncset.done $0x0  }
0x25d: {  	s24 =	simm.s32 $0xD00;
	[sflag:s18] =	ssyncadd.s32 $0xFFFFC000  }
0x25e: {  	[spmem:s2] =	stream.indirect.scatter.add.f32 [tilespmem:s17], [sflag:$0x3], $0x80, s24, s16, $0xb8;
	[tilespmem:$0x1D280] =	vst v63  }
0x25f: {  	_ =	swait.ge [sflag:s14], $0x4000  }
0x260: {  	[sflag:s14] =	ssyncset.done $0x0  }
0x261: {  	s25 =	simm.s32 $0x600;
	[sflag:s14] =	ssyncadd.s32 $0xFFFFC000  }
0x262: {  	[tilespmem:s17], [sflag:$0x1] =	stream.indirect.gather [hbm4b:s9+s16], $0x80, s25, s16, $0xb8;
	[tilespmem:$0x1D280] =	vst v63  }
0x263: {  	_ =	swait.ge [sflag:s1], $0x4000  }
0x264: {  	[sflag:s1] =	ssyncset.done $0x0  }
0x265: {  	s5 =	simm.s32 $0xD80;
	[sflag:s1] =	ssyncadd.s32 $0xFFFFC000  }
0x266: {  	[spmem:s2] =	stream.indirect.scatter.add.f32 [tilespmem:s31], [sflag:$0x3], $0x80, s5, s16, $0xb8;
	[tilespmem:$0x1D280] =	vst v63  }
0x267: {  	_ =	swait.ge [sflag:s14], $0x4000  }
0x268: {  	[sflag:s14] =	ssyncset.done $0x0  }
0x269: {  	s7 =	simm.s32 $0x680;
	[sflag:s14] =	ssyncadd.s32 $0xFFFFC000  }
0x26a: {  	[tilespmem:s31], [sflag:$0x2] =	stream.indirect.gather [hbm4b:s9+s16], $0x80, s7, s16, $0xb8;
	[tilespmem:$0x1D280] =	vst v63  }
0x26b: {  	_ =	swait.ge [sflag:s18], $0x4000  }
0x26c: {  	[sflag:s18] =	ssyncset.done $0x0  }
0x26d: {  	s10 =	simm.s32 $0xE00;
	[sflag:s18] =	ssyncadd.s32 $0xFFFFC000  }
0x26e: {  	[spmem:s2] =	stream.indirect.scatter.add.f32 [tilespmem:s17], [sflag:$0x3], $0x80, s10, s16, $0xb8;
	[tilespmem:$0x1D280] =	vst v63  }
0x26f: {  	_ =	swait.ge [sflag:s14], $0x4000  }
0x270: {  	[sflag:s14] =	ssyncset.done $0x0  }
0x271: {  	s11 =	simm.s32 $0x700;
	[sflag:s14] =	ssyncadd.s32 $0xFFFFC000  }
0x272: {  	[tilespmem:s17], [sflag:$0x1] =	stream.indirect.gather [hbm4b:s9+s16], $0x80, s11, s16, $0xb8;
	[tilespmem:$0x1D280] =	vst v63  }
0x273: {  	_ =	swait.ge [sflag:s1], $0x4000  }
0x274: {  	[sflag:s1] =	ssyncset.done $0x0  }
0x275: {  	s22 =	simm.s32 $0xE80;
	[sflag:s1] =	ssyncadd.s32 $0xFFFFC000  }
0x276: {  	[spmem:s2] =	stream.indirect.scatter.add.f32 [tilespmem:s31], [sflag:$0x3], $0x80, s22, s16, $0xb8;
	[tilespmem:$0x1D280] =	vst v63  }
0x277: {  	_ =	swait.ge [sflag:s14], $0x4000  }
0x278: {  	[sflag:s14] =	ssyncset.done $0x0  }
0x279: {  	s23 =	simm.s32 $0x780;
	[sflag:s14] =	ssyncadd.s32 $0xFFFFC000  }
0x27a: {  	[tilespmem:s31], [sflag:$0x2] =	stream.indirect.gather [hbm4b:s9+s16], $0x80, s23, s16, $0xb8;
	[tilespmem:$0x1D280] =	vst v63  }
0x27b: {  	_ =	swait.ge [sflag:s18], $0x4000  }
0x27c: {  	[sflag:s18] =	ssyncset.done $0x0  }
0x27d: {  	s0 =	simm.s32 $0x580;
	s24 =	simm.s32 $0xF00;
	[sflag:s18] =	ssyncadd.s32 $0xFFFFC000  }
0x27e: {  	[spmem:s2] =	stream.indirect.scatter.add.f32 [tilespmem:s17], [sflag:$0x3], $0x80, s24, s16, $0xb8;
	[tilespmem:$0x1D280] =	vst v63  }
0x27f: {  	s6 =	simm.s32 $0xC00;
	s12 =	simm.s32 $0xC80;
	_ =	swait.ge [sflag:s14], $0x4000  }
0x280: {  	s13 =	simm.s32 $0x500;
	s26 =	simm.s32 $0x600;
	[sflag:s14] =	ssyncset.done $0x0  }
0x281: {  	s28 =	simm.s32 $0xD80;
	s29 =	simm.s32 $0x680;
	[sflag:s14] =	ssyncadd.s32 $0xFFFFC000  }
0x282: {  	s30 =	simm.s32 $0xF00;
	s15 =	simm.s32 $0xE00;
	_ =	swait.ge [sflag:s1], $0x4000  }
0x283: {  	s19 =	simm.s32 $0xD00;
	s25 =	simm.s32 $0xF80;
	[sflag:s1] =	ssyncset.done $0x0  }
0x284: {  	s5 =	simm.s32 $0xF80;
	s7 =	simm.s32 $0x700;
	[sflag:s1] =	ssyncadd.s32 $0xFFFFC000  }
0x285: {  	[spmem:s2] =	stream.indirect.scatter.add.f32 [tilespmem:s31], [sflag:$0x3], $0x80, s25, s16, $0xb8;
	[tilespmem:$0x1D280] =	vst v63  }
0x286: {  	s10 =	simm.s32 $0xE80;
	s11 =	simm.s32 $0x780;
	_ =	swait.ge [sflag:s14], $0x4000  }
0x287: {  	s22 =	simm.s32 $0x100;
	s23 =	simm.s32 $0x200;
	[sflag:s14] =	ssyncset.done $0x0  }
.LBB2_4:
0x288: {  	s25 =	sadd.s32 s22, s20  }
0x289: {  	[sflag:s14] =	ssyncadd.s32 $0xFFFFC000;
	s4 =	smov.u32 s23;
	s24 =	sadd.s32 $0x100, s23  }
0x28a: {  	[tilespmem:s3], [sflag:$0x3] =	stream.linear.gather [hbm4b:s25+s3], $0x800, $0x38;
	[tilespmem:$0x1D280] =	vst v63  }
0x28b: {  	p0 =	sne.s32 s23, $0x900;
	_ =	swait.ge [sflag:s14], $0x800  }
0x28c: {  	s23 =	sadd.s32 s22, s21;
	[sflag:s14] =	ssyncset.done $0x0  }
0x28d: {  	s22 =	smov.u32 s4;
	s4 =	simm.s32 $0x800;
	[sflag:s14] =	ssyncadd.s32 $0xFFFFF800  }
0x28e: {  	[tilespmem:s4], [sflag:$0x3] =	stream.linear.gather [hbm4b:s23+s3], $0x800, $0x38;
	[tilespmem:$0x1D280] =	vst v63  }
0x28f: {  	_ =	swait.ge [sflag:s14], $0x800  }
0x290: {  	[sflag:s14] =	ssyncset.done $0x0  }
0x291: {  	[sflag:s14] =	ssyncadd.s32 $0xFFFFF800  }
0x292: {  	[tilespmem:s17], [sflag:$0x1] =	stream.indirect.gather [hbm4b:s9+s16], $0x80, s3, s16, $0xb8;
	[tilespmem:$0x1D280] =	vst v63  }
0x293: {  	_ = 	snop  }
0x294: {  	[tilespmem:s31], [sflag:$0x2] =	stream.indirect.gather [hbm4b:s9+s16], $0x80, s16, s16, $0xb8;
	[tilespmem:$0x1D280] =	vst v63  }
0x295: {  	_ =	swait.ge [sflag:s18], $0x4000  }
0x296: {  	[sflag:s18] =	ssyncset.done $0x0  }
0x297: {  	[sflag:s18] =	ssyncadd.s32 $0xFFFFC000  }
0x298: {  	[spmem:s2] =	stream.indirect.scatter.add.f32 [tilespmem:s17], [sflag:$0x3], $0x80, s4, s16, $0xb8;
	[tilespmem:$0x1D280] =	vst v63  }
0x299: {  	_ =	swait.ge [sflag:s14], $0x4000  }
0x29a: {  	[sflag:s14] =	ssyncset.done $0x0  }
0x29b: {  	s4 =	simm.s32 $0x100;
	[sflag:s14] =	ssyncadd.s32 $0xFFFFC000  }
0x29c: {  	[tilespmem:s17], [sflag:$0x1] =	stream.indirect.gather [hbm4b:s9+s16], $0x80, s4, s16, $0xb8;
	[tilespmem:$0x1D280] =	vst v63  }
0x29d: {  	_ =	swait.ge [sflag:s1], $0x4000  }
0x29e: {  	[sflag:s1] =	ssyncset.done $0x0  }
0x29f: {  	s4 =	simm.s32 $0x880;
	[sflag:s1] =	ssyncadd.s32 $0xFFFFC000  }
0x2a0: {  	[spmem:s2] =	stream.indirect.scatter.add.f32 [tilespmem:s31], [sflag:$0x3], $0x80, s4, s16, $0xb8;
	[tilespmem:$0x1D280] =	vst v63  }
0x2a1: {  	_ =	swait.ge [sflag:s14], $0x4000  }
0x2a2: {  	[sflag:s14] =	ssyncset.done $0x0  }
0x2a3: {  	s4 =	simm.s32 $0x180;
	[sflag:s14] =	ssyncadd.s32 $0xFFFFC000  }
0x2a4: {  	[tilespmem:s31], [sflag:$0x2] =	stream.indirect.gather [hbm4b:s9+s16], $0x80, s4, s16, $0xb8;
	[tilespmem:$0x1D280] =	vst v63  }
0x2a5: {  	_ =	swait.ge [sflag:s18], $0x4000  }
0x2a6: {  	[sflag:s18] =	ssyncset.done $0x0  }
0x2a7: {  	s4 =	simm.s32 $0x900;
	[sflag:s18] =	ssyncadd.s32 $0xFFFFC000  }
0x2a8: {  	[spmem:s2] =	stream.indirect.scatter.add.f32 [tilespmem:s17], [sflag:$0x3], $0x80, s4, s16, $0xb8;
	[tilespmem:$0x1D280] =	vst v63  }
0x2a9: {  	_ =	swait.ge [sflag:s14], $0x4000  }
0x2aa: {  	[sflag:s14] =	ssyncset.done $0x0  }
0x2ab: {  	s4 =	simm.s32 $0x200;
	[sflag:s14] =	ssyncadd.s32 $0xFFFFC000  }
0x2ac: {  	[tilespmem:s17], [sflag:$0x1] =	stream.indirect.gather [hbm4b:s9+s16], $0x80, s4, s16, $0xb8;
	[tilespmem:$0x1D280] =	vst v63  }
0x2ad: {  	_ =	swait.ge [sflag:s1], $0x4000  }
0x2ae: {  	[sflag:s1] =	ssyncset.done $0x0  }
0x2af: {  	s4 =	simm.s32 $0x980;
	[sflag:s1] =	ssyncadd.s32 $0xFFFFC000  }
0x2b0: {  	[spmem:s2] =	stream.indirect.scatter.add.f32 [tilespmem:s31], [sflag:$0x3], $0x80, s4, s16, $0xb8;
	[tilespmem:$0x1D280] =	vst v63  }
0x2b1: {  	_ =	swait.ge [sflag:s14], $0x4000  }
0x2b2: {  	[sflag:s14] =	ssyncset.done $0x0  }
0x2b3: {  	s4 =	simm.s32 $0x280;
	[sflag:s14] =	ssyncadd.s32 $0xFFFFC000  }
0x2b4: {  	[tilespmem:s31], [sflag:$0x2] =	stream.indirect.gather [hbm4b:s9+s16], $0x80, s4, s16, $0xb8;
	[tilespmem:$0x1D280] =	vst v63  }
0x2b5: {  	_ =	swait.ge [sflag:s18], $0x4000  }
0x2b6: {  	[sflag:s18] =	ssyncset.done $0x0  }
0x2b7: {  	s4 =	simm.s32 $0xA00;
	[sflag:s18] =	ssyncadd.s32 $0xFFFFC000  }
0x2b8: {  	[spmem:s2] =	stream.indirect.scatter.add.f32 [tilespmem:s17], [sflag:$0x3], $0x80, s4, s16, $0xb8;
	[tilespmem:$0x1D280] =	vst v63  }
0x2b9: {  	_ =	swait.ge [sflag:s14], $0x4000  }
0x2ba: {  	[sflag:s14] =	ssyncset.done $0x0  }
0x2bb: {  	s4 =	simm.s32 $0x300;
	[sflag:s14] =	ssyncadd.s32 $0xFFFFC000  }
0x2bc: {  	[tilespmem:s17], [sflag:$0x1] =	stream.indirect.gather [hbm4b:s9+s16], $0x80, s4, s16, $0xb8;
	[tilespmem:$0x1D280] =	vst v63  }
0x2bd: {  	_ =	swait.ge [sflag:s1], $0x4000  }
0x2be: {  	[sflag:s1] =	ssyncset.done $0x0  }
0x2bf: {  	s4 =	simm.s32 $0xA80;
	[sflag:s1] =	ssyncadd.s32 $0xFFFFC000  }
0x2c0: {  	[spmem:s2] =	stream.indirect.scatter.add.f32 [tilespmem:s31], [sflag:$0x3], $0x80, s4, s16, $0xb8;
	[tilespmem:$0x1D280] =	vst v63  }
0x2c1: {  	_ =	swait.ge [sflag:s14], $0x4000  }
0x2c2: {  	[sflag:s14] =	ssyncset.done $0x0  }
0x2c3: {  	s4 =	simm.s32 $0x380;
	[sflag:s14] =	ssyncadd.s32 $0xFFFFC000  }
0x2c4: {  	[tilespmem:s31], [sflag:$0x2] =	stream.indirect.gather [hbm4b:s9+s16], $0x80, s4, s16, $0xb8;
	[tilespmem:$0x1D280] =	vst v63  }
0x2c5: {  	_ =	swait.ge [sflag:s18], $0x4000  }
0x2c6: {  	[sflag:s18] =	ssyncset.done $0x0  }
0x2c7: {  	s4 =	simm.s32 $0xB00;
	[sflag:s18] =	ssyncadd.s32 $0xFFFFC000  }
0x2c8: {  	[spmem:s2] =	stream.indirect.scatter.add.f32 [tilespmem:s17], [sflag:$0x3], $0x80, s4, s16, $0xb8;
	[tilespmem:$0x1D280] =	vst v63  }
0x2c9: {  	_ =	swait.ge [sflag:s14], $0x4000  }
0x2ca: {  	[sflag:s14] =	ssyncset.done $0x0  }
0x2cb: {  	s4 =	simm.s32 $0x400;
	[sflag:s14] =	ssyncadd.s32 $0xFFFFC000  }
0x2cc: {  	[tilespmem:s17], [sflag:$0x1] =	stream.indirect.gather [hbm4b:s9+s16], $0x80, s4, s16, $0xb8;
	[tilespmem:$0x1D280] =	vst v63  }
0x2cd: {  	_ =	swait.ge [sflag:s1], $0x4000  }
0x2ce: {  	[sflag:s1] =	ssyncset.done $0x0  }
0x2cf: {  	s4 =	simm.s32 $0xB80;
	[sflag:s1] =	ssyncadd.s32 $0xFFFFC000  }
0x2d0: {  	[spmem:s2] =	stream.indirect.scatter.add.f32 [tilespmem:s31], [sflag:$0x3], $0x80, s4, s16, $0xb8;
	[tilespmem:$0x1D280] =	vst v63  }
0x2d1: {  	_ =	swait.ge [sflag:s14], $0x4000  }
0x2d2: {  	[sflag:s14] =	ssyncset.done $0x0  }
0x2d3: {  	s4 =	simm.s32 $0x480;
	[sflag:s14] =	ssyncadd.s32 $0xFFFFC000  }
0x2d4: {  	[tilespmem:s31], [sflag:$0x2] =	stream.indirect.gather [hbm4b:s9+s16], $0x80, s4, s16, $0xb8;
	[tilespmem:$0x1D280] =	vst v63  }
0x2d5: {  	_ =	swait.ge [sflag:s18], $0x4000  }
0x2d6: {  	[sflag:s18] =	ssyncset.done $0x0  }
0x2d7: {  	[sflag:s18] =	ssyncadd.s32 $0xFFFFC000  }
0x2d8: {  	[spmem:s2] =	stream.indirect.scatter.add.f32 [tilespmem:s17], [sflag:$0x3], $0x80, s6, s16, $0xb8;
	[tilespmem:$0x1D280] =	vst v63  }
0x2d9: {  	_ =	swait.ge [sflag:s14], $0x4000  }
0x2da: {  	[sflag:s14] =	ssyncset.done $0x0  }
0x2db: {  	[sflag:s14] =	ssyncadd.s32 $0xFFFFC000  }
0x2dc: {  	[tilespmem:s17], [sflag:$0x1] =	stream.indirect.gather [hbm4b:s9+s16], $0x80, s13, s16, $0xb8;
	[tilespmem:$0x1D280] =	vst v63  }
0x2dd: {  	_ =	swait.ge [sflag:s1], $0x4000  }
0x2de: {  	[sflag:s1] =	ssyncset.done $0x0  }
0x2df: {  	[sflag:s1] =	ssyncadd.s32 $0xFFFFC000  }
0x2e0: {  	[spmem:s2] =	stream.indirect.scatter.add.f32 [tilespmem:s31], [sflag:$0x3], $0x80, s12, s16, $0xb8;
	[tilespmem:$0x1D280] =	vst v63  }
0x2e1: {  	_ =	swait.ge [sflag:s14], $0x4000  }
0x2e2: {  	[sflag:s14] =	ssyncset.done $0x0  }
0x2e3: {  	[sflag:s14] =	ssyncadd.s32 $0xFFFFC000  }
0x2e4: {  	[tilespmem:s31], [sflag:$0x2] =	stream.indirect.gather [hbm4b:s9+s16], $0x80, s0, s16, $0xb8;
	[tilespmem:$0x1D280] =	vst v63  }
0x2e5: {  	_ =	swait.ge [sflag:s18], $0x4000  }
0x2e6: {  	[sflag:s18] =	ssyncset.done $0x0  }
0x2e7: {  	[sflag:s18] =	ssyncadd.s32 $0xFFFFC000  }
0x2e8: {  	[spmem:s2] =	stream.indirect.scatter.add.f32 [tilespmem:s17], [sflag:$0x3], $0x80, s19, s16, $0xb8;
	[tilespmem:$0x1D280] =	vst v63  }
0x2e9: {  	_ =	swait.ge [sflag:s14], $0x4000  }
0x2ea: {  	[sflag:s14] =	ssyncset.done $0x0  }
0x2eb: {  	[sflag:s14] =	ssyncadd.s32 $0xFFFFC000  }
0x2ec: {  	[tilespmem:s17], [sflag:$0x1] =	stream.indirect.gather [hbm4b:s9+s16], $0x80, s26, s16, $0xb8;
	[tilespmem:$0x1D280] =	vst v63  }
0x2ed: {  	_ =	swait.ge [sflag:s1], $0x4000  }
0x2ee: {  	[sflag:s1] =	ssyncset.done $0x0  }
0x2ef: {  	[sflag:s1] =	ssyncadd.s32 $0xFFFFC000  }
0x2f0: {  	[spmem:s2] =	stream.indirect.scatter.add.f32 [tilespmem:s31], [sflag:$0x3], $0x80, s28, s16, $0xb8;
	[tilespmem:$0x1D280] =	vst v63  }
0x2f1: {  	_ =	swait.ge [sflag:s14], $0x4000  }
0x2f2: {  	[sflag:s14] =	ssyncset.done $0x0  }
0x2f3: {  	[sflag:s14] =	ssyncadd.s32 $0xFFFFC000  }
0x2f4: {  	[tilespmem:s31], [sflag:$0x2] =	stream.indirect.gather [hbm4b:s9+s16], $0x80, s29, s16, $0xb8;
	[tilespmem:$0x1D280] =	vst v63  }
0x2f5: {  	_ =	swait.ge [sflag:s18], $0x4000  }
0x2f6: {  	[sflag:s18] =	ssyncset.done $0x0  }
0x2f7: {  	[sflag:s18] =	ssyncadd.s32 $0xFFFFC000  }
0x2f8: {  	[spmem:s2] =	stream.indirect.scatter.add.f32 [tilespmem:s17], [sflag:$0x3], $0x80, s15, s16, $0xb8;
	[tilespmem:$0x1D280] =	vst v63  }
0x2f9: {  	_ =	swait.ge [sflag:s14], $0x4000  }
0x2fa: {  	[sflag:s14] =	ssyncset.done $0x0  }
0x2fb: {  	[sflag:s14] =	ssyncadd.s32 $0xFFFFC000  }
0x2fc: {  	[tilespmem:s17], [sflag:$0x1] =	stream.indirect.gather [hbm4b:s9+s16], $0x80, s7, s16, $0xb8;
	[tilespmem:$0x1D280] =	vst v63  }
0x2fd: {  	_ =	swait.ge [sflag:s1], $0x4000  }
0x2fe: {  	[sflag:s1] =	ssyncset.done $0x0  }
0x2ff: {  	[sflag:s1] =	ssyncadd.s32 $0xFFFFC000  }
0x300: {  	[spmem:s2] =	stream.indirect.scatter.add.f32 [tilespmem:s31], [sflag:$0x3], $0x80, s10, s16, $0xb8;
	[tilespmem:$0x1D280] =	vst v63  }
0x301: {  	_ =	swait.ge [sflag:s14], $0x4000  }
0x302: {  	[sflag:s14] =	ssyncset.done $0x0  }
0x303: {  	[sflag:s14] =	ssyncadd.s32 $0xFFFFC000  }
0x304: {  	[tilespmem:s31], [sflag:$0x2] =	stream.indirect.gather [hbm4b:s9+s16], $0x80, s11, s16, $0xb8;
	[tilespmem:$0x1D280] =	vst v63  }
0x305: {  	_ =	swait.ge [sflag:s18], $0x4000  }
0x306: {  	[sflag:s18] =	ssyncset.done $0x0  }
0x307: {  	[sflag:s18] =	ssyncadd.s32 $0xFFFFC000  }
0x308: {  	[spmem:s2] =	stream.indirect.scatter.add.f32 [tilespmem:s17], [sflag:$0x3], $0x80, s30, s16, $0xb8;
	[tilespmem:$0x1D280] =	vst v63  }
0x309: {  	_ =	swait.ge [sflag:s14], $0x4000  }
0x30a: {  	[sflag:s14] =	ssyncset.done $0x0  }
0x30b: {  	[sflag:s14] =	ssyncadd.s32 $0xFFFFC000  }
0x30c: {  	_ =	swait.ge [sflag:s1], $0x4000  }
.Ltmp1:
0x30d: {  	[sflag:s1] =	ssyncset.done $0x0;
	(pc) =	sbr.rel @p0 .LBB2_4-.Ltmp1, $4  }
0x30e: {  	[sflag:s1] =	ssyncadd.s32 $0xFFFFC000  }
0x30f: {  	[spmem:s2] =	stream.indirect.scatter.add.f32 [tilespmem:s31], [sflag:$0x3], $0x80, s5, s16, $0xb8;
	[tilespmem:$0x1D280] =	vst v63  }
0x310: {  	_ =	swait.ge [sflag:s14], $0x4000  }
0x311: {  	s23 =	smov.u32 s24;
	[sflag:s14] =	ssyncset.done $0x0  }
0x312: {  	s4 =	sadd.s32 s22, s20;
	[sflag:s14] =	ssyncadd.s32 $0xFFFFC000  }
0x313: {  	[tilespmem:s3], [sflag:$0x3] =	stream.linear.gather [hbm4b:s4+s3], $0x800, $0x38;
	[tilespmem:$0x1D280] =	vst v63  }
0x314: {  	_ =	swait.ge [sflag:s14], $0x800  }
0x315: {  	[sflag:s14] =	ssyncset.done $0x0  }
0x316: {  	s24 =	sadd.s32 s22, s21;
	s25 =	simm.s32 $0x800;
	[sflag:s14] =	ssyncadd.s32 $0xFFFFF800  }
0x317: {  	[tilespmem:s25], [sflag:$0x3] =	stream.linear.gather [hbm4b:s24+s3], $0x800, $0x38;
	[tilespmem:$0x1D280] =	vst v63  }
0x318: {  	_ =	swait.ge [sflag:s14], $0x800  }
0x319: {  	[sflag:s14] =	ssyncset.done $0x0  }
0x31a: {  	[sflag:s14] =	ssyncadd.s32 $0xFFFFF800  }
0x31b: {  	[tilespmem:s17], [sflag:$0x1] =	stream.indirect.gather [hbm4b:s9+s16], $0x80, s3, s16, $0xb8;
	[tilespmem:$0x1D280] =	vst v63  }
0x31c: {  	_ = 	snop  }
0x31d: {  	[tilespmem:s31], [sflag:$0x2] =	stream.indirect.gather [hbm4b:s9+s16], $0x80, s16, s16, $0xb8;
	[tilespmem:$0x1D280] =	vst v63  }
0x31e: {  	_ =	swait.ge [sflag:s18], $0x4000  }
0x31f: {  	[sflag:s18] =	ssyncset.done $0x0  }
0x320: {  	[sflag:s18] =	ssyncadd.s32 $0xFFFFC000  }
0x321: {  	[spmem:s2] =	stream.indirect.scatter.add.f32 [tilespmem:s17], [sflag:$0x3], $0x80, s25, s16, $0xb8;
	[tilespmem:$0x1D280] =	vst v63  }
0x322: {  	_ =	swait.ge [sflag:s14], $0x4000  }
0x323: {  	[sflag:s14] =	ssyncset.done $0x0  }
0x324: {  	s20 =	simm.s32 $0x100;
	[sflag:s14] =	ssyncadd.s32 $0xFFFFC000  }
0x325: {  	[tilespmem:s17], [sflag:$0x1] =	stream.indirect.gather [hbm4b:s9+s16], $0x80, s20, s16, $0xb8;
	[tilespmem:$0x1D280] =	vst v63  }
0x326: {  	_ =	swait.ge [sflag:s1], $0x4000  }
0x327: {  	[sflag:s1] =	ssyncset.done $0x0  }
0x328: {  	s21 =	simm.s32 $0x880;
	[sflag:s1] =	ssyncadd.s32 $0xFFFFC000  }
0x329: {  	[spmem:s2] =	stream.indirect.scatter.add.f32 [tilespmem:s31], [sflag:$0x3], $0x80, s21, s16, $0xb8;
	[tilespmem:$0x1D280] =	vst v63  }
0x32a: {  	_ =	swait.ge [sflag:s14], $0x4000  }
0x32b: {  	[sflag:s14] =	ssyncset.done $0x0  }
0x32c: {  	s22 =	simm.s32 $0x180;
	[sflag:s14] =	ssyncadd.s32 $0xFFFFC000  }
0x32d: {  	[tilespmem:s31], [sflag:$0x2] =	stream.indirect.gather [hbm4b:s9+s16], $0x80, s22, s16, $0xb8;
	[tilespmem:$0x1D280] =	vst v63  }
0x32e: {  	_ =	swait.ge [sflag:s18], $0x4000  }
0x32f: {  	[sflag:s18] =	ssyncset.done $0x0  }
0x330: {  	s23 =	simm.s32 $0x900;
	[sflag:s18] =	ssyncadd.s32 $0xFFFFC000  }
0x331: {  	[spmem:s2] =	stream.indirect.scatter.add.f32 [tilespmem:s17], [sflag:$0x3], $0x80, s23, s16, $0xb8;
	[tilespmem:$0x1D280] =	vst v63  }
0x332: {  	_ =	swait.ge [sflag:s14], $0x4000  }
0x333: {  	[sflag:s14] =	ssyncset.done $0x0  }
0x334: {  	s24 =	simm.s32 $0x200;
	[sflag:s14] =	ssyncadd.s32 $0xFFFFC000  }
0x335: {  	[tilespmem:s17], [sflag:$0x1] =	stream.indirect.gather [hbm4b:s9+s16], $0x80, s24, s16, $0xb8;
	[tilespmem:$0x1D280] =	vst v63  }
0x336: {  	_ =	swait.ge [sflag:s1], $0x4000  }
0x337: {  	[sflag:s1] =	ssyncset.done $0x0  }
0x338: {  	s25 =	simm.s32 $0x980;
	[sflag:s1] =	ssyncadd.s32 $0xFFFFC000  }
0x339: {  	[spmem:s2] =	stream.indirect.scatter.add.f32 [tilespmem:s31], [sflag:$0x3], $0x80, s25, s16, $0xb8;
	[tilespmem:$0x1D280] =	vst v63  }
0x33a: {  	_ =	swait.ge [sflag:s14], $0x4000  }
0x33b: {  	[sflag:s14] =	ssyncset.done $0x0  }
0x33c: {  	s20 =	simm.s32 $0x280;
	[sflag:s14] =	ssyncadd.s32 $0xFFFFC000  }
0x33d: {  	[tilespmem:s31], [sflag:$0x2] =	stream.indirect.gather [hbm4b:s9+s16], $0x80, s20, s16, $0xb8;
	[tilespmem:$0x1D280] =	vst v63  }
0x33e: {  	_ =	swait.ge [sflag:s18], $0x4000  }
0x33f: {  	[sflag:s18] =	ssyncset.done $0x0  }
0x340: {  	s21 =	simm.s32 $0xA00;
	[sflag:s18] =	ssyncadd.s32 $0xFFFFC000  }
0x341: {  	[spmem:s2] =	stream.indirect.scatter.add.f32 [tilespmem:s17], [sflag:$0x3], $0x80, s21, s16, $0xb8;
	[tilespmem:$0x1D280] =	vst v63  }
0x342: {  	_ =	swait.ge [sflag:s14], $0x4000  }
0x343: {  	[sflag:s14] =	ssyncset.done $0x0  }
0x344: {  	s22 =	simm.s32 $0x300;
	[sflag:s14] =	ssyncadd.s32 $0xFFFFC000  }
0x345: {  	[tilespmem:s17], [sflag:$0x1] =	stream.indirect.gather [hbm4b:s9+s16], $0x80, s22, s16, $0xb8;
	[tilespmem:$0x1D280] =	vst v63  }
0x346: {  	_ =	swait.ge [sflag:s1], $0x4000  }
0x347: {  	[sflag:s1] =	ssyncset.done $0x0  }
0x348: {  	s23 =	simm.s32 $0xA80;
	[sflag:s1] =	ssyncadd.s32 $0xFFFFC000  }
0x349: {  	[spmem:s2] =	stream.indirect.scatter.add.f32 [tilespmem:s31], [sflag:$0x3], $0x80, s23, s16, $0xb8;
	[tilespmem:$0x1D280] =	vst v63  }
0x34a: {  	_ =	swait.ge [sflag:s14], $0x4000  }
0x34b: {  	[sflag:s14] =	ssyncset.done $0x0  }
0x34c: {  	s24 =	simm.s32 $0x380;
	[sflag:s14] =	ssyncadd.s32 $0xFFFFC000  }
0x34d: {  	[tilespmem:s31], [sflag:$0x2] =	stream.indirect.gather [hbm4b:s9+s16], $0x80, s24, s16, $0xb8;
	[tilespmem:$0x1D280] =	vst v63  }
0x34e: {  	_ =	swait.ge [sflag:s18], $0x4000  }
0x34f: {  	[sflag:s18] =	ssyncset.done $0x0  }
0x350: {  	s25 =	simm.s32 $0xB00;
	[sflag:s18] =	ssyncadd.s32 $0xFFFFC000  }
0x351: {  	[spmem:s2] =	stream.indirect.scatter.add.f32 [tilespmem:s17], [sflag:$0x3], $0x80, s25, s16, $0xb8;
	[tilespmem:$0x1D280] =	vst v63  }
0x352: {  	_ =	swait.ge [sflag:s14], $0x4000  }
0x353: {  	[sflag:s14] =	ssyncset.done $0x0  }
0x354: {  	s20 =	simm.s32 $0x400;
	[sflag:s14] =	ssyncadd.s32 $0xFFFFC000  }
0x355: {  	[tilespmem:s17], [sflag:$0x1] =	stream.indirect.gather [hbm4b:s9+s16], $0x80, s20, s16, $0xb8;
	[tilespmem:$0x1D280] =	vst v63  }
0x356: {  	_ =	swait.ge [sflag:s1], $0x4000  }
0x357: {  	[sflag:s1] =	ssyncset.done $0x0  }
0x358: {  	s21 =	simm.s32 $0xB80;
	[sflag:s1] =	ssyncadd.s32 $0xFFFFC000  }
0x359: {  	[spmem:s2] =	stream.indirect.scatter.add.f32 [tilespmem:s31], [sflag:$0x3], $0x80, s21, s16, $0xb8;
	[tilespmem:$0x1D280] =	vst v63  }
0x35a: {  	_ =	swait.ge [sflag:s14], $0x4000  }
0x35b: {  	[sflag:s14] =	ssyncset.done $0x0  }
0x35c: {  	s22 =	simm.s32 $0x480;
	[sflag:s14] =	ssyncadd.s32 $0xFFFFC000  }
0x35d: {  	[tilespmem:s31], [sflag:$0x2] =	stream.indirect.gather [hbm4b:s9+s16], $0x80, s22, s16, $0xb8;
	[tilespmem:$0x1D280] =	vst v63  }
0x35e: {  	_ =	swait.ge [sflag:s18], $0x4000  }
0x35f: {  	[sflag:s18] =	ssyncset.done $0x0  }
0x360: {  	[sflag:s18] =	ssyncadd.s32 $0xFFFFC000  }
0x361: {  	[spmem:s2] =	stream.indirect.scatter.add.f32 [tilespmem:s17], [sflag:$0x3], $0x80, s6, s16, $0xb8;
	[tilespmem:$0x1D280] =	vst v63  }
0x362: {  	_ =	swait.ge [sflag:s14], $0x4000  }
0x363: {  	[sflag:s14] =	ssyncset.done $0x0  }
0x364: {  	[sflag:s14] =	ssyncadd.s32 $0xFFFFC000  }
0x365: {  	[tilespmem:s17], [sflag:$0x1] =	stream.indirect.gather [hbm4b:s9+s16], $0x80, s13, s16, $0xb8;
	[tilespmem:$0x1D280] =	vst v63  }
0x366: {  	_ =	swait.ge [sflag:s1], $0x4000  }
0x367: {  	[sflag:s1] =	ssyncset.done $0x0  }
0x368: {  	[sflag:s1] =	ssyncadd.s32 $0xFFFFC000  }
0x369: {  	[spmem:s2] =	stream.indirect.scatter.add.f32 [tilespmem:s31], [sflag:$0x3], $0x80, s12, s16, $0xb8;
	[tilespmem:$0x1D280] =	vst v63  }
0x36a: {  	_ =	swait.ge [sflag:s14], $0x4000  }
0x36b: {  	[sflag:s14] =	ssyncset.done $0x0  }
0x36c: {  	[sflag:s14] =	ssyncadd.s32 $0xFFFFC000  }
0x36d: {  	[tilespmem:s31], [sflag:$0x2] =	stream.indirect.gather [hbm4b:s9+s16], $0x80, s0, s16, $0xb8;
	[tilespmem:$0x1D280] =	vst v63  }
0x36e: {  	_ =	swait.ge [sflag:s18], $0x4000  }
0x36f: {  	[sflag:s18] =	ssyncset.done $0x0  }
0x370: {  	[sflag:s18] =	ssyncadd.s32 $0xFFFFC000  }
0x371: {  	[spmem:s2] =	stream.indirect.scatter.add.f32 [tilespmem:s17], [sflag:$0x3], $0x80, s19, s16, $0xb8;
	[tilespmem:$0x1D280] =	vst v63  }
0x372: {  	_ =	swait.ge [sflag:s14], $0x4000  }
0x373: {  	[sflag:s14] =	ssyncset.done $0x0  }
0x374: {  	[sflag:s14] =	ssyncadd.s32 $0xFFFFC000  }
0x375: {  	[tilespmem:s17], [sflag:$0x1] =	stream.indirect.gather [hbm4b:s9+s16], $0x80, s26, s16, $0xb8;
	[tilespmem:$0x1D280] =	vst v63  }
0x376: {  	_ =	swait.ge [sflag:s1], $0x4000  }
0x377: {  	[sflag:s1] =	ssyncset.done $0x0  }
0x378: {  	[sflag:s1] =	ssyncadd.s32 $0xFFFFC000  }
0x379: {  	[spmem:s2] =	stream.indirect.scatter.add.f32 [tilespmem:s31], [sflag:$0x3], $0x80, s28, s16, $0xb8;
	[tilespmem:$0x1D280] =	vst v63  }
0x37a: {  	_ =	swait.ge [sflag:s14], $0x4000  }
0x37b: {  	[sflag:s14] =	ssyncset.done $0x0  }
0x37c: {  	[sflag:s14] =	ssyncadd.s32 $0xFFFFC000  }
0x37d: {  	[tilespmem:s31], [sflag:$0x2] =	stream.indirect.gather [hbm4b:s9+s16], $0x80, s29, s16, $0xb8;
	[tilespmem:$0x1D280] =	vst v63  }
0x37e: {  	_ =	swait.ge [sflag:s18], $0x4000  }
0x37f: {  	[sflag:s18] =	ssyncset.done $0x0  }
0x380: {  	[sflag:s18] =	ssyncadd.s32 $0xFFFFC000  }
0x381: {  	[spmem:s2] =	stream.indirect.scatter.add.f32 [tilespmem:s17], [sflag:$0x3], $0x80, s15, s16, $0xb8;
	[tilespmem:$0x1D280] =	vst v63  }
0x382: {  	_ =	swait.ge [sflag:s14], $0x4000  }
0x383: {  	[sflag:s14] =	ssyncset.done $0x0  }
0x384: {  	[sflag:s14] =	ssyncadd.s32 $0xFFFFC000  }
0x385: {  	[tilespmem:s17], [sflag:$0x1] =	stream.indirect.gather [hbm4b:s9+s16], $0x80, s7, s16, $0xb8;
	[tilespmem:$0x1D280] =	vst v63  }
0x386: {  	_ =	swait.ge [sflag:s1], $0x4000  }
0x387: {  	[sflag:s1] =	ssyncset.done $0x0  }
0x388: {  	[sflag:s1] =	ssyncadd.s32 $0xFFFFC000  }
0x389: {  	[spmem:s2] =	stream.indirect.scatter.add.f32 [tilespmem:s31], [sflag:$0x3], $0x80, s10, s16, $0xb8;
	[tilespmem:$0x1D280] =	vst v63  }
0x38a: {  	_ =	swait.ge [sflag:s14], $0x4000  }
0x38b: {  	[sflag:s14] =	ssyncset.done $0x0  }
0x38c: {  	[sflag:s14] =	ssyncadd.s32 $0xFFFFC000  }
0x38d: {  	[tilespmem:s31], [sflag:$0x2] =	stream.indirect.gather [hbm4b:s9+s16], $0x80, s11, s16, $0xb8;
	[tilespmem:$0x1D280] =	vst v63  }
0x38e: {  	_ =	swait.ge [sflag:s18], $0x4000  }
0x38f: {  	[sflag:s18] =	ssyncset.done $0x0  }
0x390: {  	[sflag:s18] =	ssyncadd.s32 $0xFFFFC000  }
0x391: {  	[spmem:s2] =	stream.indirect.scatter.add.f32 [tilespmem:s17], [sflag:$0x3], $0x80, s30, s16, $0xb8;
	[tilespmem:$0x1D280] =	vst v63  }
0x392: {  	_ =	swait.ge [sflag:s14], $0x4000  }
0x393: {  	[sflag:s14] =	ssyncset.done $0x0  }
0x394: {  	[sflag:s14] =	ssyncadd.s32 $0xFFFFC000  }
0x395: {  	_ =	swait.ge [sflag:s1], $0x4000  }
0x396: {  	[sflag:s1] =	ssyncset.done $0x0  }
0x397: {  	[sflag:s1] =	ssyncadd.s32 $0xFFFFC000  }
0x398: {  	[spmem:s2] =	stream.indirect.scatter.add.f32 [tilespmem:s31], [sflag:$0x3], $0x80, s5, s16, $0xb8;
	[tilespmem:$0x1D280] =	vst v63  }
0x399: {  	_ =	swait.ge [sflag:s14], $0x4000  }
0x39a: {  	[sflag:s14] =	ssyncset.done $0x0  }
0x39b: {  	[sflag:s14] =	ssyncadd.s32 $0xFFFFC000  }
0x39c: {  	[bflag:$0x0] =	sbarrier.arrive $0xFFFF  }
0x39d: {  	s20 =	rddreg [dreg:$0x7]  }
0x39e: {  	s21 =	rddreg [dreg:$0xc]  }
0x39f: {  	s23 =	rddreg [dreg:$0x12]  }
0x3a0: {  	[hbm:s23], [sflag:s20] =	dma.local [spmem:s21], $0x2800  }
0x3a1: {  	_ =	swait.ge [sflag:s14], $0x2800  }
0x3a2: {  	s24 =	rddreg [dreg:$0x13]  }
0x3a3: {  	s25 =	rddreg [dreg:$0xa];
	s22 =	sadd.s32 $0x1, s24  }
0x3a4: {  	p0 =	sne.s32 s22, s25  }
.Ltmp2:
0x3a5: {  	_ = 	snop;
	(pc) =	sbr.rel @p0 .LBB2_1-.Ltmp2, $3  }
0x3a6: {  	_ =	sdelay $0x1  }
0x3a7: {  	[sflag:s14] =	ssyncset.done $0x0  }
0x3a8: {  	[sflag:s14] =	ssyncadd.s32 $0xFFFFD800  }
0x3a9: {  	_ =	sfence.sel $0x180000  }
0x3aa: {  	[bflag:$0x0] =	sbarrier.arrive $0xFFFF  }
0x3ab: {  	_ =	strace $0x90000047  }
0x3ac: {  	s0 =	stileid.u32;
	[bflag:$0x2] =	sbarrier.arrive $0xFFFF  }
0x3ad: {  	p0 =	sne.s32 s0, $0x0;
	s0 =	rddreg [dreg:$0x3]  }
0x3ae: {  	s0 =	sadd.s32 @!p0 $0x100000, s0  }
0x3af: {  	[sflag:s0] =	ssyncadd.tile.s32 @!p0 $0x1;
	_ =	shalt  }
.Lfunc_end2:
_tile_overlayer_lowered:
.L_overlay_start_2:
0x3b0: {  	(tag) =	ssettag $0x2  }
0x3b1: {  	s0 =	rddreg [dreg:$0x0];
	s2 =	stileid.u32  }
0x3b2: {  	s1 =	rddreg [dreg:$0x1];
	p0 =	sne.s32 s2, $0x0  }
0x3b3: {  	s3 =	rddreg [dreg:$0x2];
	[bflag:$0x3] =	sbarrier.arrive $0xFFFF;
	s2 =	simm.s32 @!p0 $0x1C03  }
0x3b4: {  	[timem:s3], [sflag:s2] =	dma.local @!p0 [hbm:s0], s1  }
0x3b5: {  	s0 =	simm.s32 @!p0 $0x3  }
0x3b6: {  	_ =	swait.ge @!p0 [sflag:s0], s1  }
0x3b7: {  	s1 =	ssub.s32 @!p0 $0x0, s1;
	[sflag:s0] =	ssyncset.done @!p0 $0x0  }
0x3b8: {  	[sflag:s0] =	ssyncadd.s32 @!p0 s1  }
0x3b9: {  	[bflag:$0x3] =	sbarrier.arrive $0xFFFF  }
0x3ba: {  	_ =	shalt  }

</sc_bundles>
